<compile_context>
chip_gen: v7x
topology: tpu7x:2x2x1
jax: 0.10.2.dev20260603
libtpu: 0.0.44.dev20260713+nightly
codegen_flags: <defaults>
</compile_context>

<pallas_src>
import functools

import jax
import jax.numpy as jnp
from jax import lax
from jax.experimental import pallas as pl
from jax.experimental.pallas import tpu as pltpu
from jax.experimental.pallas import tpu_sc as plsc

N = 10000
E = 160000
D_IN = 128
LAM = 1.0
ALP = 1.0 / (1.0 + LAM)
PROP = 64

NPAD = 10240
NT = 16
ROWS_PT = NPAD // NT
EDG_PT = E // NT
CH = 128
NCH = 79
EPAD = NCH * CH - EDG_PT
DH = 16

_mesh = plsc.VectorSubcoreMesh(core_axis_name="c", subcore_axis_name="s")


@functools.partial(
    pl.kernel,
    out_type=jax.ShapeDtypeStruct((NPAD, DH), jnp.float32),
    mesh=_mesh,
    compiler_params=pltpu.CompilerParams(use_tc_tiling_on_sc=False),
    scratch_types=[
        pltpu.VMEM_SHARED((NPAD, DH), jnp.float32),
        pltpu.VMEM((NCH, CH), jnp.int32),
        pltpu.VMEM((CH, DH), jnp.float32),
        pltpu.VMEM((ROWS_PT, DH), jnp.float32),
    ],
)
def _deg_kernel(dst_hbm, out_hbm, deg_sp, idx_v, ones_v, zstage_v):
    c = lax.axis_index("c")
    s = lax.axis_index("s")

    @pl.when(c == 0)
    def _():
        r0 = s * ROWS_PT

        def fill_z(r, _):
            zstage_v[r, :] = jnp.zeros((DH,), jnp.float32)
            return 0

        lax.fori_loop(0, ROWS_PT, fill_z, 0)

        def fill_o(r, _):
            ones_v[r, :] = jnp.ones((DH,), jnp.float32)
            return 0

        lax.fori_loop(0, CH, fill_o, 0)

        pltpu.sync_copy(dst_hbm.at[s], idx_v)
        pltpu.sync_copy(zstage_v, deg_sp.at[pl.ds(r0, ROWS_PT)])
        plsc.subcore_barrier()

        def body(j, _):
            pltpu.sync_copy(ones_v, deg_sp.at[idx_v.at[j]], add=True)
            return 0

        lax.fori_loop(0, NCH, body, 0)
        plsc.subcore_barrier()

        pltpu.sync_copy(deg_sp.at[pl.ds(r0, ROWS_PT)], zstage_v)
        pltpu.sync_copy(zstage_v, out_hbm.at[pl.ds(r0, ROWS_PT)])


@functools.partial(
    pl.kernel,
    out_type=jax.ShapeDtypeStruct((2, NPAD, DH), jnp.float32),
    mesh=_mesh,
    compiler_params=pltpu.CompilerParams(use_tc_tiling_on_sc=False),
    scratch_types=[
        pltpu.VMEM_SHARED((NPAD, DH), jnp.float32),
        pltpu.VMEM_SHARED((NPAD, DH), jnp.float32),
        pltpu.VMEM((NCH, CH), jnp.int32),
        pltpu.VMEM((NCH, CH), jnp.int32),
        pltpu.VMEM((6, CH, DH), jnp.float32),
        pltpu.VMEM((ROWS_PT, DH), jnp.float32),
        pltpu.VMEM((ROWS_PT, DH), jnp.float32),
        pltpu.VMEM((ROWS_PT, DH), jnp.float32),
        pltpu.VMEM((ROWS_PT, DH), jnp.float32),
        pltpu.VMEM((ROWS_PT, DH), jnp.float32),
        pltpu.SemaphoreType.DMA,
        pltpu.SemaphoreType.DMA,
    ],
)
def _prop_kernel(y0_hbm, b_hbm, s_hbm, src_hbm, dst_hbm, out_hbm,
                 yh_sp, ay_sp, src_v, dst_v, stage_v,
                 yloc, bloc, sloc, ayloc, zbuf, gsem, ssem):
    c = lax.axis_index("c")
    s = lax.axis_index("s")
    r0 = s * ROWS_PT
    rows = pl.ds(r0, ROWS_PT)

    pltpu.sync_copy(src_hbm.at[s], src_v)
    pltpu.sync_copy(dst_hbm.at[s], dst_v)
    pltpu.sync_copy(y0_hbm.at[c, rows], yloc)
    pltpu.sync_copy(b_hbm.at[c, rows], bloc)
    pltpu.sync_copy(s_hbm.at[rows], sloc)

    def init_yh(r, _):
        ayloc[r, :] = sloc[r, :] * yloc[r, :]
        return 0

    lax.fori_loop(0, ROWS_PT, init_yh, 0)
    pltpu.sync_copy(ayloc, yh_sp.at[rows])

    def fill_z(r, _):
        zbuf[r, :] = jnp.zeros((DH,), jnp.float32)
        return 0

    lax.fori_loop(0, ROWS_PT, fill_z, 0)
    pltpu.sync_copy(zbuf, ay_sp.at[rows])
    plsc.subcore_barrier()

    def step(_, carry):
        pltpu.make_async_copy(yh_sp.at[src_v.at[0]], stage_v.at[0], gsem).start()
        pltpu.make_async_copy(yh_sp.at[src_v.at[1]], stage_v.at[1], gsem).start()
        pltpu.make_async_copy(yh_sp.at[src_v.at[2]], stage_v.at[2], gsem).start()

        def chunk(j, _):
            jb = lax.rem(j, 6)
            pltpu.make_async_copy(
                yh_sp.at[src_v.at[j]], stage_v.at[jb], gsem).wait()

            @pl.when(j >= 3)
            def _():
                pltpu.make_async_copy(
                    stage_v.at[lax.rem(j - 3, 6)],
                    ay_sp.at[dst_v.at[j - 3]], ssem).wait()

            @pl.when(j < NCH - 3)
            def _():
                pltpu.make_async_copy(
                    yh_sp.at[src_v.at[j + 3]],
                    stage_v.at[lax.rem(j + 3, 6)], gsem).start()

            pltpu.make_async_copy(
                stage_v.at[jb], ay_sp.at[dst_v.at[j]], ssem).start(add=True)
            return 0

        lax.fori_loop(0, NCH, chunk, 0)

        def drain(j, _):
            pltpu.make_async_copy(
                stage_v.at[lax.rem(j, 6)], ay_sp.at[dst_v.at[j]], ssem).wait()
            return 0

        lax.fori_loop(NCH - 3, NCH, drain, 0)
        plsc.subcore_barrier()

        pltpu.sync_copy(ay_sp.at[rows], ayloc)
        pltpu.sync_copy(zbuf, ay_sp.at[rows])

        def upd(i, _):
            r = 2 * i
            sv0 = sloc[r, :]
            sv1 = sloc[r + 1, :]
            y0 = (0.5 * yloc[r, :] + 0.5 * (sv0 * ayloc[r, :])) + bloc[r, :]
            y1 = (0.5 * yloc[r + 1, :]
                  + 0.5 * (sv1 * ayloc[r + 1, :])) + bloc[r + 1, :]
            yloc[r, :] = y0
            yloc[r + 1, :] = y1
            ayloc[r, :] = sv0 * y0
            ayloc[r + 1, :] = sv1 * y1
            return 0

        lax.fori_loop(0, ROWS_PT // 2, upd, 0)
        pltpu.sync_copy(ayloc, yh_sp.at[rows])
        plsc.subcore_barrier()
        return carry

    lax.fori_loop(0, PROP, step, 0)

    pltpu.sync_copy(yloc, out_hbm.at[c, rows])


def _leaky(v):
    return jnp.where(v > 0, v, 0.01 * v)


def _dot(a, b):
    return jnp.dot(a, b, preferred_element_type=jnp.float32)


BR = 1280
NBR = NPAD // BR


def _prep1_body(x_ref, w1b_ref, b1b_ref, w1a_ref, degb_ref,
                y0_ref, bm_ref, s16_ref):
    deg = degb_ref[:, 0:1]
    dbias = LAM * deg + 1.0
    s = lax.rsqrt(dbias)
    inv1 = 1.0 / dbias
    x1 = _dot(x_ref[...], w1b_ref[...].T) + b1b_ref[0, :]
    z0 = _dot(x1, w1a_ref[...].T)
    bm = ALP * (inv1 * z0)
    y0_ref[0, :, :] = z0[:, :DH]
    y0_ref[1, :, :] = z0[:, DH:]
    bm_ref[0, :, :] = bm[:, :DH]
    bm_ref[1, :, :] = bm[:, DH:]
    s16_ref[...] = jnp.broadcast_to(s, (BR, DH))


def _prep2_body(y1_ref, degb_ref, b1a_ref, w2b_ref, b2b_ref, w2a_ref,
                y0_ref, bm_ref):
    deg = degb_ref[:, 0:1]
    dbias = LAM * deg + 1.0
    inv1 = 1.0 / dbias
    z1 = jnp.concatenate([y1_ref[0, :, :], y1_ref[1, :, :]], axis=1)
    h1 = _leaky(z1 + b1a_ref[0, :])
    x2 = _dot(h1, w2b_ref[...].T) + b2b_ref[0, :]
    z02 = _dot(x2, w2a_ref[...].T)
    z02 = jnp.concatenate(
        [z02, jnp.zeros((BR, 2 * DH - 20), jnp.float32)], axis=1)
    bm = ALP * (inv1 * z02)
    y0_ref[0, :, :] = z02[:, :DH]
    y0_ref[1, :, :] = z02[:, DH:]
    bm_ref[0, :, :] = bm[:, :DH]
    bm_ref[1, :, :] = bm[:, DH:]


def _head_body(y2_ref, degb_ref, b2a_ref, g_ref, b_ref, m_ref, v_ref,
               fc1w_ref, fc1b_ref, fc2w_ref, fc2b_ref, out_ref):
    z2 = jnp.concatenate([y2_ref[0, :, :], y2_ref[1, :, :]], axis=1)
    z2 = z2[:N, :]
    h = z2[:, :20] + b2a_ref[0, :]
    h = (h - m_ref[0, :]) / jnp.sqrt(v_ref[0, :] + 1e-5) * g_ref[0, :] \
        + b_ref[0, :]
    h = _leaky(h)
    pooled = jnp.sum(h, axis=0, keepdims=True)
    o = _leaky(_dot(pooled, fc1w_ref[...].T) + fc1b_ref[0, :])
    out_ref[...] = _dot(o, fc2w_ref[...].T) + fc2b_ref[0, :]


def kernel(x, edge_index, edge_weight, W1b_w, W1b_b, W1a_w, W1a_b,
           W2b_w, W2b_b, W2a_w, W2a_b, bn_gamma, bn_beta, bn_mean, bn_var,
           fc1_w, fc1_b, fc2_w, fc2_b):
    padrows = jnp.broadcast_to(
        N + (jnp.arange(EPAD, dtype=jnp.int32) % (NPAD - N)), (NT, EPAD))
    src3 = jnp.concatenate(
        [edge_index[0].reshape(NT, EDG_PT), padrows], axis=1
    ).reshape(NT, NCH, CH)
    dst3 = jnp.concatenate(
        [edge_index[1].reshape(NT, EDG_PT), padrows], axis=1
    ).reshape(NT, NCH, CH)
    xp = jnp.pad(x, ((0, NPAD - N), (0, 0)))

    degb = _deg_kernel(dst3)

    y0, bm, s16 = pl.pallas_call(
        _prep1_body,
        grid=(NBR,),
        in_specs=[
            pl.BlockSpec((BR, D_IN), lambda i: (i, 0)),
            pl.BlockSpec((D_IN, D_IN), lambda i: (0, 0)),
            pl.BlockSpec((1, D_IN), lambda i: (0, 0)),
            pl.BlockSpec((32, D_IN), lambda i: (0, 0)),
            pl.BlockSpec((BR, DH), lambda i: (i, 0)),
        ],
        out_specs=[
            pl.BlockSpec((2, BR, DH), lambda i: (0, i, 0)),
            pl.BlockSpec((2, BR, DH), lambda i: (0, i, 0)),
            pl.BlockSpec((BR, DH), lambda i: (i, 0)),
        ],
        out_shape=[
            jax.ShapeDtypeStruct((2, NPAD, DH), jnp.float32),
            jax.ShapeDtypeStruct((2, NPAD, DH), jnp.float32),
            jax.ShapeDtypeStruct((NPAD, DH), jnp.float32),
        ],
    )(xp, W1b_w, W1b_b.reshape(1, -1), W1a_w, degb)

    y1 = _prop_kernel(y0, bm, s16, src3, dst3)

    y02, bm2 = pl.pallas_call(
        _prep2_body,
        grid=(NBR,),
        in_specs=[
            pl.BlockSpec((2, BR, DH), lambda i: (0, i, 0)),
            pl.BlockSpec((BR, DH), lambda i: (i, 0)),
            pl.BlockSpec((1, 32), lambda i: (0, 0)),
            pl.BlockSpec((D_IN, 32), lambda i: (0, 0)),
            pl.BlockSpec((1, D_IN), lambda i: (0, 0)),
            pl.BlockSpec((20, D_IN), lambda i: (0, 0)),
        ],
        out_specs=[
            pl.BlockSpec((2, BR, DH), lambda i: (0, i, 0)),
            pl.BlockSpec((2, BR, DH), lambda i: (0, i, 0)),
        ],
        out_shape=[
            jax.ShapeDtypeStruct((2, NPAD, DH), jnp.float32),
            jax.ShapeDtypeStruct((2, NPAD, DH), jnp.float32),
        ],
    )(y1, degb, W1a_b.reshape(1, -1), W2b_w, W2b_b.reshape(1, -1), W2a_w)

    y2 = _prop_kernel(y02, bm2, s16, src3, dst3)

    out = pl.pallas_call(
        _head_body,
        out_shape=jax.ShapeDtypeStruct((1, 2), jnp.float32),
    )(y2, degb, W2a_b.reshape(1, -1), bn_gamma.reshape(1, -1),
      bn_beta.reshape(1, -1), bn_mean.reshape(1, -1), bn_var.reshape(1, -1),
      fc1_w, fc1_b.reshape(1, -1), fc2_w, fc2_b.reshape(1, -1))

    return out

# --- scband reference (transcript-rebuilt; emitter-appended) ---
"""Pipeline reference for scband-twirlsnet-60129542144359 (READ-ONLY COPY).

The authoritative reference and input builder live on the scoring server;
editing this copy changes nothing except your own understanding.
"""

import jax, jax.numpy as jnp
import numpy as np

N = 10000
E = 160000
D_IN = 128
HID = 128
PROP = 64
LAM = 1.0
ALP = 1.0 / (1.0 + LAM)


def _lin(k, fan_out, fan_in):
    std = (2.0 / (fan_in + fan_out)) ** 0.5
    return jax.random.normal(k, (fan_out, fan_in), dtype=jnp.float32) * std


def setup_inputs(seed: int = 0) -> dict:
    key = jax.random.key(seed)
    ks = jax.random.split(key, 12)
    return {
        "x": jax.random.normal(ks[0], (N, D_IN), dtype=jnp.float32),
        "edge_index": jax.random.randint(ks[1], (2, E), 0, N, dtype=jnp.int32),
        "edge_weight": jax.random.uniform(ks[2], (E,), dtype=jnp.float32),
        "W1b_w": _lin(ks[3], HID, D_IN), "W1b_b": jnp.zeros((HID,), jnp.float32),
        "W1a_w": _lin(ks[4], 32, HID), "W1a_b": jnp.zeros((32,), jnp.float32),
        "W2b_w": _lin(ks[5], HID, 32), "W2b_b": jnp.zeros((HID,), jnp.float32),
        "W2a_w": _lin(ks[6], 20, HID), "W2a_b": jnp.zeros((20,), jnp.float32),
        "bn_gamma": jnp.ones((20,), jnp.float32),
        "bn_beta": jnp.zeros((20,), jnp.float32),
        "bn_mean": jnp.zeros((20,), jnp.float32),
        "bn_var": jnp.ones((20,), jnp.float32),
        "fc1_w": _lin(ks[7], 10, 20), "fc1_b": jnp.zeros((10,), jnp.float32),
        "fc2_w": _lin(ks[8], 2, 10), "fc2_b": jnp.zeros((2,), jnp.float32),
    }


def _twirls_conv(x, src, dst, inv_sqrt, inv1, Wb, bb, Wa, ba):
    # mlp_bef (1 layer, no activation) -> TWIRLS preconditioned unfolding -> mlp_aft
    X = x @ Wb.T + bb
    Y = X
    aX = ALP * (inv1[:, None] * X)  # alp * (lam*D + I)^{-1} X
    for _ in range(PROP):
        Yh = inv_sqrt[:, None] * Y  # (lam*D + I)^{-1/2} Y
        AY = jnp.zeros_like(Yh).at[dst].add(Yh[src])  # A @ Yh (edge weights = 1)
        Y = (1.0 - ALP) * Y + ALP * LAM * (inv_sqrt[:, None] * AY) + aX
    return Y @ Wa.T + ba


def reference(x, edge_index, edge_weight, W1b_w, W1b_b, W1a_w, W1a_b,
              W2b_w, W2b_b, W2a_w, W2a_b, bn_gamma, bn_beta, bn_mean, bn_var,
              fc1_w, fc1_b, fc2_w, fc2_b):
    # edge_weight is read from g.edata in the original forward but never used
    src = edge_index[0]
    dst = edge_index[1]
    n = x.shape[0]
    deg = jnp.zeros((n,), jnp.float32).at[dst].add(1.0)  # in-degrees
    dbias = LAM * deg + 1.0
    inv_sqrt = dbias ** -0.5
    inv1 = 1.0 / dbias
    h = _twirls_conv(x, src, dst, inv_sqrt, inv1, W1b_w, W1b_b, W1a_w, W1a_b)
    h = jax.nn.leaky_relu(h, 0.01)
    h = _twirls_conv(h, src, dst, inv_sqrt, inv1, W2b_w, W2b_b, W2a_w, W2a_b)
    # BatchNorm1d in eval mode (running stats)
    h = (h - bn_mean) / jnp.sqrt(bn_var + 1e-5) * bn_gamma + bn_beta
    h = jax.nn.leaky_relu(h, 0.01)
    pooled = jnp.sum(h, axis=0, keepdims=True)  # SumPooling, single graph -> [1, 20]
    # dropout p=0.2 is identity in eval mode
    out = jax.nn.leaky_relu(pooled @ fc1_w.T + fc1_b, 0.01)
    out = out @ fc2_w.T + fc2_b
    return out

if __name__ == "__main__":
    import jax
    _d = setup_inputs()
    print(jax.jit(kernel)(*tuple(_d.values())))

</pallas_src>

<mosaic_0001>
#map = affine_map<(d0, d1) -> (0, 0, 0)>
#map1 = affine_map<(d0, d1) -> (0, 0)>
module attributes {stable_mosaic.version = 14 : i64} {
  func.func @_deg_kernel(%arg0: i32, %arg1: i32, %arg2: memref<16x79x128xi32, #tpu.memory_space<hbm>>, %arg3: memref<10240x16xf32, #tpu.memory_space<hbm>>, %arg4: memref<10240x16xf32, #tpu.memory_space<vmem_shared>>, %arg5: memref<79x128xi32, #tpu.memory_space<vmem>>, %arg6: memref<128x16xf32, #tpu.memory_space<vmem>>, %arg7: memref<640x16xf32, #tpu.memory_space<vmem>>) attributes {dimension_semantics = [#tpu.dimension_semantics<core_parallel>, #tpu.dimension_semantics<subcore_parallel>], iteration_bounds = array<i64: 2, 16>, scalar_prefetch = 0 : i64, scratch_operands = 4 : i64, tpu.core_type = #tpu.core_type<sc_vector_subcore>, window_params = [{transform_indices = #map}, {transform_indices = #map1}]} {
    %eq3A = arith.constant 0 : i32
    %eq3A_0 = arith.cmpi eq, %arg0, %eq3A : i32
    %convert_element_type3A = arith.extui %eq3A_0 : i1 to i32
    %cond3A = arith.constant 0 : i32
    %cond3A_1 = arith.cmpi ne, %convert_element_type3A, %cond3A : i32
    scf.if %cond3A_1 {
      %mul3A = arith.constant 640 : i32
      %mul3A_2 = arith.muli %arg1, %mul3A : i32
      %scan3A = arith.constant 0 : i32
      %scan3A_3 = arith.constant 0 : i32
      %scan3A_4 = arith.constant 640 : i32
      %scan3A_5 = arith.addi %scan3A_3, %scan3A_4 : i32
      %scan3A_6 = arith.constant 1 : i32
      %scan3A_7 = scf.for %scan3A_24 = %scan3A_3 to %scan3A_5 step %scan3A_6 iter_args(%scan3A_25 = %scan3A) -> (i32)  : i32 {
        %broadcast_in_dim3A = arith.constant 0.000000e+00 : f32
        %broadcast_in_dim3A_26 = vector.broadcast %broadcast_in_dim3A : f32 to vector<16xf32>
        %swap3A = arith.index_cast %scan3A_24 : i32 to index
        %swap3A_27 = arith.constant 0 : index
        %swap3A_28 = tpu.vector_load %arg7[%swap3A, %swap3A_27] {strides = array<i32>} : memref<640x16xf32, #tpu.memory_space<vmem>>, vector<1x16xf32>,
        %swap3A_29 = vector.shape_cast %swap3A_28 : vector<1x16xf32> to vector<16xf32>
        %swap3A_30 = vector.shape_cast %broadcast_in_dim3A_26 : vector<16xf32> to vector<1x16xf32>
        tpu.vector_store %arg7[%swap3A, %swap3A_27], %swap3A_30 {strides = array<i32>} : memref<640x16xf32, #tpu.memory_space<vmem>>, vector<1x16xf32>,
        %scan3A_31 = arith.constant 0 : i32
        scf.yield %scan3A_31 : i32
      }
      %scan3A_8 = arith.constant 640 : i32
      %scan3A_9 = arith.constant 0 : i32
      %scan3A_10 = arith.constant 0 : i32
      %scan3A_11 = arith.constant 128 : i32
      %scan3A_12 = arith.addi %scan3A_10, %scan3A_11 : i32
      %scan3A_13 = arith.constant 1 : i32
      %scan3A_14 = scf.for %scan3A_24 = %scan3A_10 to %scan3A_12 step %scan3A_13 iter_args(%scan3A_25 = %scan3A_9) -> (i32)  : i32 {
        %broadcast_in_dim3A = arith.constant 1.000000e+00 : f32
        %broadcast_in_dim3A_26 = vector.broadcast %broadcast_in_dim3A : f32 to vector<16xf32>
        %swap3A = arith.index_cast %scan3A_24 : i32 to index
        %swap3A_27 = arith.constant 0 : index
        %swap3A_28 = tpu.vector_load %arg6[%swap3A, %swap3A_27] {strides = array<i32>} : memref<128x16xf32, #tpu.memory_space<vmem>>, vector<1x16xf32>,
        %swap3A_29 = vector.shape_cast %swap3A_28 : vector<1x16xf32> to vector<16xf32>
        %swap3A_30 = vector.shape_cast %broadcast_in_dim3A_26 : vector<16xf32> to vector<1x16xf32>
        tpu.vector_store %arg6[%swap3A, %swap3A_27], %swap3A_30 {strides = array<i32>} : memref<128x16xf32, #tpu.memory_space<vmem>>, vector<1x16xf32>,
        %scan3A_31 = arith.constant 0 : i32
        scf.yield %scan3A_31 : i32
      }
      %scan3A_15 = arith.constant 128 : i32
      "tpu.region"() ({
        %run_scoped3A = tpu.sem_alloc : memref<!tpu.dma_semaphore, #tpu.memory_space<semaphore_mem>>
        %dma_start3A = arith.constant 0 : i32
        %dma_start3A_24 = arith.constant 0 : i32
        %dma_start3A_25 = tpu.memref_slice %arg2[%arg1, %dma_start3A, %dma_start3A_24] : memref<16x79x128xi32, #tpu.memory_space<hbm>> -> memref<1x79x128xi32, #tpu.memory_space<hbm>>
        %dma_start3A_26 = tpu.memref_squeeze %dma_start3A_25 : memref<1x79x128xi32, #tpu.memory_space<hbm>> -> memref<79x128xi32, #tpu.memory_space<hbm>>
        %dma_start3A_27 = arith.constant 0 : i32
        %dma_start3A_28 = arith.constant 0 : i32
        %dma_start3A_29 = tpu.memref_slice %arg2[%arg1, %dma_start3A_27, %dma_start3A_28] : memref<16x79x128xi32, #tpu.memory_space<hbm>> -> memref<1x79x128xi32, #tpu.memory_space<hbm>>
        %dma_start3A_30 = tpu.memref_squeeze %dma_start3A_29 : memref<1x79x128xi32, #tpu.memory_space<hbm>> -> memref<79x128xi32, #tpu.memory_space<hbm>>
        tpu.enqueue_dma source(%dma_start3A_30 : memref<79x128xi32, #tpu.memory_space<hbm>>) target(%arg5 : memref<79x128xi32, #tpu.memory_space<vmem>>) target_semaphore(%run_scoped3A : memref<!tpu.dma_semaphore, #tpu.memory_space<semaphore_mem>>)
        %dma_wait3A = arith.constant 0 : i32
        %dma_wait3A_31 = arith.constant 0 : i32
        %dma_wait3A_32 = tpu.memref_slice %arg2[%arg1, %dma_wait3A, %dma_wait3A_31] : memref<16x79x128xi32, #tpu.memory_space<hbm>> -> memref<1x79x128xi32, #tpu.memory_space<hbm>>
        %dma_wait3A_33 = tpu.memref_squeeze %dma_wait3A_32 : memref<1x79x128xi32, #tpu.memory_space<hbm>> -> memref<79x128xi32, #tpu.memory_space<hbm>>
        %dma_wait3A_34 = arith.constant 0 : i32
        %dma_wait3A_35 = arith.constant 0 : i32
        %dma_wait3A_36 = tpu.memref_slice %arg2[%arg1, %dma_wait3A_34, %dma_wait3A_35] : memref<16x79x128xi32, #tpu.memory_space<hbm>> -> memref<1x79x128xi32, #tpu.memory_space<hbm>>
        %dma_wait3A_37 = tpu.memref_squeeze %dma_wait3A_36 : memref<1x79x128xi32, #tpu.memory_space<hbm>> -> memref<79x128xi32, #tpu.memory_space<hbm>>
        tpu.wait_dma2 semaphore(%run_scoped3A : memref<!tpu.dma_semaphore, #tpu.memory_space<semaphore_mem>>) src(%dma_wait3A_37 : memref<79x128xi32, #tpu.memory_space<hbm>>) dst(%arg5 : memref<79x128xi32, #tpu.memory_space<vmem>>)
        tpu.yield
      }) : () -> ()
      "tpu.region"() ({
        %run_scoped3A = tpu.sem_alloc : memref<!tpu.dma_semaphore, #tpu.memory_space<semaphore_mem>>
        %dma_start3A = arith.constant 0 : i32
        %dma_start3A_24 = tpu.memref_slice %arg4[%mul3A_2, %dma_start3A] : memref<10240x16xf32, #tpu.memory_space<vmem_shared>> -> memref<640x16xf32, #tpu.memory_space<vmem_shared>>
        %dma_start3A_25 = arith.constant 0 : i32
        %dma_start3A_26 = tpu.memref_slice %arg4[%mul3A_2, %dma_start3A_25] : memref<10240x16xf32, #tpu.memory_space<vmem_shared>> -> memref<640x16xf32, #tpu.memory_space<vmem_shared>>
        tpu.enqueue_dma source(%arg7 : memref<640x16xf32, #tpu.memory_space<vmem>>) target(%dma_start3A_26 : memref<640x16xf32, #tpu.memory_space<vmem_shared>>) target_semaphore(%run_scoped3A : memref<!tpu.dma_semaphore, #tpu.memory_space<semaphore_mem>>)
        %dma_wait3A = arith.constant 0 : i32
        %dma_wait3A_27 = tpu.memref_slice %arg4[%mul3A_2, %dma_wait3A] : memref<10240x16xf32, #tpu.memory_space<vmem_shared>> -> memref<640x16xf32, #tpu.memory_space<vmem_shared>>
        %dma_wait3A_28 = arith.constant 0 : i32
        %dma_wait3A_29 = tpu.memref_slice %arg4[%mul3A_2, %dma_wait3A_28] : memref<10240x16xf32, #tpu.memory_space<vmem_shared>> -> memref<640x16xf32, #tpu.memory_space<vmem_shared>>
        tpu.wait_dma2 semaphore(%run_scoped3A : memref<!tpu.dma_semaphore, #tpu.memory_space<semaphore_mem>>) src(%arg7 : memref<640x16xf32, #tpu.memory_space<vmem>>) dst(%dma_wait3A_29 : memref<640x16xf32, #tpu.memory_space<vmem_shared>>)
        tpu.yield
      }) : () -> ()
      %barrier3A = arith.constant 0 : index
      tpu.barrier barrier_id(%barrier3A)
      %scan3A_16 = arith.constant 0 : i32
      %scan3A_17 = arith.constant 0 : i32
      %scan3A_18 = arith.constant 79 : i32
      %scan3A_19 = arith.addi %scan3A_17, %scan3A_18 : i32
      %scan3A_20 = arith.constant 1 : i32
      %scan3A_21 = scf.for %scan3A_24 = %scan3A_17 to %scan3A_19 step %scan3A_20 iter_args(%scan3A_25 = %scan3A_16) -> (i32)  : i32 {
        "tpu.region"() ({
          %run_scoped3A = tpu.sem_alloc : memref<!tpu.dma_semaphore, #tpu.memory_space<semaphore_mem>>
          %dma_start3A = arith.constant 0 : i32
          %dma_start3A_27 = tpu.memref_slice %arg5[%scan3A_24, %dma_start3A] : memref<79x128xi32, #tpu.memory_space<vmem>> -> memref<1x128xi32, #tpu.memory_space<vmem>>
          %dma_start3A_28 = tpu.memref_squeeze %dma_start3A_27 : memref<1x128xi32, #tpu.memory_space<vmem>> -> memref<128xi32, #tpu.memory_space<vmem>>
          %dma_start3A_29 = arith.constant 0 : i32
          %dma_start3A_30 = arith.constant 0 : i32
          %dma_start3A_31 = tpu.memref_slice %arg4[%dma_start3A_29, %dma_start3A_30] : memref<10240x16xf32, #tpu.memory_space<vmem_shared>> -> memref<10240x16xf32, #tpu.memory_space<vmem_shared>>
          tpu.enqueue_indirect_dma source(%arg6 : memref<128x16xf32, #tpu.memory_space<vmem>>) target(%dma_start3A_31 : memref<10240x16xf32, #tpu.memory_space<vmem_shared>>) offsets(%dma_start3A_28 : memref<128xi32, #tpu.memory_space<vmem>>) semaphore(%run_scoped3A : memref<!tpu.dma_semaphore, #tpu.memory_space<semaphore_mem>>) {add = true}
          %dma_wait3A = arith.constant 0 : i32
          %dma_wait3A_32 = tpu.memref_slice %arg5[%scan3A_24, %dma_wait3A] : memref<79x128xi32, #tpu.memory_space<vmem>> -> memref<1x128xi32, #tpu.memory_space<vmem>>
          %dma_wait3A_33 = tpu.memref_squeeze %dma_wait3A_32 : memref<1x128xi32, #tpu.memory_space<vmem>> -> memref<128xi32, #tpu.memory_space<vmem>>
          %dma_wait3A_34 = arith.constant 0 : i32
          %dma_wait3A_35 = arith.constant 0 : i32
          %dma_wait3A_36 = tpu.memref_slice %arg4[%dma_wait3A_34, %dma_wait3A_35] : memref<10240x16xf32, #tpu.memory_space<vmem_shared>> -> memref<10240x16xf32, #tpu.memory_space<vmem_shared>>
          tpu.wait_indirect_dma semaphore(%run_scoped3A : memref<!tpu.dma_semaphore, #tpu.memory_space<semaphore_mem>>) src(%arg6 : memref<128x16xf32, #tpu.memory_space<vmem>>) dst(%dma_wait3A_36 : memref<10240x16xf32, #tpu.memory_space<vmem_shared>>)
          tpu.yield
        }) : () -> ()
        %scan3A_26 = arith.constant 0 : i32
        scf.yield %scan3A_26 : i32
      }
      %scan3A_22 = arith.constant 79 : i32
      %barrier3A_23 = arith.constant 0 : index
      tpu.barrier barrier_id(%barrier3A_23)
      "tpu.region"() ({
        %run_scoped3A = tpu.sem_alloc : memref<!tpu.dma_semaphore, #tpu.memory_space<semaphore_mem>>
        %dma_start3A = arith.constant 0 : i32
        %dma_start3A_24 = tpu.memref_slice %arg4[%mul3A_2, %dma_start3A] : memref<10240x16xf32, #tpu.memory_space<vmem_shared>> -> memref<640x16xf32, #tpu.memory_space<vmem_shared>>
        %dma_start3A_25 = arith.constant 0 : i32
        %dma_start3A_26 = tpu.memref_slice %arg4[%mul3A_2, %dma_start3A_25] : memref<10240x16xf32, #tpu.memory_space<vmem_shared>> -> memref<640x16xf32, #tpu.memory_space<vmem_shared>>
        tpu.enqueue_dma source(%dma_start3A_26 : memref<640x16xf32, #tpu.memory_space<vmem_shared>>) target(%arg7 : memref<640x16xf32, #tpu.memory_space<vmem>>) target_semaphore(%run_scoped3A : memref<!tpu.dma_semaphore, #tpu.memory_space<semaphore_mem>>)
        %dma_wait3A = arith.constant 0 : i32
        %dma_wait3A_27 = tpu.memref_slice %arg4[%mul3A_2, %dma_wait3A] : memref<10240x16xf32, #tpu.memory_space<vmem_shared>> -> memref<640x16xf32, #tpu.memory_space<vmem_shared>>
        %dma_wait3A_28 = arith.constant 0 : i32
        %dma_wait3A_29 = tpu.memref_slice %arg4[%mul3A_2, %dma_wait3A_28] : memref<10240x16xf32, #tpu.memory_space<vmem_shared>> -> memref<640x16xf32, #tpu.memory_space<vmem_shared>>
        tpu.wait_dma2 semaphore(%run_scoped3A : memref<!tpu.dma_semaphore, #tpu.memory_space<semaphore_mem>>) src(%dma_wait3A_29 : memref<640x16xf32, #tpu.memory_space<vmem_shared>>) dst(%arg7 : memref<640x16xf32, #tpu.memory_space<vmem>>)
        tpu.yield
      }) : () -> ()
      "tpu.region"() ({
        %run_scoped3A = tpu.sem_alloc : memref<!tpu.dma_semaphore, #tpu.memory_space<semaphore_mem>>
        %dma_start3A = arith.constant 0 : i32
        %dma_start3A_24 = tpu.memref_slice %arg3[%mul3A_2, %dma_start3A] : memref<10240x16xf32, #tpu.memory_space<hbm>> -> memref<640x16xf32, #tpu.memory_space<hbm>>
        %dma_start3A_25 = arith.constant 0 : i32
        %dma_start3A_26 = tpu.memref_slice %arg3[%mul3A_2, %dma_start3A_25] : memref<10240x16xf32, #tpu.memory_space<hbm>> -> memref<640x16xf32, #tpu.memory_space<hbm>>
        tpu.enqueue_dma source(%arg7 : memref<640x16xf32, #tpu.memory_space<vmem>>) target(%dma_start3A_26 : memref<640x16xf32, #tpu.memory_space<hbm>>) target_semaphore(%run_scoped3A : memref<!tpu.dma_semaphore, #tpu.memory_space<semaphore_mem>>)
        %dma_wait3A = arith.constant 0 : i32
        %dma_wait3A_27 = tpu.memref_slice %arg3[%mul3A_2, %dma_wait3A] : memref<10240x16xf32, #tpu.memory_space<hbm>> -> memref<640x16xf32, #tpu.memory_space<hbm>>
        %dma_wait3A_28 = arith.constant 0 : i32
        %dma_wait3A_29 = tpu.memref_slice %arg3[%mul3A_2, %dma_wait3A_28] : memref<10240x16xf32, #tpu.memory_space<hbm>> -> memref<640x16xf32, #tpu.memory_space<hbm>>
        tpu.wait_dma2 semaphore(%run_scoped3A : memref<!tpu.dma_semaphore, #tpu.memory_space<semaphore_mem>>) src(%arg7 : memref<640x16xf32, #tpu.memory_space<vmem>>) dst(%dma_wait3A_29 : memref<640x16xf32, #tpu.memory_space<hbm>>)
        tpu.yield
      }) : () -> ()
    } else {
    }
    return
  }
}

#map = affine_map<(d0, d1) -> (0, 0, 0)>
#map1 = affine_map<(d0, d1) -> (0, 0)>
module attributes {stable_mosaic.version = 14 : i64} {
  func.func @_prop_kernel(%arg0: i32, %arg1: i32, %arg2: memref<2x10240x16xf32, #tpu.memory_space<hbm>>, %arg3: memref<2x10240x16xf32, #tpu.memory_space<hbm>>, %arg4: memref<10240x16xf32, #tpu.memory_space<hbm>>, %arg5: memref<16x79x128xi32, #tpu.memory_space<hbm>>, %arg6: memref<16x79x128xi32, #tpu.memory_space<hbm>>, %arg7: memref<2x10240x16xf32, #tpu.memory_space<hbm>>, %arg8: memref<10240x16xf32, #tpu.memory_space<vmem_shared>>, %arg9: memref<10240x16xf32, #tpu.memory_space<vmem_shared>>, %arg10: memref<79x128xi32, #tpu.memory_space<vmem>>, %arg11: memref<79x128xi32, #tpu.memory_space<vmem>>, %arg12: memref<6x128x16xf32, #tpu.memory_space<vmem>>, %arg13: memref<640x16xf32, #tpu.memory_space<vmem>>, %arg14: memref<640x16xf32, #tpu.memory_space<vmem>>, %arg15: memref<640x16xf32, #tpu.memory_space<vmem>>, %arg16: memref<640x16xf32, #tpu.memory_space<vmem>>, %arg17: memref<640x16xf32, #tpu.memory_space<vmem>>, %arg18: memref<!tpu.dma_semaphore, #tpu.memory_space<semaphore_mem>>, %arg19: memref<!tpu.dma_semaphore, #tpu.memory_space<semaphore_mem>>) attributes {dimension_semantics = [#tpu.dimension_semantics<core_parallel>, #tpu.dimension_semantics<subcore_parallel>], iteration_bounds = array<i64: 2, 16>, scalar_prefetch = 0 : i64, scratch_operands = 12 : i64, tpu.core_type = #tpu.core_type<sc_vector_subcore>, window_params = [{transform_indices = #map}, {transform_indices = #map}, {transform_indices = #map1}, {transform_indices = #map}, {transform_indices = #map}, {transform_indices = #map}]} {
    %mul3A = arith.constant 640 : i32
    %mul3A_0 = arith.muli %arg1, %mul3A : i32
    "tpu.region"() ({
      %run_scoped3A = tpu.sem_alloc : memref<!tpu.dma_semaphore, #tpu.memory_space<semaphore_mem>>
      %dma_start3A = arith.constant 0 : i32
      %dma_start3A_20 = arith.constant 0 : i32
      %dma_start3A_21 = tpu.memref_slice %arg5[%arg1, %dma_start3A, %dma_start3A_20] : memref<16x79x128xi32, #tpu.memory_space<hbm>> -> memref<1x79x128xi32, #tpu.memory_space<hbm>>
      %dma_start3A_22 = tpu.memref_squeeze %dma_start3A_21 : memref<1x79x128xi32, #tpu.memory_space<hbm>> -> memref<79x128xi32, #tpu.memory_space<hbm>>
      %dma_start3A_23 = arith.constant 0 : i32
      %dma_start3A_24 = arith.constant 0 : i32
      %dma_start3A_25 = tpu.memref_slice %arg5[%arg1, %dma_start3A_23, %dma_start3A_24] : memref<16x79x128xi32, #tpu.memory_space<hbm>> -> memref<1x79x128xi32, #tpu.memory_space<hbm>>
      %dma_start3A_26 = tpu.memref_squeeze %dma_start3A_25 : memref<1x79x128xi32, #tpu.memory_space<hbm>> -> memref<79x128xi32, #tpu.memory_space<hbm>>
      tpu.enqueue_dma source(%dma_start3A_26 : memref<79x128xi32, #tpu.memory_space<hbm>>) target(%arg10 : memref<79x128xi32, #tpu.memory_space<vmem>>) target_semaphore(%run_scoped3A : memref<!tpu.dma_semaphore, #tpu.memory_space<semaphore_mem>>)
      %dma_wait3A = arith.constant 0 : i32
      %dma_wait3A_27 = arith.constant 0 : i32
      %dma_wait3A_28 = tpu.memref_slice %arg5[%arg1, %dma_wait3A, %dma_wait3A_27] : memref<16x79x128xi32, #tpu.memory_space<hbm>> -> memref<1x79x128xi32, #tpu.memory_space<hbm>>
      %dma_wait3A_29 = tpu.memref_squeeze %dma_wait3A_28 : memref<1x79x128xi32, #tpu.memory_space<hbm>> -> memref<79x128xi32, #tpu.memory_space<hbm>>
      %dma_wait3A_30 = arith.constant 0 : i32
      %dma_wait3A_31 = arith.constant 0 : i32
      %dma_wait3A_32 = tpu.memref_slice %arg5[%arg1, %dma_wait3A_30, %dma_wait3A_31] : memref<16x79x128xi32, #tpu.memory_space<hbm>> -> memref<1x79x128xi32, #tpu.memory_space<hbm>>
      %dma_wait3A_33 = tpu.memref_squeeze %dma_wait3A_32 : memref<1x79x128xi32, #tpu.memory_space<hbm>> -> memref<79x128xi32, #tpu.memory_space<hbm>>
      tpu.wait_dma2 semaphore(%run_scoped3A : memref<!tpu.dma_semaphore, #tpu.memory_space<semaphore_mem>>) src(%dma_wait3A_33 : memref<79x128xi32, #tpu.memory_space<hbm>>) dst(%arg10 : memref<79x128xi32, #tpu.memory_space<vmem>>)
      tpu.yield
    }) : () -> ()
    "tpu.region"() ({
      %run_scoped3A = tpu.sem_alloc : memref<!tpu.dma_semaphore, #tpu.memory_space<semaphore_mem>>
      %dma_start3A = arith.constant 0 : i32
      %dma_start3A_20 = arith.constant 0 : i32
      %dma_start3A_21 = tpu.memref_slice %arg6[%arg1, %dma_start3A, %dma_start3A_20] : memref<16x79x128xi32, #tpu.memory_space<hbm>> -> memref<1x79x128xi32, #tpu.memory_space<hbm>>
      %dma_start3A_22 = tpu.memref_squeeze %dma_start3A_21 : memref<1x79x128xi32, #tpu.memory_space<hbm>> -> memref<79x128xi32, #tpu.memory_space<hbm>>
      %dma_start3A_23 = arith.constant 0 : i32
      %dma_start3A_24 = arith.constant 0 : i32
      %dma_start3A_25 = tpu.memref_slice %arg6[%arg1, %dma_start3A_23, %dma_start3A_24] : memref<16x79x128xi32, #tpu.memory_space<hbm>> -> memref<1x79x128xi32, #tpu.memory_space<hbm>>
      %dma_start3A_26 = tpu.memref_squeeze %dma_start3A_25 : memref<1x79x128xi32, #tpu.memory_space<hbm>> -> memref<79x128xi32, #tpu.memory_space<hbm>>
      tpu.enqueue_dma source(%dma_start3A_26 : memref<79x128xi32, #tpu.memory_space<hbm>>) target(%arg11 : memref<79x128xi32, #tpu.memory_space<vmem>>) target_semaphore(%run_scoped3A : memref<!tpu.dma_semaphore, #tpu.memory_space<semaphore_mem>>)
      %dma_wait3A = arith.constant 0 : i32
      %dma_wait3A_27 = arith.constant 0 : i32
      %dma_wait3A_28 = tpu.memref_slice %arg6[%arg1, %dma_wait3A, %dma_wait3A_27] : memref<16x79x128xi32, #tpu.memory_space<hbm>> -> memref<1x79x128xi32, #tpu.memory_space<hbm>>
      %dma_wait3A_29 = tpu.memref_squeeze %dma_wait3A_28 : memref<1x79x128xi32, #tpu.memory_space<hbm>> -> memref<79x128xi32, #tpu.memory_space<hbm>>
      %dma_wait3A_30 = arith.constant 0 : i32
      %dma_wait3A_31 = arith.constant 0 : i32
      %dma_wait3A_32 = tpu.memref_slice %arg6[%arg1, %dma_wait3A_30, %dma_wait3A_31] : memref<16x79x128xi32, #tpu.memory_space<hbm>> -> memref<1x79x128xi32, #tpu.memory_space<hbm>>
      %dma_wait3A_33 = tpu.memref_squeeze %dma_wait3A_32 : memref<1x79x128xi32, #tpu.memory_space<hbm>> -> memref<79x128xi32, #tpu.memory_space<hbm>>
      tpu.wait_dma2 semaphore(%run_scoped3A : memref<!tpu.dma_semaphore, #tpu.memory_space<semaphore_mem>>) src(%dma_wait3A_33 : memref<79x128xi32, #tpu.memory_space<hbm>>) dst(%arg11 : memref<79x128xi32, #tpu.memory_space<vmem>>)
      tpu.yield
    }) : () -> ()
    "tpu.region"() ({
      %run_scoped3A = tpu.sem_alloc : memref<!tpu.dma_semaphore, #tpu.memory_space<semaphore_mem>>
      %dma_start3A = arith.constant 0 : i32
      %dma_start3A_20 = tpu.memref_slice %arg2[%arg0, %mul3A_0, %dma_start3A] : memref<2x10240x16xf32, #tpu.memory_space<hbm>> -> memref<1x640x16xf32, #tpu.memory_space<hbm>>
      %dma_start3A_21 = tpu.memref_squeeze %dma_start3A_20 : memref<1x640x16xf32, #tpu.memory_space<hbm>> -> memref<640x16xf32, #tpu.memory_space<hbm>>
      %dma_start3A_22 = arith.constant 0 : i32
      %dma_start3A_23 = tpu.memref_slice %arg2[%arg0, %mul3A_0, %dma_start3A_22] : memref<2x10240x16xf32, #tpu.memory_space<hbm>> -> memref<1x640x16xf32, #tpu.memory_space<hbm>>
      %dma_start3A_24 = tpu.memref_squeeze %dma_start3A_23 : memref<1x640x16xf32, #tpu.memory_space<hbm>> -> memref<640x16xf32, #tpu.memory_space<hbm>>
      tpu.enqueue_dma source(%dma_start3A_24 : memref<640x16xf32, #tpu.memory_space<hbm>>) target(%arg13 : memref<640x16xf32, #tpu.memory_space<vmem>>) target_semaphore(%run_scoped3A : memref<!tpu.dma_semaphore, #tpu.memory_space<semaphore_mem>>)
      %dma_wait3A = arith.constant 0 : i32
      %dma_wait3A_25 = tpu.memref_slice %arg2[%arg0, %mul3A_0, %dma_wait3A] : memref<2x10240x16xf32, #tpu.memory_space<hbm>> -> memref<1x640x16xf32, #tpu.memory_space<hbm>>
      %dma_wait3A_26 = tpu.memref_squeeze %dma_wait3A_25 : memref<1x640x16xf32, #tpu.memory_space<hbm>> -> memref<640x16xf32, #tpu.memory_space<hbm>>
      %dma_wait3A_27 = arith.constant 0 : i32
      %dma_wait3A_28 = tpu.memref_slice %arg2[%arg0, %mul3A_0, %dma_wait3A_27] : memref<2x10240x16xf32, #tpu.memory_space<hbm>> -> memref<1x640x16xf32, #tpu.memory_space<hbm>>
      %dma_wait3A_29 = tpu.memref_squeeze %dma_wait3A_28 : memref<1x640x16xf32, #tpu.memory_space<hbm>> -> memref<640x16xf32, #tpu.memory_space<hbm>>
      tpu.wait_dma2 semaphore(%run_scoped3A : memref<!tpu.dma_semaphore, #tpu.memory_space<semaphore_mem>>) src(%dma_wait3A_29 : memref<640x16xf32, #tpu.memory_space<hbm>>) dst(%arg13 : memref<640x16xf32, #tpu.memory_space<vmem>>)
      tpu.yield
    }) : () -> ()
    "tpu.region"() ({
      %run_scoped3A = tpu.sem_alloc : memref<!tpu.dma_semaphore, #tpu.memory_space<semaphore_mem>>
      %dma_start3A = arith.constant 0 : i32
      %dma_start3A_20 = tpu.memref_slice %arg3[%arg0, %mul3A_0, %dma_start3A] : memref<2x10240x16xf32, #tpu.memory_space<hbm>> -> memref<1x640x16xf32, #tpu.memory_space<hbm>>
      %dma_start3A_21 = tpu.memref_squeeze %dma_start3A_20 : memref<1x640x16xf32, #tpu.memory_space<hbm>> -> memref<640x16xf32, #tpu.memory_space<hbm>>
      %dma_start3A_22 = arith.constant 0 : i32
      %dma_start3A_23 = tpu.memref_slice %arg3[%arg0, %mul3A_0, %dma_start3A_22] : memref<2x10240x16xf32, #tpu.memory_space<hbm>> -> memref<1x640x16xf32, #tpu.memory_space<hbm>>
      %dma_start3A_24 = tpu.memref_squeeze %dma_start3A_23 : memref<1x640x16xf32, #tpu.memory_space<hbm>> -> memref<640x16xf32, #tpu.memory_space<hbm>>
      tpu.enqueue_dma source(%dma_start3A_24 : memref<640x16xf32, #tpu.memory_space<hbm>>) target(%arg14 : memref<640x16xf32, #tpu.memory_space<vmem>>) target_semaphore(%run_scoped3A : memref<!tpu.dma_semaphore, #tpu.memory_space<semaphore_mem>>)
      %dma_wait3A = arith.constant 0 : i32
      %dma_wait3A_25 = tpu.memref_slice %arg3[%arg0, %mul3A_0, %dma_wait3A] : memref<2x10240x16xf32, #tpu.memory_space<hbm>> -> memref<1x640x16xf32, #tpu.memory_space<hbm>>
      %dma_wait3A_26 = tpu.memref_squeeze %dma_wait3A_25 : memref<1x640x16xf32, #tpu.memory_space<hbm>> -> memref<640x16xf32, #tpu.memory_space<hbm>>
      %dma_wait3A_27 = arith.constant 0 : i32
      %dma_wait3A_28 = tpu.memref_slice %arg3[%arg0, %mul3A_0, %dma_wait3A_27] : memref<2x10240x16xf32, #tpu.memory_space<hbm>> -> memref<1x640x16xf32, #tpu.memory_space<hbm>>
      %dma_wait3A_29 = tpu.memref_squeeze %dma_wait3A_28 : memref<1x640x16xf32, #tpu.memory_space<hbm>> -> memref<640x16xf32, #tpu.memory_space<hbm>>
      tpu.wait_dma2 semaphore(%run_scoped3A : memref<!tpu.dma_semaphore, #tpu.memory_space<semaphore_mem>>) src(%dma_wait3A_29 : memref<640x16xf32, #tpu.memory_space<hbm>>) dst(%arg14 : memref<640x16xf32, #tpu.memory_space<vmem>>)
      tpu.yield
    }) : () -> ()
    "tpu.region"() ({
      %run_scoped3A = tpu.sem_alloc : memref<!tpu.dma_semaphore, #tpu.memory_space<semaphore_mem>>
      %dma_start3A = arith.constant 0 : i32
      %dma_start3A_20 = tpu.memref_slice %arg4[%mul3A_0, %dma_start3A] : memref<10240x16xf32, #tpu.memory_space<hbm>> -> memref<640x16xf32, #tpu.memory_space<hbm>>
      %dma_start3A_21 = arith.constant 0 : i32
      %dma_start3A_22 = tpu.memref_slice %arg4[%mul3A_0, %dma_start3A_21] : memref<10240x16xf32, #tpu.memory_space<hbm>> -> memref<640x16xf32, #tpu.memory_space<hbm>>
      tpu.enqueue_dma source(%dma_start3A_22 : memref<640x16xf32, #tpu.memory_space<hbm>>) target(%arg15 : memref<640x16xf32, #tpu.memory_space<vmem>>) target_semaphore(%run_scoped3A : memref<!tpu.dma_semaphore, #tpu.memory_space<semaphore_mem>>)
      %dma_wait3A = arith.constant 0 : i32
      %dma_wait3A_23 = tpu.memref_slice %arg4[%mul3A_0, %dma_wait3A] : memref<10240x16xf32, #tpu.memory_space<hbm>> -> memref<640x16xf32, #tpu.memory_space<hbm>>
      %dma_wait3A_24 = arith.constant 0 : i32
      %dma_wait3A_25 = tpu.memref_slice %arg4[%mul3A_0, %dma_wait3A_24] : memref<10240x16xf32, #tpu.memory_space<hbm>> -> memref<640x16xf32, #tpu.memory_space<hbm>>
      tpu.wait_dma2 semaphore(%run_scoped3A : memref<!tpu.dma_semaphore, #tpu.memory_space<semaphore_mem>>) src(%dma_wait3A_25 : memref<640x16xf32, #tpu.memory_space<hbm>>) dst(%arg15 : memref<640x16xf32, #tpu.memory_space<vmem>>)
      tpu.yield
    }) : () -> ()
    %scan3A = arith.constant 0 : i32
    %scan3A_1 = arith.constant 0 : i32
    %scan3A_2 = arith.constant 640 : i32
    %scan3A_3 = arith.addi %scan3A_1, %scan3A_2 : i32
    %scan3A_4 = arith.constant 1 : i32
    %scan3A_5 = scf.for %scan3A_20 = %scan3A_1 to %scan3A_3 step %scan3A_4 iter_args(%scan3A_21 = %scan3A) -> (i32)  : i32 {
      %get3A = arith.index_cast %scan3A_20 : i32 to index
      %get3A_22 = arith.constant 0 : index
      %get3A_23 = tpu.vector_load %arg15[%get3A, %get3A_22] {strides = array<i32>} : memref<640x16xf32, #tpu.memory_space<vmem>>, vector<1x16xf32>,
      %get3A_24 = vector.shape_cast %get3A_23 : vector<1x16xf32> to vector<16xf32>
      %get3A_25 = arith.index_cast %scan3A_20 : i32 to index
      %get3A_26 = arith.constant 0 : index
      %get3A_27 = tpu.vector_load %arg13[%get3A_25, %get3A_26] {strides = array<i32>} : memref<640x16xf32, #tpu.memory_space<vmem>>, vector<1x16xf32>,
      %get3A_28 = vector.shape_cast %get3A_27 : vector<1x16xf32> to vector<16xf32>
      %mul3A_29 = arith.mulf %get3A_24, %get3A_28 : vector<16xf32>
      %swap3A = arith.index_cast %scan3A_20 : i32 to index
      %swap3A_30 = arith.constant 0 : index
      %swap3A_31 = tpu.vector_load %arg16[%swap3A, %swap3A_30] {strides = array<i32>} : memref<640x16xf32, #tpu.memory_space<vmem>>, vector<1x16xf32>,
      %swap3A_32 = vector.shape_cast %swap3A_31 : vector<1x16xf32> to vector<16xf32>
      %swap3A_33 = vector.shape_cast %mul3A_29 : vector<16xf32> to vector<1x16xf32>
      tpu.vector_store %arg16[%swap3A, %swap3A_30], %swap3A_33 {strides = array<i32>} : memref<640x16xf32, #tpu.memory_space<vmem>>, vector<1x16xf32>,
      %scan3A_34 = arith.constant 0 : i32
      scf.yield %scan3A_34 : i32
    }
    %scan3A_6 = arith.constant 640 : i32
    "tpu.region"() ({
      %run_scoped3A = tpu.sem_alloc : memref<!tpu.dma_semaphore, #tpu.memory_space<semaphore_mem>>
      %dma_start3A = arith.constant 0 : i32
      %dma_start3A_20 = tpu.memref_slice %arg8[%mul3A_0, %dma_start3A] : memref<10240x16xf32, #tpu.memory_space<vmem_shared>> -> memref<640x16xf32, #tpu.memory_space<vmem_shared>>
      %dma_start3A_21 = arith.constant 0 : i32
      %dma_start3A_22 = tpu.memref_slice %arg8[%mul3A_0, %dma_start3A_21] : memref<10240x16xf32, #tpu.memory_space<vmem_shared>> -> memref<640x16xf32, #tpu.memory_space<vmem_shared>>
      tpu.enqueue_dma source(%arg16 : memref<640x16xf32, #tpu.memory_space<vmem>>) target(%dma_start3A_22 : memref<640x16xf32, #tpu.memory_space<vmem_shared>>) target_semaphore(%run_scoped3A : memref<!tpu.dma_semaphore, #tpu.memory_space<semaphore_mem>>)
      %dma_wait3A = arith.constant 0 : i32
      %dma_wait3A_23 = tpu.memref_slice %arg8[%mul3A_0, %dma_wait3A] : memref<10240x16xf32, #tpu.memory_space<vmem_shared>> -> memref<640x16xf32, #tpu.memory_space<vmem_shared>>
      %dma_wait3A_24 = arith.constant 0 : i32
      %dma_wait3A_25 = tpu.memref_slice %arg8[%mul3A_0, %dma_wait3A_24] : memref<10240x16xf32, #tpu.memory_space<vmem_shared>> -> memref<640x16xf32, #tpu.memory_space<vmem_shared>>
      tpu.wait_dma2 semaphore(%run_scoped3A : memref<!tpu.dma_semaphore, #tpu.memory_space<semaphore_mem>>) src(%arg16 : memref<640x16xf32, #tpu.memory_space<vmem>>) dst(%dma_wait3A_25 : memref<640x16xf32, #tpu.memory_space<vmem_shared>>)
      tpu.yield
    }) : () -> ()
    %scan3A_7 = arith.constant 0 : i32
    %scan3A_8 = arith.constant 0 : i32
    %scan3A_9 = arith.constant 640 : i32
    %scan3A_10 = arith.addi %scan3A_8, %scan3A_9 : i32
    %scan3A_11 = arith.constant 1 : i32
    %scan3A_12 = scf.for %scan3A_20 = %scan3A_8 to %scan3A_10 step %scan3A_11 iter_args(%scan3A_21 = %scan3A_7) -> (i32)  : i32 {
      %broadcast_in_dim3A = arith.constant 0.000000e+00 : f32
      %broadcast_in_dim3A_22 = vector.broadcast %broadcast_in_dim3A : f32 to vector<16xf32>
      %swap3A = arith.index_cast %scan3A_20 : i32 to index
      %swap3A_23 = arith.constant 0 : index
      %swap3A_24 = tpu.vector_load %arg17[%swap3A, %swap3A_23] {strides = array<i32>} : memref<640x16xf32, #tpu.memory_space<vmem>>, vector<1x16xf32>,
      %swap3A_25 = vector.shape_cast %swap3A_24 : vector<1x16xf32> to vector<16xf32>
      %swap3A_26 = vector.shape_cast %broadcast_in_dim3A_22 : vector<16xf32> to vector<1x16xf32>
      tpu.vector_store %arg17[%swap3A, %swap3A_23], %swap3A_26 {strides = array<i32>} : memref<640x16xf32, #tpu.memory_space<vmem>>, vector<1x16xf32>,
      %scan3A_27 = arith.constant 0 : i32
      scf.yield %scan3A_27 : i32
    }
    %scan3A_13 = arith.constant 640 : i32
    "tpu.region"() ({
      %run_scoped3A = tpu.sem_alloc : memref<!tpu.dma_semaphore, #tpu.memory_space<semaphore_mem>>
      %dma_start3A = arith.constant 0 : i32
      %dma_start3A_20 = tpu.memref_slice %arg9[%mul3A_0, %dma_start3A] : memref<10240x16xf32, #tpu.memory_space<vmem_shared>> -> memref<640x16xf32, #tpu.memory_space<vmem_shared>>
      %dma_start3A_21 = arith.constant 0 : i32
      %dma_start3A_22 = tpu.memref_slice %arg9[%mul3A_0, %dma_start3A_21] : memref<10240x16xf32, #tpu.memory_space<vmem_shared>> -> memref<640x16xf32, #tpu.memory_space<vmem_shared>>
      tpu.enqueue_dma source(%arg17 : memref<640x16xf32, #tpu.memory_space<vmem>>) target(%dma_start3A_22 : memref<640x16xf32, #tpu.memory_space<vmem_shared>>) target_semaphore(%run_scoped3A : memref<!tpu.dma_semaphore, #tpu.memory_space<semaphore_mem>>)
      %dma_wait3A = arith.constant 0 : i32
      %dma_wait3A_23 = tpu.memref_slice %arg9[%mul3A_0, %dma_wait3A] : memref<10240x16xf32, #tpu.memory_space<vmem_shared>> -> memref<640x16xf32, #tpu.memory_space<vmem_shared>>
      %dma_wait3A_24 = arith.constant 0 : i32
      %dma_wait3A_25 = tpu.memref_slice %arg9[%mul3A_0, %dma_wait3A_24] : memref<10240x16xf32, #tpu.memory_space<vmem_shared>> -> memref<640x16xf32, #tpu.memory_space<vmem_shared>>
      tpu.wait_dma2 semaphore(%run_scoped3A : memref<!tpu.dma_semaphore, #tpu.memory_space<semaphore_mem>>) src(%arg17 : memref<640x16xf32, #tpu.memory_space<vmem>>) dst(%dma_wait3A_25 : memref<640x16xf32, #tpu.memory_space<vmem_shared>>)
      tpu.yield
    }) : () -> ()
    %barrier3A = arith.constant 0 : index
    tpu.barrier barrier_id(%barrier3A)
    %scan3A_14 = arith.constant 0 : i32
    %scan3A_15 = arith.constant 0 : i32
    %scan3A_16 = arith.constant 64 : i32
    %scan3A_17 = arith.addi %scan3A_15, %scan3A_16 : i32
    %scan3A_18 = arith.constant 1 : i32
    scf.for %scan3A_20 = %scan3A_15 to %scan3A_17 step %scan3A_18  : i32 {
      %dma_start3A = arith.constant 0 : i32
      %dma_start3A_21 = arith.constant 0 : i32
      %dma_start3A_22 = arith.constant 0 : i32
      %dma_start3A_23 = arith.constant 0 : i32
      %dma_start3A_24 = tpu.memref_slice %arg12[%dma_start3A_21, %dma_start3A_22, %dma_start3A_23] : memref<6x128x16xf32, #tpu.memory_space<vmem>> -> memref<1x128x16xf32, #tpu.memory_space<vmem>>
      %dma_start3A_25 = tpu.memref_squeeze %dma_start3A_24 : memref<1x128x16xf32, #tpu.memory_space<vmem>> -> memref<128x16xf32, #tpu.memory_space<vmem>>
      %dma_start3A_26 = arith.constant 0 : i32
      %dma_start3A_27 = tpu.memref_slice %arg10[%dma_start3A, %dma_start3A_26] : memref<79x128xi32, #tpu.memory_space<vmem>> -> memref<1x128xi32, #tpu.memory_space<vmem>>
      %dma_start3A_28 = tpu.memref_squeeze %dma_start3A_27 : memref<1x128xi32, #tpu.memory_space<vmem>> -> memref<128xi32, #tpu.memory_space<vmem>>
      %dma_start3A_29 = arith.constant 0 : i32
      %dma_start3A_30 = arith.constant 0 : i32
      %dma_start3A_31 = tpu.memref_slice %arg8[%dma_start3A_29, %dma_start3A_30] : memref<10240x16xf32, #tpu.memory_space<vmem_shared>> -> memref<10240x16xf32, #tpu.memory_space<vmem_shared>>
      tpu.enqueue_indirect_dma source(%dma_start3A_31 : memref<10240x16xf32, #tpu.memory_space<vmem_shared>>) target(%dma_start3A_25 : memref<128x16xf32, #tpu.memory_space<vmem>>) offsets(%dma_start3A_28 : memref<128xi32, #tpu.memory_space<vmem>>) semaphore(%arg18 : memref<!tpu.dma_semaphore, #tpu.memory_space<semaphore_mem>>)
      %dma_start3A_32 = arith.constant 1 : i32
      %dma_start3A_33 = arith.constant 1 : i32
      %dma_start3A_34 = arith.constant 0 : i32
      %dma_start3A_35 = arith.constant 0 : i32
      %dma_start3A_36 = tpu.memref_slice %arg12[%dma_start3A_33, %dma_start3A_34, %dma_start3A_35] : memref<6x128x16xf32, #tpu.memory_space<vmem>> -> memref<1x128x16xf32, #tpu.memory_space<vmem>>
      %dma_start3A_37 = tpu.memref_squeeze %dma_start3A_36 : memref<1x128x16xf32, #tpu.memory_space<vmem>> -> memref<128x16xf32, #tpu.memory_space<vmem>>
      %dma_start3A_38 = arith.constant 0 : i32
      %dma_start3A_39 = tpu.memref_slice %arg10[%dma_start3A_32, %dma_start3A_38] : memref<79x128xi32, #tpu.memory_space<vmem>> -> memref<1x128xi32, #tpu.memory_space<vmem>>
      %dma_start3A_40 = tpu.memref_squeeze %dma_start3A_39 : memref<1x128xi32, #tpu.memory_space<vmem>> -> memref<128xi32, #tpu.memory_space<vmem>>
      %dma_start3A_41 = arith.constant 0 : i32
      %dma_start3A_42 = arith.constant 0 : i32
      %dma_start3A_43 = tpu.memref_slice %arg8[%dma_start3A_41, %dma_start3A_42] : memref<10240x16xf32, #tpu.memory_space<vmem_shared>> -> memref<10240x16xf32, #tpu.memory_space<vmem_shared>>
      tpu.enqueue_indirect_dma source(%dma_start3A_43 : memref<10240x16xf32, #tpu.memory_space<vmem_shared>>) target(%dma_start3A_37 : memref<128x16xf32, #tpu.memory_space<vmem>>) offsets(%dma_start3A_40 : memref<128xi32, #tpu.memory_space<vmem>>) semaphore(%arg18 : memref<!tpu.dma_semaphore, #tpu.memory_space<semaphore_mem>>)
      %dma_start3A_44 = arith.constant 2 : i32
      %dma_start3A_45 = arith.constant 2 : i32
      %dma_start3A_46 = arith.constant 0 : i32
      %dma_start3A_47 = arith.constant 0 : i32
      %dma_start3A_48 = tpu.memref_slice %arg12[%dma_start3A_45, %dma_start3A_46, %dma_start3A_47] : memref<6x128x16xf32, #tpu.memory_space<vmem>> -> memref<1x128x16xf32, #tpu.memory_space<vmem>>
      %dma_start3A_49 = tpu.memref_squeeze %dma_start3A_48 : memref<1x128x16xf32, #tpu.memory_space<vmem>> -> memref<128x16xf32, #tpu.memory_space<vmem>>
      %dma_start3A_50 = arith.constant 0 : i32
      %dma_start3A_51 = tpu.memref_slice %arg10[%dma_start3A_44, %dma_start3A_50] : memref<79x128xi32, #tpu.memory_space<vmem>> -> memref<1x128xi32, #tpu.memory_space<vmem>>
      %dma_start3A_52 = tpu.memref_squeeze %dma_start3A_51 : memref<1x128xi32, #tpu.memory_space<vmem>> -> memref<128xi32, #tpu.memory_space<vmem>>
      %dma_start3A_53 = arith.constant 0 : i32
      %dma_start3A_54 = arith.constant 0 : i32
      %dma_start3A_55 = tpu.memref_slice %arg8[%dma_start3A_53, %dma_start3A_54] : memref<10240x16xf32, #tpu.memory_space<vmem_shared>> -> memref<10240x16xf32, #tpu.memory_space<vmem_shared>>
      tpu.enqueue_indirect_dma source(%dma_start3A_55 : memref<10240x16xf32, #tpu.memory_space<vmem_shared>>) target(%dma_start3A_49 : memref<128x16xf32, #tpu.memory_space<vmem>>) offsets(%dma_start3A_52 : memref<128xi32, #tpu.memory_space<vmem>>) semaphore(%arg18 : memref<!tpu.dma_semaphore, #tpu.memory_space<semaphore_mem>>)
      %scan3A_56 = arith.constant 0 : i32
      %scan3A_57 = arith.constant 0 : i32
      %scan3A_58 = arith.constant 79 : i32
      %scan3A_59 = arith.addi %scan3A_57, %scan3A_58 : i32
      %scan3A_60 = arith.constant 1 : i32
      %scan3A_61 = scf.for %scan3A_79 = %scan3A_57 to %scan3A_59 step %scan3A_60 iter_args(%scan3A_80 = %scan3A_56) -> (i32)  : i32 {
        %rem3A = arith.constant 6 : i32
        %rem3A_81 = arith.remsi %scan3A_79, %rem3A : i32
        %dma_wait3A = arith.constant 0 : i32
        %dma_wait3A_82 = arith.constant 0 : i32
        %dma_wait3A_83 = tpu.memref_slice %arg12[%rem3A_81, %dma_wait3A, %dma_wait3A_82] : memref<6x128x16xf32, #tpu.memory_space<vmem>> -> memref<1x128x16xf32, #tpu.memory_space<vmem>>
        %dma_wait3A_84 = tpu.memref_squeeze %dma_wait3A_83 : memref<1x128x16xf32, #tpu.memory_space<vmem>> -> memref<128x16xf32, #tpu.memory_space<vmem>>
        %dma_wait3A_85 = arith.constant 0 : i32
        %dma_wait3A_86 = tpu.memref_slice %arg10[%scan3A_79, %dma_wait3A_85] : memref<79x128xi32, #tpu.memory_space<vmem>> -> memref<1x128xi32, #tpu.memory_space<vmem>>
        %dma_wait3A_87 = tpu.memref_squeeze %dma_wait3A_86 : memref<1x128xi32, #tpu.memory_space<vmem>> -> memref<128xi32, #tpu.memory_space<vmem>>
        %dma_wait3A_88 = arith.constant 0 : i32
        %dma_wait3A_89 = arith.constant 0 : i32
        %dma_wait3A_90 = tpu.memref_slice %arg8[%dma_wait3A_88, %dma_wait3A_89] : memref<10240x16xf32, #tpu.memory_space<vmem_shared>> -> memref<10240x16xf32, #tpu.memory_space<vmem_shared>>
        tpu.wait_indirect_dma semaphore(%arg18 : memref<!tpu.dma_semaphore, #tpu.memory_space<semaphore_mem>>) src(%dma_wait3A_90 : memref<10240x16xf32, #tpu.memory_space<vmem_shared>>) dst(%dma_wait3A_84 : memref<128x16xf32, #tpu.memory_space<vmem>>)
        %ge3A = arith.constant 3 : i32
        %ge3A_91 = arith.cmpi sge, %scan3A_79, %ge3A : i32
        %convert_element_type3A = arith.extui %ge3A_91 : i1 to i32
        %cond3A = arith.constant 0 : i32
        %cond3A_92 = arith.cmpi ne, %convert_element_type3A, %cond3A : i32
        scf.if %cond3A_92 {
          %sub3A = arith.constant 3 : i32
          %sub3A_108 = arith.subi %scan3A_79, %sub3A : i32
          %rem3A_109 = arith.constant 6 : i32
          %rem3A_110 = arith.remsi %sub3A_108, %rem3A_109 : i32
          %sub3A_111 = arith.constant 3 : i32
          %sub3A_112 = arith.subi %scan3A_79, %sub3A_111 : i32
          %dma_wait3A_113 = arith.constant 0 : i32
          %dma_wait3A_114 = arith.constant 0 : i32
          %dma_wait3A_115 = tpu.memref_slice %arg12[%rem3A_110, %dma_wait3A_113, %dma_wait3A_114] : memref<6x128x16xf32, #tpu.memory_space<vmem>> -> memref<1x128x16xf32, #tpu.memory_space<vmem>>
          %dma_wait3A_116 = tpu.memref_squeeze %dma_wait3A_115 : memref<1x128x16xf32, #tpu.memory_space<vmem>> -> memref<128x16xf32, #tpu.memory_space<vmem>>
          %dma_wait3A_117 = arith.constant 0 : i32
          %dma_wait3A_118 = tpu.memref_slice %arg11[%sub3A_112, %dma_wait3A_117] : memref<79x128xi32, #tpu.memory_space<vmem>> -> memref<1x128xi32, #tpu.memory_space<vmem>>
          %dma_wait3A_119 = tpu.memref_squeeze %dma_wait3A_118 : memref<1x128xi32, #tpu.memory_space<vmem>> -> memref<128xi32, #tpu.memory_space<vmem>>
          %dma_wait3A_120 = arith.constant 0 : i32
          %dma_wait3A_121 = arith.constant 0 : i32
          %dma_wait3A_122 = tpu.memref_slice %arg9[%dma_wait3A_120, %dma_wait3A_121] : memref<10240x16xf32, #tpu.memory_space<vmem_shared>> -> memref<10240x16xf32, #tpu.memory_space<vmem_shared>>
          tpu.wait_indirect_dma semaphore(%arg19 : memref<!tpu.dma_semaphore, #tpu.memory_space<semaphore_mem>>) src(%dma_wait3A_116 : memref<128x16xf32, #tpu.memory_space<vmem>>) dst(%dma_wait3A_122 : memref<10240x16xf32, #tpu.memory_space<vmem_shared>>)
        } else {
        }
        %lt3A = arith.constant 76 : i32
        %lt3A_93 = arith.cmpi slt, %scan3A_79, %lt3A : i32
        %convert_element_type3A_94 = arith.extui %lt3A_93 : i1 to i32
        %cond3A_95 = arith.constant 0 : i32
        %cond3A_96 = arith.cmpi ne, %convert_element_type3A_94, %cond3A_95 : i32
        scf.if %cond3A_96 {
          %add3A = arith.constant 3 : i32
          %add3A_108 = arith.addi %scan3A_79, %add3A : i32
          %add3A_109 = arith.constant 3 : i32
          %add3A_110 = arith.addi %scan3A_79, %add3A_109 : i32
          %rem3A_111 = arith.constant 6 : i32
          %rem3A_112 = arith.remsi %add3A_110, %rem3A_111 : i32
          %dma_start3A_113 = arith.constant 0 : i32
          %dma_start3A_114 = arith.constant 0 : i32
          %dma_start3A_115 = tpu.memref_slice %arg12[%rem3A_112, %dma_start3A_113, %dma_start3A_114] : memref<6x128x16xf32, #tpu.memory_space<vmem>> -> memref<1x128x16xf32, #tpu.memory_space<vmem>>
          %dma_start3A_116 = tpu.memref_squeeze %dma_start3A_115 : memref<1x128x16xf32, #tpu.memory_space<vmem>> -> memref<128x16xf32, #tpu.memory_space<vmem>>
          %dma_start3A_117 = arith.constant 0 : i32
          %dma_start3A_118 = tpu.memref_slice %arg10[%add3A_108, %dma_start3A_117] : memref<79x128xi32, #tpu.memory_space<vmem>> -> memref<1x128xi32, #tpu.memory_space<vmem>>
          %dma_start3A_119 = tpu.memref_squeeze %dma_start3A_118 : memref<1x128xi32, #tpu.memory_space<vmem>> -> memref<128xi32, #tpu.memory_space<vmem>>
          %dma_start3A_120 = arith.constant 0 : i32
          %dma_start3A_121 = arith.constant 0 : i32
          %dma_start3A_122 = tpu.memref_slice %arg8[%dma_start3A_120, %dma_start3A_121] : memref<10240x16xf32, #tpu.memory_space<vmem_shared>> -> memref<10240x16xf32, #tpu.memory_space<vmem_shared>>
          tpu.enqueue_indirect_dma source(%dma_start3A_122 : memref<10240x16xf32, #tpu.memory_space<vmem_shared>>) target(%dma_start3A_116 : memref<128x16xf32, #tpu.memory_space<vmem>>) offsets(%dma_start3A_119 : memref<128xi32, #tpu.memory_space<vmem>>) semaphore(%arg18 : memref<!tpu.dma_semaphore, #tpu.memory_space<semaphore_mem>>)
        } else {
        }
        %dma_start3A_97 = arith.constant 0 : i32
        %dma_start3A_98 = arith.constant 0 : i32
        %dma_start3A_99 = tpu.memref_slice %arg12[%rem3A_81, %dma_start3A_97, %dma_start3A_98] : memref<6x128x16xf32, #tpu.memory_space<vmem>> -> memref<1x128x16xf32, #tpu.memory_space<vmem>>
        %dma_start3A_100 = tpu.memref_squeeze %dma_start3A_99 : memref<1x128x16xf32, #tpu.memory_space<vmem>> -> memref<128x16xf32, #tpu.memory_space<vmem>>
        %dma_start3A_101 = arith.constant 0 : i32
        %dma_start3A_102 = tpu.memref_slice %arg11[%scan3A_79, %dma_start3A_101] : memref<79x128xi32, #tpu.memory_space<vmem>> -> memref<1x128xi32, #tpu.memory_space<vmem>>
        %dma_start3A_103 = tpu.memref_squeeze %dma_start3A_102 : memref<1x128xi32, #tpu.memory_space<vmem>> -> memref<128xi32, #tpu.memory_space<vmem>>
        %dma_start3A_104 = arith.constant 0 : i32
        %dma_start3A_105 = arith.constant 0 : i32
        %dma_start3A_106 = tpu.memref_slice %arg9[%dma_start3A_104, %dma_start3A_105] : memref<10240x16xf32, #tpu.memory_space<vmem_shared>> -> memref<10240x16xf32, #tpu.memory_space<vmem_shared>>
        tpu.enqueue_indirect_dma source(%dma_start3A_100 : memref<128x16xf32, #tpu.memory_space<vmem>>) target(%dma_start3A_106 : memref<10240x16xf32, #tpu.memory_space<vmem_shared>>) offsets(%dma_start3A_103 : memref<128xi32, #tpu.memory_space<vmem>>) semaphore(%arg19 : memref<!tpu.dma_semaphore, #tpu.memory_space<semaphore_mem>>) {add = true}
        %scan3A_107 = arith.constant 0 : i32
        scf.yield %scan3A_107 : i32
      }
      %scan3A_62 = arith.constant 79 : i32
      %scan3A_63 = arith.constant 0 : i32
      %scan3A_64 = arith.constant 76 : i32
      %scan3A_65 = arith.constant 3 : i32
      %scan3A_66 = arith.addi %scan3A_64, %scan3A_65 : i32
      %scan3A_67 = arith.constant 1 : i32
      %scan3A_68 = scf.for %scan3A_79 = %scan3A_64 to %scan3A_66 step %scan3A_67 iter_args(%scan3A_80 = %scan3A_63) -> (i32)  : i32 {
        %rem3A = arith.constant 6 : i32
        %rem3A_81 = arith.remsi %scan3A_79, %rem3A : i32
        %dma_wait3A = arith.constant 0 : i32
        %dma_wait3A_82 = arith.constant 0 : i32
        %dma_wait3A_83 = tpu.memref_slice %arg12[%rem3A_81, %dma_wait3A, %dma_wait3A_82] : memref<6x128x16xf32, #tpu.memory_space<vmem>> -> memref<1x128x16xf32, #tpu.memory_space<vmem>>
        %dma_wait3A_84 = tpu.memref_squeeze %dma_wait3A_83 : memref<1x128x16xf32, #tpu.memory_space<vmem>> -> memref<128x16xf32, #tpu.memory_space<vmem>>
        %dma_wait3A_85 = arith.constant 0 : i32
        %dma_wait3A_86 = tpu.memref_slice %arg11[%scan3A_79, %dma_wait3A_85] : memref<79x128xi32, #tpu.memory_space<vmem>> -> memref<1x128xi32, #tpu.memory_space<vmem>>
        %dma_wait3A_87 = tpu.memref_squeeze %dma_wait3A_86 : memref<1x128xi32, #tpu.memory_space<vmem>> -> memref<128xi32, #tpu.memory_space<vmem>>
        %dma_wait3A_88 = arith.constant 0 : i32
        %dma_wait3A_89 = arith.constant 0 : i32
        %dma_wait3A_90 = tpu.memref_slice %arg9[%dma_wait3A_88, %dma_wait3A_89] : memref<10240x16xf32, #tpu.memory_space<vmem_shared>> -> memref<10240x16xf32, #tpu.memory_space<vmem_shared>>
        tpu.wait_indirect_dma semaphore(%arg19 : memref<!tpu.dma_semaphore, #tpu.memory_space<semaphore_mem>>) src(%dma_wait3A_84 : memref<128x16xf32, #tpu.memory_space<vmem>>) dst(%dma_wait3A_90 : memref<10240x16xf32, #tpu.memory_space<vmem_shared>>)
        %scan3A_91 = arith.constant 0 : i32
        scf.yield %scan3A_91 : i32
      }
      %scan3A_69 = arith.constant 3 : i32
      %barrier3A_70 = arith.constant 0 : index
      tpu.barrier barrier_id(%barrier3A_70)
      "tpu.region"() ({
        %run_scoped3A = tpu.sem_alloc : memref<!tpu.dma_semaphore, #tpu.memory_space<semaphore_mem>>
        %dma_start3A_79 = arith.constant 0 : i32
        %dma_start3A_80 = tpu.memref_slice %arg9[%mul3A_0, %dma_start3A_79] : memref<10240x16xf32, #tpu.memory_space<vmem_shared>> -> memref<640x16xf32, #tpu.memory_space<vmem_shared>>
        %dma_start3A_81 = arith.constant 0 : i32
        %dma_start3A_82 = tpu.memref_slice %arg9[%mul3A_0, %dma_start3A_81] : memref<10240x16xf32, #tpu.memory_space<vmem_shared>> -> memref<640x16xf32, #tpu.memory_space<vmem_shared>>
        tpu.enqueue_dma source(%dma_start3A_82 : memref<640x16xf32, #tpu.memory_space<vmem_shared>>) target(%arg16 : memref<640x16xf32, #tpu.memory_space<vmem>>) target_semaphore(%run_scoped3A : memref<!tpu.dma_semaphore, #tpu.memory_space<semaphore_mem>>)
        %dma_wait3A = arith.constant 0 : i32
        %dma_wait3A_83 = tpu.memref_slice %arg9[%mul3A_0, %dma_wait3A] : memref<10240x16xf32, #tpu.memory_space<vmem_shared>> -> memref<640x16xf32, #tpu.memory_space<vmem_shared>>
        %dma_wait3A_84 = arith.constant 0 : i32
        %dma_wait3A_85 = tpu.memref_slice %arg9[%mul3A_0, %dma_wait3A_84] : memref<10240x16xf32, #tpu.memory_space<vmem_shared>> -> memref<640x16xf32, #tpu.memory_space<vmem_shared>>
        tpu.wait_dma2 semaphore(%run_scoped3A : memref<!tpu.dma_semaphore, #tpu.memory_space<semaphore_mem>>) src(%dma_wait3A_85 : memref<640x16xf32, #tpu.memory_space<vmem_shared>>) dst(%arg16 : memref<640x16xf32, #tpu.memory_space<vmem>>)
        tpu.yield
      }) : () -> ()
      "tpu.region"() ({
        %run_scoped3A = tpu.sem_alloc : memref<!tpu.dma_semaphore, #tpu.memory_space<semaphore_mem>>
        %dma_start3A_79 = arith.constant 0 : i32
        %dma_start3A_80 = tpu.memref_slice %arg9[%mul3A_0, %dma_start3A_79] : memref<10240x16xf32, #tpu.memory_space<vmem_shared>> -> memref<640x16xf32, #tpu.memory_space<vmem_shared>>
        %dma_start3A_81 = arith.constant 0 : i32
        %dma_start3A_82 = tpu.memref_slice %arg9[%mul3A_0, %dma_start3A_81] : memref<10240x16xf32, #tpu.memory_space<vmem_shared>> -> memref<640x16xf32, #tpu.memory_space<vmem_shared>>
        tpu.enqueue_dma source(%arg17 : memref<640x16xf32, #tpu.memory_space<vmem>>) target(%dma_start3A_82 : memref<640x16xf32, #tpu.memory_space<vmem_shared>>) target_semaphore(%run_scoped3A : memref<!tpu.dma_semaphore, #tpu.memory_space<semaphore_mem>>)
        %dma_wait3A = arith.constant 0 : i32
        %dma_wait3A_83 = tpu.memref_slice %arg9[%mul3A_0, %dma_wait3A] : memref<10240x16xf32, #tpu.memory_space<vmem_shared>> -> memref<640x16xf32, #tpu.memory_space<vmem_shared>>
        %dma_wait3A_84 = arith.constant 0 : i32
        %dma_wait3A_85 = tpu.memref_slice %arg9[%mul3A_0, %dma_wait3A_84] : memref<10240x16xf32, #tpu.memory_space<vmem_shared>> -> memref<640x16xf32, #tpu.memory_space<vmem_shared>>
        tpu.wait_dma2 semaphore(%run_scoped3A : memref<!tpu.dma_semaphore, #tpu.memory_space<semaphore_mem>>) src(%arg17 : memref<640x16xf32, #tpu.memory_space<vmem>>) dst(%dma_wait3A_85 : memref<640x16xf32, #tpu.memory_space<vmem_shared>>)
        tpu.yield
      }) : () -> ()
      %scan3A_71 = arith.constant 0 : i32
      %scan3A_72 = arith.constant 0 : i32
      %scan3A_73 = arith.constant 320 : i32
      %scan3A_74 = arith.addi %scan3A_72, %scan3A_73 : i32
      %scan3A_75 = arith.constant 1 : i32
      %scan3A_76 = scf.for %scan3A_79 = %scan3A_72 to %scan3A_74 step %scan3A_75 iter_args(%scan3A_80 = %scan3A_71) -> (i32)  : i32 {
        %mul3A_81 = arith.constant 2 : i32
        %mul3A_82 = arith.muli %mul3A_81, %scan3A_79 : i32
        %get3A = arith.index_cast %mul3A_82 : i32 to index
        %get3A_83 = arith.constant 0 : index
        %get3A_84 = tpu.vector_load %arg15[%get3A, %get3A_83] {strides = array<i32>} : memref<640x16xf32, #tpu.memory_space<vmem>>, vector<1x16xf32>,
        %get3A_85 = vector.shape_cast %get3A_84 : vector<1x16xf32> to vector<16xf32>
        %add3A = arith.constant 1 : i32
        %add3A_86 = arith.addi %mul3A_82, %add3A : i32
        %get3A_87 = arith.index_cast %add3A_86 : i32 to index
        %get3A_88 = arith.constant 0 : index
        %get3A_89 = tpu.vector_load %arg15[%get3A_87, %get3A_88] {strides = array<i32>} : memref<640x16xf32, #tpu.memory_space<vmem>>, vector<1x16xf32>,
        %get3A_90 = vector.shape_cast %get3A_89 : vector<1x16xf32> to vector<16xf32>
        %get3A_91 = arith.index_cast %mul3A_82 : i32 to index
        %get3A_92 = arith.constant 0 : index
        %get3A_93 = tpu.vector_load %arg13[%get3A_91, %get3A_92] {strides = array<i32>} : memref<640x16xf32, #tpu.memory_space<vmem>>, vector<1x16xf32>,
        %get3A_94 = vector.shape_cast %get3A_93 : vector<1x16xf32> to vector<16xf32>
        %mul3A_95 = arith.constant 5.000000e-01 : f32
        %mul3A_96 = vector.broadcast %mul3A_95 : f32 to vector<16xf32>
        %mul3A_97 = arith.mulf %mul3A_96, %get3A_94 : vector<16xf32>
        %get3A_98 = arith.index_cast %mul3A_82 : i32 to index
        %get3A_99 = arith.constant 0 : index
        %get3A_100 = tpu.vector_load %arg16[%get3A_98, %get3A_99] {strides = array<i32>} : memref<640x16xf32, #tpu.memory_space<vmem>>, vector<1x16xf32>,
        %get3A_101 = vector.shape_cast %get3A_100 : vector<1x16xf32> to vector<16xf32>
        %mul3A_102 = arith.mulf %get3A_85, %get3A_101 : vector<16xf32>
        %mul3A_103 = arith.constant 5.000000e-01 : f32
        %mul3A_104 = vector.broadcast %mul3A_103 : f32 to vector<16xf32>
        %mul3A_105 = arith.mulf %mul3A_104, %mul3A_102 : vector<16xf32>
        %add3A_106 = arith.addf %mul3A_97, %mul3A_105 : vector<16xf32>
        %get3A_107 = arith.index_cast %mul3A_82 : i32 to index
        %get3A_108 = arith.constant 0 : index
        %get3A_109 = tpu.vector_load %arg14[%get3A_107, %get3A_108] {strides = array<i32>} : memref<640x16xf32, #tpu.memory_space<vmem>>, vector<1x16xf32>,
        %get3A_110 = vector.shape_cast %get3A_109 : vector<1x16xf32> to vector<16xf32>
        %add3A_111 = arith.addf %add3A_106, %get3A_110 : vector<16xf32>
        %add3A_112 = arith.constant 1 : i32
        %add3A_113 = arith.addi %mul3A_82, %add3A_112 : i32
        %get3A_114 = arith.index_cast %add3A_113 : i32 to index
        %get3A_115 = arith.constant 0 : index
        %get3A_116 = tpu.vector_load %arg13[%get3A_114, %get3A_115] {strides = array<i32>} : memref<640x16xf32, #tpu.memory_space<vmem>>, vector<1x16xf32>,
        %get3A_117 = vector.shape_cast %get3A_116 : vector<1x16xf32> to vector<16xf32>
        %mul3A_118 = arith.constant 5.000000e-01 : f32
        %mul3A_119 = vector.broadcast %mul3A_118 : f32 to vector<16xf32>
        %mul3A_120 = arith.mulf %mul3A_119, %get3A_117 : vector<16xf32>
        %add3A_121 = arith.constant 1 : i32
        %add3A_122 = arith.addi %mul3A_82, %add3A_121 : i32
        %get3A_123 = arith.index_cast %add3A_122 : i32 to index
        %get3A_124 = arith.constant 0 : index
        %get3A_125 = tpu.vector_load %arg16[%get3A_123, %get3A_124] {strides = array<i32>} : memref<640x16xf32, #tpu.memory_space<vmem>>, vector<1x16xf32>,
        %get3A_126 = vector.shape_cast %get3A_125 : vector<1x16xf32> to vector<16xf32>
        %mul3A_127 = arith.mulf %get3A_90, %get3A_126 : vector<16xf32>
        %mul3A_128 = arith.constant 5.000000e-01 : f32
        %mul3A_129 = vector.broadcast %mul3A_128 : f32 to vector<16xf32>
        %mul3A_130 = arith.mulf %mul3A_129, %mul3A_127 : vector<16xf32>
        %add3A_131 = arith.addf %mul3A_120, %mul3A_130 : vector<16xf32>
        %add3A_132 = arith.constant 1 : i32
        %add3A_133 = arith.addi %mul3A_82, %add3A_132 : i32
        %get3A_134 = arith.index_cast %add3A_133 : i32 to index
        %get3A_135 = arith.constant 0 : index
        %get3A_136 = tpu.vector_load %arg14[%get3A_134, %get3A_135] {strides = array<i32>} : memref<640x16xf32, #tpu.memory_space<vmem>>, vector<1x16xf32>,
        %get3A_137 = vector.shape_cast %get3A_136 : vector<1x16xf32> to vector<16xf32>
        %add3A_138 = arith.addf %add3A_131, %get3A_137 : vector<16xf32>
        %swap3A = arith.index_cast %mul3A_82 : i32 to index
        %swap3A_139 = arith.constant 0 : index
        %swap3A_140 = tpu.vector_load %arg13[%swap3A, %swap3A_139] {strides = array<i32>} : memref<640x16xf32, #tpu.memory_space<vmem>>, vector<1x16xf32>,
        %swap3A_141 = vector.shape_cast %swap3A_140 : vector<1x16xf32> to vector<16xf32>
        %swap3A_142 = vector.shape_cast %add3A_111 : vector<16xf32> to vector<1x16xf32>
        tpu.vector_store %arg13[%swap3A, %swap3A_139], %swap3A_142 {strides = array<i32>} : memref<640x16xf32, #tpu.memory_space<vmem>>, vector<1x16xf32>,
        %add3A_143 = arith.constant 1 : i32
        %add3A_144 = arith.addi %mul3A_82, %add3A_143 : i32
        %swap3A_145 = arith.index_cast %add3A_144 : i32 to index
        %swap3A_146 = arith.constant 0 : index
        %swap3A_147 = tpu.vector_load %arg13[%swap3A_145, %swap3A_146] {strides = array<i32>} : memref<640x16xf32, #tpu.memory_space<vmem>>, vector<1x16xf32>,
        %swap3A_148 = vector.shape_cast %swap3A_147 : vector<1x16xf32> to vector<16xf32>
        %swap3A_149 = vector.shape_cast %add3A_138 : vector<16xf32> to vector<1x16xf32>
        tpu.vector_store %arg13[%swap3A_145, %swap3A_146], %swap3A_149 {strides = array<i32>} : memref<640x16xf32, #tpu.memory_space<vmem>>, vector<1x16xf32>,
        %mul3A_150 = arith.mulf %get3A_85, %add3A_111 : vector<16xf32>
        %swap3A_151 = arith.index_cast %mul3A_82 : i32 to index
        %swap3A_152 = arith.constant 0 : index
        %swap3A_153 = tpu.vector_load %arg16[%swap3A_151, %swap3A_152] {strides = array<i32>} : memref<640x16xf32, #tpu.memory_space<vmem>>, vector<1x16xf32>,
        %swap3A_154 = vector.shape_cast %swap3A_153 : vector<1x16xf32> to vector<16xf32>
        %swap3A_155 = vector.shape_cast %mul3A_150 : vector<16xf32> to vector<1x16xf32>
        tpu.vector_store %arg16[%swap3A_151, %swap3A_152], %swap3A_155 {strides = array<i32>} : memref<640x16xf32, #tpu.memory_space<vmem>>, vector<1x16xf32>,
        %mul3A_156 = arith.mulf %get3A_90, %add3A_138 : vector<16xf32>
        %add3A_157 = arith.constant 1 : i32
        %add3A_158 = arith.addi %mul3A_82, %add3A_157 : i32
        %swap3A_159 = arith.index_cast %add3A_158 : i32 to index
        %swap3A_160 = arith.constant 0 : index
        %swap3A_161 = tpu.vector_load %arg16[%swap3A_159, %swap3A_160] {strides = array<i32>} : memref<640x16xf32, #tpu.memory_space<vmem>>, vector<1x16xf32>,
        %swap3A_162 = vector.shape_cast %swap3A_161 : vector<1x16xf32> to vector<16xf32>
        %swap3A_163 = vector.shape_cast %mul3A_156 : vector<16xf32> to vector<1x16xf32>
        tpu.vector_store %arg16[%swap3A_159, %swap3A_160], %swap3A_163 {strides = array<i32>} : memref<640x16xf32, #tpu.memory_space<vmem>>, vector<1x16xf32>,
        %scan3A_164 = arith.constant 0 : i32
        scf.yield %scan3A_164 : i32
      }
      %scan3A_77 = arith.constant 320 : i32
      "tpu.region"() ({
        %run_scoped3A = tpu.sem_alloc : memref<!tpu.dma_semaphore, #tpu.memory_space<semaphore_mem>>
        %dma_start3A_79 = arith.constant 0 : i32
        %dma_start3A_80 = tpu.memref_slice %arg8[%mul3A_0, %dma_start3A_79] : memref<10240x16xf32, #tpu.memory_space<vmem_shared>> -> memref<640x16xf32, #tpu.memory_space<vmem_shared>>
        %dma_start3A_81 = arith.constant 0 : i32
        %dma_start3A_82 = tpu.memref_slice %arg8[%mul3A_0, %dma_start3A_81] : memref<10240x16xf32, #tpu.memory_space<vmem_shared>> -> memref<640x16xf32, #tpu.memory_space<vmem_shared>>
        tpu.enqueue_dma source(%arg16 : memref<640x16xf32, #tpu.memory_space<vmem>>) target(%dma_start3A_82 : memref<640x16xf32, #tpu.memory_space<vmem_shared>>) target_semaphore(%run_scoped3A : memref<!tpu.dma_semaphore, #tpu.memory_space<semaphore_mem>>)
        %dma_wait3A = arith.constant 0 : i32
        %dma_wait3A_83 = tpu.memref_slice %arg8[%mul3A_0, %dma_wait3A] : memref<10240x16xf32, #tpu.memory_space<vmem_shared>> -> memref<640x16xf32, #tpu.memory_space<vmem_shared>>
        %dma_wait3A_84 = arith.constant 0 : i32
        %dma_wait3A_85 = tpu.memref_slice %arg8[%mul3A_0, %dma_wait3A_84] : memref<10240x16xf32, #tpu.memory_space<vmem_shared>> -> memref<640x16xf32, #tpu.memory_space<vmem_shared>>
        tpu.wait_dma2 semaphore(%run_scoped3A : memref<!tpu.dma_semaphore, #tpu.memory_space<semaphore_mem>>) src(%arg16 : memref<640x16xf32, #tpu.memory_space<vmem>>) dst(%dma_wait3A_85 : memref<640x16xf32, #tpu.memory_space<vmem_shared>>)
        tpu.yield
      }) : () -> ()
      %barrier3A_78 = arith.constant 0 : index
      tpu.barrier barrier_id(%barrier3A_78)
    }
    %scan3A_19 = arith.constant 64 : i32
    "tpu.region"() ({
      %run_scoped3A = tpu.sem_alloc : memref<!tpu.dma_semaphore, #tpu.memory_space<semaphore_mem>>
      %dma_start3A = arith.constant 0 : i32
      %dma_start3A_20 = tpu.memref_slice %arg7[%arg0, %mul3A_0, %dma_start3A] : memref<2x10240x16xf32, #tpu.memory_space<hbm>> -> memref<1x640x16xf32, #tpu.memory_space<hbm>>
      %dma_start3A_21 = tpu.memref_squeeze %dma_start3A_20 : memref<1x640x16xf32, #tpu.memory_space<hbm>> -> memref<640x16xf32, #tpu.memory_space<hbm>>
      %dma_start3A_22 = arith.constant 0 : i32
      %dma_start3A_23 = tpu.memref_slice %arg7[%arg0, %mul3A_0, %dma_start3A_22] : memref<2x10240x16xf32, #tpu.memory_space<hbm>> -> memref<1x640x16xf32, #tpu.memory_space<hbm>>
      %dma_start3A_24 = tpu.memref_squeeze %dma_start3A_23 : memref<1x640x16xf32, #tpu.memory_space<hbm>> -> memref<640x16xf32, #tpu.memory_space<hbm>>
      tpu.enqueue_dma source(%arg13 : memref<640x16xf32, #tpu.memory_space<vmem>>) target(%dma_start3A_24 : memref<640x16xf32, #tpu.memory_space<hbm>>) target_semaphore(%run_scoped3A : memref<!tpu.dma_semaphore, #tpu.memory_space<semaphore_mem>>)
      %dma_wait3A = arith.constant 0 : i32
      %dma_wait3A_25 = tpu.memref_slice %arg7[%arg0, %mul3A_0, %dma_wait3A] : memref<2x10240x16xf32, #tpu.memory_space<hbm>> -> memref<1x640x16xf32, #tpu.memory_space<hbm>>
      %dma_wait3A_26 = tpu.memref_squeeze %dma_wait3A_25 : memref<1x640x16xf32, #tpu.memory_space<hbm>> -> memref<640x16xf32, #tpu.memory_space<hbm>>
      %dma_wait3A_27 = arith.constant 0 : i32
      %dma_wait3A_28 = tpu.memref_slice %arg7[%arg0, %mul3A_0, %dma_wait3A_27] : memref<2x10240x16xf32, #tpu.memory_space<hbm>> -> memref<1x640x16xf32, #tpu.memory_space<hbm>>
      %dma_wait3A_29 = tpu.memref_squeeze %dma_wait3A_28 : memref<1x640x16xf32, #tpu.memory_space<hbm>> -> memref<640x16xf32, #tpu.memory_space<hbm>>
      tpu.wait_dma2 semaphore(%run_scoped3A : memref<!tpu.dma_semaphore, #tpu.memory_space<semaphore_mem>>) src(%arg13 : memref<640x16xf32, #tpu.memory_space<vmem>>) dst(%dma_wait3A_29 : memref<640x16xf32, #tpu.memory_space<hbm>>)
      tpu.yield
    }) : () -> ()
    return
  }
}

#map = affine_map<(d0, d1) -> (0, 0, 0)>
#map1 = affine_map<(d0, d1) -> (0, 0)>
module attributes {stable_mosaic.version = 14 : i64} {
  func.func @_prop_kernel(%arg0: i32, %arg1: i32, %arg2: memref<2x10240x16xf32, #tpu.memory_space<hbm>>, %arg3: memref<2x10240x16xf32, #tpu.memory_space<hbm>>, %arg4: memref<10240x16xf32, #tpu.memory_space<hbm>>, %arg5: memref<16x79x128xi32, #tpu.memory_space<hbm>>, %arg6: memref<16x79x128xi32, #tpu.memory_space<hbm>>, %arg7: memref<2x10240x16xf32, #tpu.memory_space<hbm>>, %arg8: memref<10240x16xf32, #tpu.memory_space<vmem_shared>>, %arg9: memref<10240x16xf32, #tpu.memory_space<vmem_shared>>, %arg10: memref<79x128xi32, #tpu.memory_space<vmem>>, %arg11: memref<79x128xi32, #tpu.memory_space<vmem>>, %arg12: memref<6x128x16xf32, #tpu.memory_space<vmem>>, %arg13: memref<640x16xf32, #tpu.memory_space<vmem>>, %arg14: memref<640x16xf32, #tpu.memory_space<vmem>>, %arg15: memref<640x16xf32, #tpu.memory_space<vmem>>, %arg16: memref<640x16xf32, #tpu.memory_space<vmem>>, %arg17: memref<640x16xf32, #tpu.memory_space<vmem>>, %arg18: memref<!tpu.dma_semaphore, #tpu.memory_space<semaphore_mem>>, %arg19: memref<!tpu.dma_semaphore, #tpu.memory_space<semaphore_mem>>) attributes {dimension_semantics = [#tpu.dimension_semantics<core_parallel>, #tpu.dimension_semantics<subcore_parallel>], iteration_bounds = array<i64: 2, 16>, scalar_prefetch = 0 : i64, scratch_operands = 12 : i64, tpu.core_type = #tpu.core_type<sc_vector_subcore>, window_params = [{transform_indices = #map}, {transform_indices = #map}, {transform_indices = #map1}, {transform_indices = #map}, {transform_indices = #map}, {transform_indices = #map}]} {
    %mul3A = arith.constant 640 : i32
    %mul3A_0 = arith.muli %arg1, %mul3A : i32
    "tpu.region"() ({
      %run_scoped3A = tpu.sem_alloc : memref<!tpu.dma_semaphore, #tpu.memory_space<semaphore_mem>>
      %dma_start3A = arith.constant 0 : i32
      %dma_start3A_20 = arith.constant 0 : i32
      %dma_start3A_21 = tpu.memref_slice %arg5[%arg1, %dma_start3A, %dma_start3A_20] : memref<16x79x128xi32, #tpu.memory_space<hbm>> -> memref<1x79x128xi32, #tpu.memory_space<hbm>>
      %dma_start3A_22 = tpu.memref_squeeze %dma_start3A_21 : memref<1x79x128xi32, #tpu.memory_space<hbm>> -> memref<79x128xi32, #tpu.memory_space<hbm>>
      %dma_start3A_23 = arith.constant 0 : i32
      %dma_start3A_24 = arith.constant 0 : i32
      %dma_start3A_25 = tpu.memref_slice %arg5[%arg1, %dma_start3A_23, %dma_start3A_24] : memref<16x79x128xi32, #tpu.memory_space<hbm>> -> memref<1x79x128xi32, #tpu.memory_space<hbm>>
      %dma_start3A_26 = tpu.memref_squeeze %dma_start3A_25 : memref<1x79x128xi32, #tpu.memory_space<hbm>> -> memref<79x128xi32, #tpu.memory_space<hbm>>
      tpu.enqueue_dma source(%dma_start3A_26 : memref<79x128xi32, #tpu.memory_space<hbm>>) target(%arg10 : memref<79x128xi32, #tpu.memory_space<vmem>>) target_semaphore(%run_scoped3A : memref<!tpu.dma_semaphore, #tpu.memory_space<semaphore_mem>>)
      %dma_wait3A = arith.constant 0 : i32
      %dma_wait3A_27 = arith.constant 0 : i32
      %dma_wait3A_28 = tpu.memref_slice %arg5[%arg1, %dma_wait3A, %dma_wait3A_27] : memref<16x79x128xi32, #tpu.memory_space<hbm>> -> memref<1x79x128xi32, #tpu.memory_space<hbm>>
      %dma_wait3A_29 = tpu.memref_squeeze %dma_wait3A_28 : memref<1x79x128xi32, #tpu.memory_space<hbm>> -> memref<79x128xi32, #tpu.memory_space<hbm>>
      %dma_wait3A_30 = arith.constant 0 : i32
      %dma_wait3A_31 = arith.constant 0 : i32
      %dma_wait3A_32 = tpu.memref_slice %arg5[%arg1, %dma_wait3A_30, %dma_wait3A_31] : memref<16x79x128xi32, #tpu.memory_space<hbm>> -> memref<1x79x128xi32, #tpu.memory_space<hbm>>
      %dma_wait3A_33 = tpu.memref_squeeze %dma_wait3A_32 : memref<1x79x128xi32, #tpu.memory_space<hbm>> -> memref<79x128xi32, #tpu.memory_space<hbm>>
      tpu.wait_dma2 semaphore(%run_scoped3A : memref<!tpu.dma_semaphore, #tpu.memory_space<semaphore_mem>>) src(%dma_wait3A_33 : memref<79x128xi32, #tpu.memory_space<hbm>>) dst(%arg10 : memref<79x128xi32, #tpu.memory_space<vmem>>)
      tpu.yield
    }) : () -> ()
    "tpu.region"() ({
      %run_scoped3A = tpu.sem_alloc : memref<!tpu.dma_semaphore, #tpu.memory_space<semaphore_mem>>
      %dma_start3A = arith.constant 0 : i32
      %dma_start3A_20 = arith.constant 0 : i32
      %dma_start3A_21 = tpu.memref_slice %arg6[%arg1, %dma_start3A, %dma_start3A_20] : memref<16x79x128xi32, #tpu.memory_space<hbm>> -> memref<1x79x128xi32, #tpu.memory_space<hbm>>
      %dma_start3A_22 = tpu.memref_squeeze %dma_start3A_21 : memref<1x79x128xi32, #tpu.memory_space<hbm>> -> memref<79x128xi32, #tpu.memory_space<hbm>>
      %dma_start3A_23 = arith.constant 0 : i32
      %dma_start3A_24 = arith.constant 0 : i32
      %dma_start3A_25 = tpu.memref_slice %arg6[%arg1, %dma_start3A_23, %dma_start3A_24] : memref<16x79x128xi32, #tpu.memory_space<hbm>> -> memref<1x79x128xi32, #tpu.memory_space<hbm>>
      %dma_start3A_26 = tpu.memref_squeeze %dma_start3A_25 : memref<1x79x128xi32, #tpu.memory_space<hbm>> -> memref<79x128xi32, #tpu.memory_space<hbm>>
      tpu.enqueue_dma source(%dma_start3A_26 : memref<79x128xi32, #tpu.memory_space<hbm>>) target(%arg11 : memref<79x128xi32, #tpu.memory_space<vmem>>) target_semaphore(%run_scoped3A : memref<!tpu.dma_semaphore, #tpu.memory_space<semaphore_mem>>)
      %dma_wait3A = arith.constant 0 : i32
      %dma_wait3A_27 = arith.constant 0 : i32
      %dma_wait3A_28 = tpu.memref_slice %arg6[%arg1, %dma_wait3A, %dma_wait3A_27] : memref<16x79x128xi32, #tpu.memory_space<hbm>> -> memref<1x79x128xi32, #tpu.memory_space<hbm>>
      %dma_wait3A_29 = tpu.memref_squeeze %dma_wait3A_28 : memref<1x79x128xi32, #tpu.memory_space<hbm>> -> memref<79x128xi32, #tpu.memory_space<hbm>>
      %dma_wait3A_30 = arith.constant 0 : i32
      %dma_wait3A_31 = arith.constant 0 : i32
      %dma_wait3A_32 = tpu.memref_slice %arg6[%arg1, %dma_wait3A_30, %dma_wait3A_31] : memref<16x79x128xi32, #tpu.memory_space<hbm>> -> memref<1x79x128xi32, #tpu.memory_space<hbm>>
      %dma_wait3A_33 = tpu.memref_squeeze %dma_wait3A_32 : memref<1x79x128xi32, #tpu.memory_space<hbm>> -> memref<79x128xi32, #tpu.memory_space<hbm>>
      tpu.wait_dma2 semaphore(%run_scoped3A : memref<!tpu.dma_semaphore, #tpu.memory_space<semaphore_mem>>) src(%dma_wait3A_33 : memref<79x128xi32, #tpu.memory_space<hbm>>) dst(%arg11 : memref<79x128xi32, #tpu.memory_space<vmem>>)
      tpu.yield
    }) : () -> ()
    "tpu.region"() ({
      %run_scoped3A = tpu.sem_alloc : memref<!tpu.dma_semaphore, #tpu.memory_space<semaphore_mem>>
      %dma_start3A = arith.constant 0 : i32
      %dma_start3A_20 = tpu.memref_slice %arg2[%arg0, %mul3A_0, %dma_start3A] : memref<2x10240x16xf32, #tpu.memory_space<hbm>> -> memref<1x640x16xf32, #tpu.memory_space<hbm>>
      %dma_start3A_21 = tpu.memref_squeeze %dma_start3A_20 : memref<1x640x16xf32, #tpu.memory_space<hbm>> -> memref<640x16xf32, #tpu.memory_space<hbm>>
      %dma_start3A_22 = arith.constant 0 : i32
      %dma_start3A_23 = tpu.memref_slice %arg2[%arg0, %mul3A_0, %dma_start3A_22] : memref<2x10240x16xf32, #tpu.memory_space<hbm>> -> memref<1x640x16xf32, #tpu.memory_space<hbm>>
      %dma_start3A_24 = tpu.memref_squeeze %dma_start3A_23 : memref<1x640x16xf32, #tpu.memory_space<hbm>> -> memref<640x16xf32, #tpu.memory_space<hbm>>
      tpu.enqueue_dma source(%dma_start3A_24 : memref<640x16xf32, #tpu.memory_space<hbm>>) target(%arg13 : memref<640x16xf32, #tpu.memory_space<vmem>>) target_semaphore(%run_scoped3A : memref<!tpu.dma_semaphore, #tpu.memory_space<semaphore_mem>>)
      %dma_wait3A = arith.constant 0 : i32
      %dma_wait3A_25 = tpu.memref_slice %arg2[%arg0, %mul3A_0, %dma_wait3A] : memref<2x10240x16xf32, #tpu.memory_space<hbm>> -> memref<1x640x16xf32, #tpu.memory_space<hbm>>
      %dma_wait3A_26 = tpu.memref_squeeze %dma_wait3A_25 : memref<1x640x16xf32, #tpu.memory_space<hbm>> -> memref<640x16xf32, #tpu.memory_space<hbm>>
      %dma_wait3A_27 = arith.constant 0 : i32
      %dma_wait3A_28 = tpu.memref_slice %arg2[%arg0, %mul3A_0, %dma_wait3A_27] : memref<2x10240x16xf32, #tpu.memory_space<hbm>> -> memref<1x640x16xf32, #tpu.memory_space<hbm>>
      %dma_wait3A_29 = tpu.memref_squeeze %dma_wait3A_28 : memref<1x640x16xf32, #tpu.memory_space<hbm>> -> memref<640x16xf32, #tpu.memory_space<hbm>>
      tpu.wait_dma2 semaphore(%run_scoped3A : memref<!tpu.dma_semaphore, #tpu.memory_space<semaphore_mem>>) src(%dma_wait3A_29 : memref<640x16xf32, #tpu.memory_space<hbm>>) dst(%arg13 : memref<640x16xf32, #tpu.memory_space<vmem>>)
      tpu.yield
    }) : () -> ()
    "tpu.region"() ({
      %run_scoped3A = tpu.sem_alloc : memref<!tpu.dma_semaphore, #tpu.memory_space<semaphore_mem>>
      %dma_start3A = arith.constant 0 : i32
      %dma_start3A_20 = tpu.memref_slice %arg3[%arg0, %mul3A_0, %dma_start3A] : memref<2x10240x16xf32, #tpu.memory_space<hbm>> -> memref<1x640x16xf32, #tpu.memory_space<hbm>>
      %dma_start3A_21 = tpu.memref_squeeze %dma_start3A_20 : memref<1x640x16xf32, #tpu.memory_space<hbm>> -> memref<640x16xf32, #tpu.memory_space<hbm>>
      %dma_start3A_22 = arith.constant 0 : i32
      %dma_start3A_23 = tpu.memref_slice %arg3[%arg0, %mul3A_0, %dma_start3A_22] : memref<2x10240x16xf32, #tpu.memory_space<hbm>> -> memref<1x640x16xf32, #tpu.memory_space<hbm>>
      %dma_start3A_24 = tpu.memref_squeeze %dma_start3A_23 : memref<1x640x16xf32, #tpu.memory_space<hbm>> -> memref<640x16xf32, #tpu.memory_space<hbm>>
      tpu.enqueue_dma source(%dma_start3A_24 : memref<640x16xf32, #tpu.memory_space<hbm>>) target(%arg14 : memref<640x16xf32, #tpu.memory_space<vmem>>) target_semaphore(%run_scoped3A : memref<!tpu.dma_semaphore, #tpu.memory_space<semaphore_mem>>)
      %dma_wait3A = arith.constant 0 : i32
      %dma_wait3A_25 = tpu.memref_slice %arg3[%arg0, %mul3A_0, %dma_wait3A] : memref<2x10240x16xf32, #tpu.memory_space<hbm>> -> memref<1x640x16xf32, #tpu.memory_space<hbm>>
      %dma_wait3A_26 = tpu.memref_squeeze %dma_wait3A_25 : memref<1x640x16xf32, #tpu.memory_space<hbm>> -> memref<640x16xf32, #tpu.memory_space<hbm>>
      %dma_wait3A_27 = arith.constant 0 : i32
      %dma_wait3A_28 = tpu.memref_slice %arg3[%arg0, %mul3A_0, %dma_wait3A_27] : memref<2x10240x16xf32, #tpu.memory_space<hbm>> -> memref<1x640x16xf32, #tpu.memory_space<hbm>>
      %dma_wait3A_29 = tpu.memref_squeeze %dma_wait3A_28 : memref<1x640x16xf32, #tpu.memory_space<hbm>> -> memref<640x16xf32, #tpu.memory_space<hbm>>
      tpu.wait_dma2 semaphore(%run_scoped3A : memref<!tpu.dma_semaphore, #tpu.memory_space<semaphore_mem>>) src(%dma_wait3A_29 : memref<640x16xf32, #tpu.memory_space<hbm>>) dst(%arg14 : memref<640x16xf32, #tpu.memory_space<vmem>>)
      tpu.yield
    }) : () -> ()
    "tpu.region"() ({
      %run_scoped3A = tpu.sem_alloc : memref<!tpu.dma_semaphore, #tpu.memory_space<semaphore_mem>>
      %dma_start3A = arith.constant 0 : i32
      %dma_start3A_20 = tpu.memref_slice %arg4[%mul3A_0, %dma_start3A] : memref<10240x16xf32, #tpu.memory_space<hbm>> -> memref<640x16xf32, #tpu.memory_space<hbm>>
      %dma_start3A_21 = arith.constant 0 : i32
      %dma_start3A_22 = tpu.memref_slice %arg4[%mul3A_0, %dma_start3A_21] : memref<10240x16xf32, #tpu.memory_space<hbm>> -> memref<640x16xf32, #tpu.memory_space<hbm>>
      tpu.enqueue_dma source(%dma_start3A_22 : memref<640x16xf32, #tpu.memory_space<hbm>>) target(%arg15 : memref<640x16xf32, #tpu.memory_space<vmem>>) target_semaphore(%run_scoped3A : memref<!tpu.dma_semaphore, #tpu.memory_space<semaphore_mem>>)
      %dma_wait3A = arith.constant 0 : i32
      %dma_wait3A_23 = tpu.memref_slice %arg4[%mul3A_0, %dma_wait3A] : memref<10240x16xf32, #tpu.memory_space<hbm>> -> memref<640x16xf32, #tpu.memory_space<hbm>>
      %dma_wait3A_24 = arith.constant 0 : i32
      %dma_wait3A_25 = tpu.memref_slice %arg4[%mul3A_0, %dma_wait3A_24] : memref<10240x16xf32, #tpu.memory_space<hbm>> -> memref<640x16xf32, #tpu.memory_space<hbm>>
      tpu.wait_dma2 semaphore(%run_scoped3A : memref<!tpu.dma_semaphore, #tpu.memory_space<semaphore_mem>>) src(%dma_wait3A_25 : memref<640x16xf32, #tpu.memory_space<hbm>>) dst(%arg15 : memref<640x16xf32, #tpu.memory_space<vmem>>)
      tpu.yield
    }) : () -> ()
    %scan3A = arith.constant 0 : i32
    %scan3A_1 = arith.constant 0 : i32
    %scan3A_2 = arith.constant 640 : i32
    %scan3A_3 = arith.addi %scan3A_1, %scan3A_2 : i32
    %scan3A_4 = arith.constant 1 : i32
    %scan3A_5 = scf.for %scan3A_20 = %scan3A_1 to %scan3A_3 step %scan3A_4 iter_args(%scan3A_21 = %scan3A) -> (i32)  : i32 {
      %get3A = arith.index_cast %scan3A_20 : i32 to index
      %get3A_22 = arith.constant 0 : index
      %get3A_23 = tpu.vector_load %arg15[%get3A, %get3A_22] {strides = array<i32>} : memref<640x16xf32, #tpu.memory_space<vmem>>, vector<1x16xf32>,
      %get3A_24 = vector.shape_cast %get3A_23 : vector<1x16xf32> to vector<16xf32>
      %get3A_25 = arith.index_cast %scan3A_20 : i32 to index
      %get3A_26 = arith.constant 0 : index
      %get3A_27 = tpu.vector_load %arg13[%get3A_25, %get3A_26] {strides = array<i32>} : memref<640x16xf32, #tpu.memory_space<vmem>>, vector<1x16xf32>,
      %get3A_28 = vector.shape_cast %get3A_27 : vector<1x16xf32> to vector<16xf32>
      %mul3A_29 = arith.mulf %get3A_24, %get3A_28 : vector<16xf32>
      %swap3A = arith.index_cast %scan3A_20 : i32 to index
      %swap3A_30 = arith.constant 0 : index
      %swap3A_31 = tpu.vector_load %arg16[%swap3A, %swap3A_30] {strides = array<i32>} : memref<640x16xf32, #tpu.memory_space<vmem>>, vector<1x16xf32>,
      %swap3A_32 = vector.shape_cast %swap3A_31 : vector<1x16xf32> to vector<16xf32>
      %swap3A_33 = vector.shape_cast %mul3A_29 : vector<16xf32> to vector<1x16xf32>
      tpu.vector_store %arg16[%swap3A, %swap3A_30], %swap3A_33 {strides = array<i32>} : memref<640x16xf32, #tpu.memory_space<vmem>>, vector<1x16xf32>,
      %scan3A_34 = arith.constant 0 : i32
      scf.yield %scan3A_34 : i32
    }
    %scan3A_6 = arith.constant 640 : i32
    "tpu.region"() ({
      %run_scoped3A = tpu.sem_alloc : memref<!tpu.dma_semaphore, #tpu.memory_space<semaphore_mem>>
      %dma_start3A = arith.constant 0 : i32
      %dma_start3A_20 = tpu.memref_slice %arg8[%mul3A_0, %dma_start3A] : memref<10240x16xf32, #tpu.memory_space<vmem_shared>> -> memref<640x16xf32, #tpu.memory_space<vmem_shared>>
      %dma_start3A_21 = arith.constant 0 : i32
      %dma_start3A_22 = tpu.memref_slice %arg8[%mul3A_0, %dma_start3A_21] : memref<10240x16xf32, #tpu.memory_space<vmem_shared>> -> memref<640x16xf32, #tpu.memory_space<vmem_shared>>
      tpu.enqueue_dma source(%arg16 : memref<640x16xf32, #tpu.memory_space<vmem>>) target(%dma_start3A_22 : memref<640x16xf32, #tpu.memory_space<vmem_shared>>) target_semaphore(%run_scoped3A : memref<!tpu.dma_semaphore, #tpu.memory_space<semaphore_mem>>)
      %dma_wait3A = arith.constant 0 : i32
      %dma_wait3A_23 = tpu.memref_slice %arg8[%mul3A_0, %dma_wait3A] : memref<10240x16xf32, #tpu.memory_space<vmem_shared>> -> memref<640x16xf32, #tpu.memory_space<vmem_shared>>
      %dma_wait3A_24 = arith.constant 0 : i32
      %dma_wait3A_25 = tpu.memref_slice %arg8[%mul3A_0, %dma_wait3A_24] : memref<10240x16xf32, #tpu.memory_space<vmem_shared>> -> memref<640x16xf32, #tpu.memory_space<vmem_shared>>
      tpu.wait_dma2 semaphore(%run_scoped3A : memref<!tpu.dma_semaphore, #tpu.memory_space<semaphore_mem>>) src(%arg16 : memref<640x16xf32, #tpu.memory_space<vmem>>) dst(%dma_wait3A_25 : memref<640x16xf32, #tpu.memory_space<vmem_shared>>)
      tpu.yield
    }) : () -> ()
    %scan3A_7 = arith.constant 0 : i32
    %scan3A_8 = arith.constant 0 : i32
    %scan3A_9 = arith.constant 640 : i32
    %scan3A_10 = arith.addi %scan3A_8, %scan3A_9 : i32
    %scan3A_11 = arith.constant 1 : i32
    %scan3A_12 = scf.for %scan3A_20 = %scan3A_8 to %scan3A_10 step %scan3A_11 iter_args(%scan3A_21 = %scan3A_7) -> (i32)  : i32 {
      %broadcast_in_dim3A = arith.constant 0.000000e+00 : f32
      %broadcast_in_dim3A_22 = vector.broadcast %broadcast_in_dim3A : f32 to vector<16xf32>
      %swap3A = arith.index_cast %scan3A_20 : i32 to index
      %swap3A_23 = arith.constant 0 : index
      %swap3A_24 = tpu.vector_load %arg17[%swap3A, %swap3A_23] {strides = array<i32>} : memref<640x16xf32, #tpu.memory_space<vmem>>, vector<1x16xf32>,
      %swap3A_25 = vector.shape_cast %swap3A_24 : vector<1x16xf32> to vector<16xf32>
      %swap3A_26 = vector.shape_cast %broadcast_in_dim3A_22 : vector<16xf32> to vector<1x16xf32>
      tpu.vector_store %arg17[%swap3A, %swap3A_23], %swap3A_26 {strides = array<i32>} : memref<640x16xf32, #tpu.memory_space<vmem>>, vector<1x16xf32>,
      %scan3A_27 = arith.constant 0 : i32
      scf.yield %scan3A_27 : i32
    }
    %scan3A_13 = arith.constant 640 : i32
    "tpu.region"() ({
      %run_scoped3A = tpu.sem_alloc : memref<!tpu.dma_semaphore, #tpu.memory_space<semaphore_mem>>
      %dma_start3A = arith.constant 0 : i32
      %dma_start3A_20 = tpu.memref_slice %arg9[%mul3A_0, %dma_start3A] : memref<10240x16xf32, #tpu.memory_space<vmem_shared>> -> memref<640x16xf32, #tpu.memory_space<vmem_shared>>
      %dma_start3A_21 = arith.constant 0 : i32
      %dma_start3A_22 = tpu.memref_slice %arg9[%mul3A_0, %dma_start3A_21] : memref<10240x16xf32, #tpu.memory_space<vmem_shared>> -> memref<640x16xf32, #tpu.memory_space<vmem_shared>>
      tpu.enqueue_dma source(%arg17 : memref<640x16xf32, #tpu.memory_space<vmem>>) target(%dma_start3A_22 : memref<640x16xf32, #tpu.memory_space<vmem_shared>>) target_semaphore(%run_scoped3A : memref<!tpu.dma_semaphore, #tpu.memory_space<semaphore_mem>>)
      %dma_wait3A = arith.constant 0 : i32
      %dma_wait3A_23 = tpu.memref_slice %arg9[%mul3A_0, %dma_wait3A] : memref<10240x16xf32, #tpu.memory_space<vmem_shared>> -> memref<640x16xf32, #tpu.memory_space<vmem_shared>>
      %dma_wait3A_24 = arith.constant 0 : i32
      %dma_wait3A_25 = tpu.memref_slice %arg9[%mul3A_0, %dma_wait3A_24] : memref<10240x16xf32, #tpu.memory_space<vmem_shared>> -> memref<640x16xf32, #tpu.memory_space<vmem_shared>>
      tpu.wait_dma2 semaphore(%run_scoped3A : memref<!tpu.dma_semaphore, #tpu.memory_space<semaphore_mem>>) src(%arg17 : memref<640x16xf32, #tpu.memory_space<vmem>>) dst(%dma_wait3A_25 : memref<640x16xf32, #tpu.memory_space<vmem_shared>>)
      tpu.yield
    }) : () -> ()
    %barrier3A = arith.constant 0 : index
    tpu.barrier barrier_id(%barrier3A)
    %scan3A_14 = arith.constant 0 : i32
    %scan3A_15 = arith.constant 0 : i32
    %scan3A_16 = arith.constant 64 : i32
    %scan3A_17 = arith.addi %scan3A_15, %scan3A_16 : i32
    %scan3A_18 = arith.constant 1 : i32
    scf.for %scan3A_20 = %scan3A_15 to %scan3A_17 step %scan3A_18  : i32 {
      %dma_start3A = arith.constant 0 : i32
      %dma_start3A_21 = arith.constant 0 : i32
      %dma_start3A_22 = arith.constant 0 : i32
      %dma_start3A_23 = arith.constant 0 : i32
      %dma_start3A_24 = tpu.memref_slice %arg12[%dma_start3A_21, %dma_start3A_22, %dma_start3A_23] : memref<6x128x16xf32, #tpu.memory_space<vmem>> -> memref<1x128x16xf32, #tpu.memory_space<vmem>>
      %dma_start3A_25 = tpu.memref_squeeze %dma_start3A_24 : memref<1x128x16xf32, #tpu.memory_space<vmem>> -> memref<128x16xf32, #tpu.memory_space<vmem>>
      %dma_start3A_26 = arith.constant 0 : i32
      %dma_start3A_27 = tpu.memref_slice %arg10[%dma_start3A, %dma_start3A_26] : memref<79x128xi32, #tpu.memory_space<vmem>> -> memref<1x128xi32, #tpu.memory_space<vmem>>
      %dma_start3A_28 = tpu.memref_squeeze %dma_start3A_27 : memref<1x128xi32, #tpu.memory_space<vmem>> -> memref<128xi32, #tpu.memory_space<vmem>>
      %dma_start3A_29 = arith.constant 0 : i32
      %dma_start3A_30 = arith.constant 0 : i32
      %dma_start3A_31 = tpu.memref_slice %arg8[%dma_start3A_29, %dma_start3A_30] : memref<10240x16xf32, #tpu.memory_space<vmem_shared>> -> memref<10240x16xf32, #tpu.memory_space<vmem_shared>>
      tpu.enqueue_indirect_dma source(%dma_start3A_31 : memref<10240x16xf32, #tpu.memory_space<vmem_shared>>) target(%dma_start3A_25 : memref<128x16xf32, #tpu.memory_space<vmem>>) offsets(%dma_start3A_28 : memref<128xi32, #tpu.memory_space<vmem>>) semaphore(%arg18 : memref<!tpu.dma_semaphore, #tpu.memory_space<semaphore_mem>>)
      %dma_start3A_32 = arith.constant 1 : i32
      %dma_start3A_33 = arith.constant 1 : i32
      %dma_start3A_34 = arith.constant 0 : i32
      %dma_start3A_35 = arith.constant 0 : i32
      %dma_start3A_36 = tpu.memref_slice %arg12[%dma_start3A_33, %dma_start3A_34, %dma_start3A_35] : memref<6x128x16xf32, #tpu.memory_space<vmem>> -> memref<1x128x16xf32, #tpu.memory_space<vmem>>
      %dma_start3A_37 = tpu.memref_squeeze %dma_start3A_36 : memref<1x128x16xf32, #tpu.memory_space<vmem>> -> memref<128x16xf32, #tpu.memory_space<vmem>>
      %dma_start3A_38 = arith.constant 0 : i32
      %dma_start3A_39 = tpu.memref_slice %arg10[%dma_start3A_32, %dma_start3A_38] : memref<79x128xi32, #tpu.memory_space<vmem>> -> memref<1x128xi32, #tpu.memory_space<vmem>>
      %dma_start3A_40 = tpu.memref_squeeze %dma_start3A_39 : memref<1x128xi32, #tpu.memory_space<vmem>> -> memref<128xi32, #tpu.memory_space<vmem>>
      %dma_start3A_41 = arith.constant 0 : i32
      %dma_start3A_42 = arith.constant 0 : i32
      %dma_start3A_43 = tpu.memref_slice %arg8[%dma_start3A_41, %dma_start3A_42] : memref<10240x16xf32, #tpu.memory_space<vmem_shared>> -> memref<10240x16xf32, #tpu.memory_space<vmem_shared>>
      tpu.enqueue_indirect_dma source(%dma_start3A_43 : memref<10240x16xf32, #tpu.memory_space<vmem_shared>>) target(%dma_start3A_37 : memref<128x16xf32, #tpu.memory_space<vmem>>) offsets(%dma_start3A_40 : memref<128xi32, #tpu.memory_space<vmem>>) semaphore(%arg18 : memref<!tpu.dma_semaphore, #tpu.memory_space<semaphore_mem>>)
      %dma_start3A_44 = arith.constant 2 : i32
      %dma_start3A_45 = arith.constant 2 : i32
      %dma_start3A_46 = arith.constant 0 : i32
      %dma_start3A_47 = arith.constant 0 : i32
      %dma_start3A_48 = tpu.memref_slice %arg12[%dma_start3A_45, %dma_start3A_46, %dma_start3A_47] : memref<6x128x16xf32, #tpu.memory_space<vmem>> -> memref<1x128x16xf32, #tpu.memory_space<vmem>>
      %dma_start3A_49 = tpu.memref_squeeze %dma_start3A_48 : memref<1x128x16xf32, #tpu.memory_space<vmem>> -> memref<128x16xf32, #tpu.memory_space<vmem>>
      %dma_start3A_50 = arith.constant 0 : i32
      %dma_start3A_51 = tpu.memref_slice %arg10[%dma_start3A_44, %dma_start3A_50] : memref<79x128xi32, #tpu.memory_space<vmem>> -> memref<1x128xi32, #tpu.memory_space<vmem>>
      %dma_start3A_52 = tpu.memref_squeeze %dma_start3A_51 : memref<1x128xi32, #tpu.memory_space<vmem>> -> memref<128xi32, #tpu.memory_space<vmem>>
      %dma_start3A_53 = arith.constant 0 : i32
      %dma_start3A_54 = arith.constant 0 : i32
      %dma_start3A_55 = tpu.memref_slice %arg8[%dma_start3A_53, %dma_start3A_54] : memref<10240x16xf32, #tpu.memory_space<vmem_shared>> -> memref<10240x16xf32, #tpu.memory_space<vmem_shared>>
      tpu.enqueue_indirect_dma source(%dma_start3A_55 : memref<10240x16xf32, #tpu.memory_space<vmem_shared>>) target(%dma_start3A_49 : memref<128x16xf32, #tpu.memory_space<vmem>>) offsets(%dma_start3A_52 : memref<128xi32, #tpu.memory_space<vmem>>) semaphore(%arg18 : memref<!tpu.dma_semaphore, #tpu.memory_space<semaphore_mem>>)
      %scan3A_56 = arith.constant 0 : i32
      %scan3A_57 = arith.constant 0 : i32
      %scan3A_58 = arith.constant 79 : i32
      %scan3A_59 = arith.addi %scan3A_57, %scan3A_58 : i32
      %scan3A_60 = arith.constant 1 : i32
      %scan3A_61 = scf.for %scan3A_79 = %scan3A_57 to %scan3A_59 step %scan3A_60 iter_args(%scan3A_80 = %scan3A_56) -> (i32)  : i32 {
        %rem3A = arith.constant 6 : i32
        %rem3A_81 = arith.remsi %scan3A_79, %rem3A : i32
        %dma_wait3A = arith.constant 0 : i32
        %dma_wait3A_82 = arith.constant 0 : i32
        %dma_wait3A_83 = tpu.memref_slice %arg12[%rem3A_81, %dma_wait3A, %dma_wait3A_82] : memref<6x128x16xf32, #tpu.memory_space<vmem>> -> memref<1x128x16xf32, #tpu.memory_space<vmem>>
        %dma_wait3A_84 = tpu.memref_squeeze %dma_wait3A_83 : memref<1x128x16xf32, #tpu.memory_space<vmem>> -> memref<128x16xf32, #tpu.memory_space<vmem>>
        %dma_wait3A_85 = arith.constant 0 : i32
        %dma_wait3A_86 = tpu.memref_slice %arg10[%scan3A_79, %dma_wait3A_85] : memref<79x128xi32, #tpu.memory_space<vmem>> -> memref<1x128xi32, #tpu.memory_space<vmem>>
        %dma_wait3A_87 = tpu.memref_squeeze %dma_wait3A_86 : memref<1x128xi32, #tpu.memory_space<vmem>> -> memref<128xi32, #tpu.memory_space<vmem>>
        %dma_wait3A_88 = arith.constant 0 : i32
        %dma_wait3A_89 = arith.constant 0 : i32
        %dma_wait3A_90 = tpu.memref_slice %arg8[%dma_wait3A_88, %dma_wait3A_89] : memref<10240x16xf32, #tpu.memory_space<vmem_shared>> -> memref<10240x16xf32, #tpu.memory_space<vmem_shared>>
        tpu.wait_indirect_dma semaphore(%arg18 : memref<!tpu.dma_semaphore, #tpu.memory_space<semaphore_mem>>) src(%dma_wait3A_90 : memref<10240x16xf32, #tpu.memory_space<vmem_shared>>) dst(%dma_wait3A_84 : memref<128x16xf32, #tpu.memory_space<vmem>>)
        %ge3A = arith.constant 3 : i32
        %ge3A_91 = arith.cmpi sge, %scan3A_79, %ge3A : i32
        %convert_element_type3A = arith.extui %ge3A_91 : i1 to i32
        %cond3A = arith.constant 0 : i32
        %cond3A_92 = arith.cmpi ne, %convert_element_type3A, %cond3A : i32
        scf.if %cond3A_92 {
          %sub3A = arith.constant 3 : i32
          %sub3A_108 = arith.subi %scan3A_79, %sub3A : i32
          %rem3A_109 = arith.constant 6 : i32
          %rem3A_110 = arith.remsi %sub3A_108, %rem3A_109 : i32
          %sub3A_111 = arith.constant 3 : i32
          %sub3A_112 = arith.subi %scan3A_79, %sub3A_111 : i32
          %dma_wait3A_113 = arith.constant 0 : i32
          %dma_wait3A_114 = arith.constant 0 : i32
          %dma_wait3A_115 = tpu.memref_slice %arg12[%rem3A_110, %dma_wait3A_113, %dma_wait3A_114] : memref<6x128x16xf32, #tpu.memory_space<vmem>> -> memref<1x128x16xf32, #tpu.memory_space<vmem>>
          %dma_wait3A_116 = tpu.memref_squeeze %dma_wait3A_115 : memref<1x128x16xf32, #tpu.memory_space<vmem>> -> memref<128x16xf32, #tpu.memory_space<vmem>>
          %dma_wait3A_117 = arith.constant 0 : i32
          %dma_wait3A_118 = tpu.memref_slice %arg11[%sub3A_112, %dma_wait3A_117] : memref<79x128xi32, #tpu.memory_space<vmem>> -> memref<1x128xi32, #tpu.memory_space<vmem>>
          %dma_wait3A_119 = tpu.memref_squeeze %dma_wait3A_118 : memref<1x128xi32, #tpu.memory_space<vmem>> -> memref<128xi32, #tpu.memory_space<vmem>>
          %dma_wait3A_120 = arith.constant 0 : i32
          %dma_wait3A_121 = arith.constant 0 : i32
          %dma_wait3A_122 = tpu.memref_slice %arg9[%dma_wait3A_120, %dma_wait3A_121] : memref<10240x16xf32, #tpu.memory_space<vmem_shared>> -> memref<10240x16xf32, #tpu.memory_space<vmem_shared>>
          tpu.wait_indirect_dma semaphore(%arg19 : memref<!tpu.dma_semaphore, #tpu.memory_space<semaphore_mem>>) src(%dma_wait3A_116 : memref<128x16xf32, #tpu.memory_space<vmem>>) dst(%dma_wait3A_122 : memref<10240x16xf32, #tpu.memory_space<vmem_shared>>)
        } else {
        }
        %lt3A = arith.constant 76 : i32
        %lt3A_93 = arith.cmpi slt, %scan3A_79, %lt3A : i32
        %convert_element_type3A_94 = arith.extui %lt3A_93 : i1 to i32
        %cond3A_95 = arith.constant 0 : i32
        %cond3A_96 = arith.cmpi ne, %convert_element_type3A_94, %cond3A_95 : i32
        scf.if %cond3A_96 {
          %add3A = arith.constant 3 : i32
          %add3A_108 = arith.addi %scan3A_79, %add3A : i32
          %add3A_109 = arith.constant 3 : i32
          %add3A_110 = arith.addi %scan3A_79, %add3A_109 : i32
          %rem3A_111 = arith.constant 6 : i32
          %rem3A_112 = arith.remsi %add3A_110, %rem3A_111 : i32
          %dma_start3A_113 = arith.constant 0 : i32
          %dma_start3A_114 = arith.constant 0 : i32
          %dma_start3A_115 = tpu.memref_slice %arg12[%rem3A_112, %dma_start3A_113, %dma_start3A_114] : memref<6x128x16xf32, #tpu.memory_space<vmem>> -> memref<1x128x16xf32, #tpu.memory_space<vmem>>
          %dma_start3A_116 = tpu.memref_squeeze %dma_start3A_115 : memref<1x128x16xf32, #tpu.memory_space<vmem>> -> memref<128x16xf32, #tpu.memory_space<vmem>>
          %dma_start3A_117 = arith.constant 0 : i32
          %dma_start3A_118 = tpu.memref_slice %arg10[%add3A_108, %dma_start3A_117] : memref<79x128xi32, #tpu.memory_space<vmem>> -> memref<1x128xi32, #tpu.memory_space<vmem>>
          %dma_start3A_119 = tpu.memref_squeeze %dma_start3A_118 : memref<1x128xi32, #tpu.memory_space<vmem>> -> memref<128xi32, #tpu.memory_space<vmem>>
          %dma_start3A_120 = arith.constant 0 : i32
          %dma_start3A_121 = arith.constant 0 : i32
          %dma_start3A_122 = tpu.memref_slice %arg8[%dma_start3A_120, %dma_start3A_121] : memref<10240x16xf32, #tpu.memory_space<vmem_shared>> -> memref<10240x16xf32, #tpu.memory_space<vmem_shared>>
          tpu.enqueue_indirect_dma source(%dma_start3A_122 : memref<10240x16xf32, #tpu.memory_space<vmem_shared>>) target(%dma_start3A_116 : memref<128x16xf32, #tpu.memory_space<vmem>>) offsets(%dma_start3A_119 : memref<128xi32, #tpu.memory_space<vmem>>) semaphore(%arg18 : memref<!tpu.dma_semaphore, #tpu.memory_space<semaphore_mem>>)
        } else {
        }
        %dma_start3A_97 = arith.constant 0 : i32
        %dma_start3A_98 = arith.constant 0 : i32
        %dma_start3A_99 = tpu.memref_slice %arg12[%rem3A_81, %dma_start3A_97, %dma_start3A_98] : memref<6x128x16xf32, #tpu.memory_space<vmem>> -> memref<1x128x16xf32, #tpu.memory_space<vmem>>
        %dma_start3A_100 = tpu.memref_squeeze %dma_start3A_99 : memref<1x128x16xf32, #tpu.memory_space<vmem>> -> memref<128x16xf32, #tpu.memory_space<vmem>>
        %dma_start3A_101 = arith.constant 0 : i32
        %dma_start3A_102 = tpu.memref_slice %arg11[%scan3A_79, %dma_start3A_101] : memref<79x128xi32, #tpu.memory_space<vmem>> -> memref<1x128xi32, #tpu.memory_space<vmem>>
        %dma_start3A_103 = tpu.memref_squeeze %dma_start3A_102 : memref<1x128xi32, #tpu.memory_space<vmem>> -> memref<128xi32, #tpu.memory_space<vmem>>
        %dma_start3A_104 = arith.constant 0 : i32
        %dma_start3A_105 = arith.constant 0 : i32
        %dma_start3A_106 = tpu.memref_slice %arg9[%dma_start3A_104, %dma_start3A_105] : memref<10240x16xf32, #tpu.memory_space<vmem_shared>> -> memref<10240x16xf32, #tpu.memory_space<vmem_shared>>
        tpu.enqueue_indirect_dma source(%dma_start3A_100 : memref<128x16xf32, #tpu.memory_space<vmem>>) target(%dma_start3A_106 : memref<10240x16xf32, #tpu.memory_space<vmem_shared>>) offsets(%dma_start3A_103 : memref<128xi32, #tpu.memory_space<vmem>>) semaphore(%arg19 : memref<!tpu.dma_semaphore, #tpu.memory_space<semaphore_mem>>) {add = true}
        %scan3A_107 = arith.constant 0 : i32
        scf.yield %scan3A_107 : i32
      }
      %scan3A_62 = arith.constant 79 : i32
      %scan3A_63 = arith.constant 0 : i32
      %scan3A_64 = arith.constant 76 : i32
      %scan3A_65 = arith.constant 3 : i32
      %scan3A_66 = arith.addi %scan3A_64, %scan3A_65 : i32
      %scan3A_67 = arith.constant 1 : i32
      %scan3A_68 = scf.for %scan3A_79 = %scan3A_64 to %scan3A_66 step %scan3A_67 iter_args(%scan3A_80 = %scan3A_63) -> (i32)  : i32 {
        %rem3A = arith.constant 6 : i32
        %rem3A_81 = arith.remsi %scan3A_79, %rem3A : i32
        %dma_wait3A = arith.constant 0 : i32
        %dma_wait3A_82 = arith.constant 0 : i32
        %dma_wait3A_83 = tpu.memref_slice %arg12[%rem3A_81, %dma_wait3A, %dma_wait3A_82] : memref<6x128x16xf32, #tpu.memory_space<vmem>> -> memref<1x128x16xf32, #tpu.memory_space<vmem>>
        %dma_wait3A_84 = tpu.memref_squeeze %dma_wait3A_83 : memref<1x128x16xf32, #tpu.memory_space<vmem>> -> memref<128x16xf32, #tpu.memory_space<vmem>>
        %dma_wait3A_85 = arith.constant 0 : i32
        %dma_wait3A_86 = tpu.memref_slice %arg11[%scan3A_79, %dma_wait3A_85] : memref<79x128xi32, #tpu.memory_space<vmem>> -> memref<1x128xi32, #tpu.memory_space<vmem>>
        %dma_wait3A_87 = tpu.memref_squeeze %dma_wait3A_86 : memref<1x128xi32, #tpu.memory_space<vmem>> -> memref<128xi32, #tpu.memory_space<vmem>>
        %dma_wait3A_88 = arith.constant 0 : i32
        %dma_wait3A_89 = arith.constant 0 : i32
        %dma_wait3A_90 = tpu.memref_slice %arg9[%dma_wait3A_88, %dma_wait3A_89] : memref<10240x16xf32, #tpu.memory_space<vmem_shared>> -> memref<10240x16xf32, #tpu.memory_space<vmem_shared>>
        tpu.wait_indirect_dma semaphore(%arg19 : memref<!tpu.dma_semaphore, #tpu.memory_space<semaphore_mem>>) src(%dma_wait3A_84 : memref<128x16xf32, #tpu.memory_space<vmem>>) dst(%dma_wait3A_90 : memref<10240x16xf32, #tpu.memory_space<vmem_shared>>)
        %scan3A_91 = arith.constant 0 : i32
        scf.yield %scan3A_91 : i32
      }
      %scan3A_69 = arith.constant 3 : i32
      %barrier3A_70 = arith.constant 0 : index
      tpu.barrier barrier_id(%barrier3A_70)
      "tpu.region"() ({
        %run_scoped3A = tpu.sem_alloc : memref<!tpu.dma_semaphore, #tpu.memory_space<semaphore_mem>>
        %dma_start3A_79 = arith.constant 0 : i32
        %dma_start3A_80 = tpu.memref_slice %arg9[%mul3A_0, %dma_start3A_79] : memref<10240x16xf32, #tpu.memory_space<vmem_shared>> -> memref<640x16xf32, #tpu.memory_space<vmem_shared>>
        %dma_start3A_81 = arith.constant 0 : i32
        %dma_start3A_82 = tpu.memref_slice %arg9[%mul3A_0, %dma_start3A_81] : memref<10240x16xf32, #tpu.memory_space<vmem_shared>> -> memref<640x16xf32, #tpu.memory_space<vmem_shared>>
        tpu.enqueue_dma source(%dma_start3A_82 : memref<640x16xf32, #tpu.memory_space<vmem_shared>>) target(%arg16 : memref<640x16xf32, #tpu.memory_space<vmem>>) target_semaphore(%run_scoped3A : memref<!tpu.dma_semaphore, #tpu.memory_space<semaphore_mem>>)
        %dma_wait3A = arith.constant 0 : i32
        %dma_wait3A_83 = tpu.memref_slice %arg9[%mul3A_0, %dma_wait3A] : memref<10240x16xf32, #tpu.memory_space<vmem_shared>> -> memref<640x16xf32, #tpu.memory_space<vmem_shared>>
        %dma_wait3A_84 = arith.constant 0 : i32
        %dma_wait3A_85 = tpu.memref_slice %arg9[%mul3A_0, %dma_wait3A_84] : memref<10240x16xf32, #tpu.memory_space<vmem_shared>> -> memref<640x16xf32, #tpu.memory_space<vmem_shared>>
        tpu.wait_dma2 semaphore(%run_scoped3A : memref<!tpu.dma_semaphore, #tpu.memory_space<semaphore_mem>>) src(%dma_wait3A_85 : memref<640x16xf32, #tpu.memory_space<vmem_shared>>) dst(%arg16 : memref<640x16xf32, #tpu.memory_space<vmem>>)
        tpu.yield
      }) : () -> ()
      "tpu.region"() ({
        %run_scoped3A = tpu.sem_alloc : memref<!tpu.dma_semaphore, #tpu.memory_space<semaphore_mem>>
        %dma_start3A_79 = arith.constant 0 : i32
        %dma_start3A_80 = tpu.memref_slice %arg9[%mul3A_0, %dma_start3A_79] : memref<10240x16xf32, #tpu.memory_space<vmem_shared>> -> memref<640x16xf32, #tpu.memory_space<vmem_shared>>
        %dma_start3A_81 = arith.constant 0 : i32
        %dma_start3A_82 = tpu.memref_slice %arg9[%mul3A_0, %dma_start3A_81] : memref<10240x16xf32, #tpu.memory_space<vmem_shared>> -> memref<640x16xf32, #tpu.memory_space<vmem_shared>>
        tpu.enqueue_dma source(%arg17 : memref<640x16xf32, #tpu.memory_space<vmem>>) target(%dma_start3A_82 : memref<640x16xf32, #tpu.memory_space<vmem_shared>>) target_semaphore(%run_scoped3A : memref<!tpu.dma_semaphore, #tpu.memory_space<semaphore_mem>>)
        %dma_wait3A = arith.constant 0 : i32
        %dma_wait3A_83 = tpu.memref_slice %arg9[%mul3A_0, %dma_wait3A] : memref<10240x16xf32, #tpu.memory_space<vmem_shared>> -> memref<640x16xf32, #tpu.memory_space<vmem_shared>>
        %dma_wait3A_84 = arith.constant 0 : i32
        %dma_wait3A_85 = tpu.memref_slice %arg9[%mul3A_0, %dma_wait3A_84] : memref<10240x16xf32, #tpu.memory_space<vmem_shared>> -> memref<640x16xf32, #tpu.memory_space<vmem_shared>>
        tpu.wait_dma2 semaphore(%run_scoped3A : memref<!tpu.dma_semaphore, #tpu.memory_space<semaphore_mem>>) src(%arg17 : memref<640x16xf32, #tpu.memory_space<vmem>>) dst(%dma_wait3A_85 : memref<640x16xf32, #tpu.memory_space<vmem_shared>>)
        tpu.yield
      }) : () -> ()
      %scan3A_71 = arith.constant 0 : i32
      %scan3A_72 = arith.constant 0 : i32
      %scan3A_73 = arith.constant 320 : i32
      %scan3A_74 = arith.addi %scan3A_72, %scan3A_73 : i32
      %scan3A_75 = arith.constant 1 : i32
      %scan3A_76 = scf.for %scan3A_79 = %scan3A_72 to %scan3A_74 step %scan3A_75 iter_args(%scan3A_80 = %scan3A_71) -> (i32)  : i32 {
        %mul3A_81 = arith.constant 2 : i32
        %mul3A_82 = arith.muli %mul3A_81, %scan3A_79 : i32
        %get3A = arith.index_cast %mul3A_82 : i32 to index
        %get3A_83 = arith.constant 0 : index
        %get3A_84 = tpu.vector_load %arg15[%get3A, %get3A_83] {strides = array<i32>} : memref<640x16xf32, #tpu.memory_space<vmem>>, vector<1x16xf32>,
        %get3A_85 = vector.shape_cast %get3A_84 : vector<1x16xf32> to vector<16xf32>
        %add3A = arith.constant 1 : i32
        %add3A_86 = arith.addi %mul3A_82, %add3A : i32
        %get3A_87 = arith.index_cast %add3A_86 : i32 to index
        %get3A_88 = arith.constant 0 : index
        %get3A_89 = tpu.vector_load %arg15[%get3A_87, %get3A_88] {strides = array<i32>} : memref<640x16xf32, #tpu.memory_space<vmem>>, vector<1x16xf32>,
        %get3A_90 = vector.shape_cast %get3A_89 : vector<1x16xf32> to vector<16xf32>
        %get3A_91 = arith.index_cast %mul3A_82 : i32 to index
        %get3A_92 = arith.constant 0 : index
        %get3A_93 = tpu.vector_load %arg13[%get3A_91, %get3A_92] {strides = array<i32>} : memref<640x16xf32, #tpu.memory_space<vmem>>, vector<1x16xf32>,
        %get3A_94 = vector.shape_cast %get3A_93 : vector<1x16xf32> to vector<16xf32>
        %mul3A_95 = arith.constant 5.000000e-01 : f32
        %mul3A_96 = vector.broadcast %mul3A_95 : f32 to vector<16xf32>
        %mul3A_97 = arith.mulf %mul3A_96, %get3A_94 : vector<16xf32>
        %get3A_98 = arith.index_cast %mul3A_82 : i32 to index
        %get3A_99 = arith.constant 0 : index
        %get3A_100 = tpu.vector_load %arg16[%get3A_98, %get3A_99] {strides = array<i32>} : memref<640x16xf32, #tpu.memory_space<vmem>>, vector<1x16xf32>,
        %get3A_101 = vector.shape_cast %get3A_100 : vector<1x16xf32> to vector<16xf32>
        %mul3A_102 = arith.mulf %get3A_85, %get3A_101 : vector<16xf32>
        %mul3A_103 = arith.constant 5.000000e-01 : f32
        %mul3A_104 = vector.broadcast %mul3A_103 : f32 to vector<16xf32>
        %mul3A_105 = arith.mulf %mul3A_104, %mul3A_102 : vector<16xf32>
        %add3A_106 = arith.addf %mul3A_97, %mul3A_105 : vector<16xf32>
        %get3A_107 = arith.index_cast %mul3A_82 : i32 to index
        %get3A_108 = arith.constant 0 : index
        %get3A_109 = tpu.vector_load %arg14[%get3A_107, %get3A_108] {strides = array<i32>} : memref<640x16xf32, #tpu.memory_space<vmem>>, vector<1x16xf32>,
        %get3A_110 = vector.shape_cast %get3A_109 : vector<1x16xf32> to vector<16xf32>
        %add3A_111 = arith.addf %add3A_106, %get3A_110 : vector<16xf32>
        %add3A_112 = arith.constant 1 : i32
        %add3A_113 = arith.addi %mul3A_82, %add3A_112 : i32
        %get3A_114 = arith.index_cast %add3A_113 : i32 to index
        %get3A_115 = arith.constant 0 : index
        %get3A_116 = tpu.vector_load %arg13[%get3A_114, %get3A_115] {strides = array<i32>} : memref<640x16xf32, #tpu.memory_space<vmem>>, vector<1x16xf32>,
        %get3A_117 = vector.shape_cast %get3A_116 : vector<1x16xf32> to vector<16xf32>
        %mul3A_118 = arith.constant 5.000000e-01 : f32
        %mul3A_119 = vector.broadcast %mul3A_118 : f32 to vector<16xf32>
        %mul3A_120 = arith.mulf %mul3A_119, %get3A_117 : vector<16xf32>
        %add3A_121 = arith.constant 1 : i32
        %add3A_122 = arith.addi %mul3A_82, %add3A_121 : i32
        %get3A_123 = arith.index_cast %add3A_122 : i32 to index
        %get3A_124 = arith.constant 0 : index
        %get3A_125 = tpu.vector_load %arg16[%get3A_123, %get3A_124] {strides = array<i32>} : memref<640x16xf32, #tpu.memory_space<vmem>>, vector<1x16xf32>,
        %get3A_126 = vector.shape_cast %get3A_125 : vector<1x16xf32> to vector<16xf32>
        %mul3A_127 = arith.mulf %get3A_90, %get3A_126 : vector<16xf32>
        %mul3A_128 = arith.constant 5.000000e-01 : f32
        %mul3A_129 = vector.broadcast %mul3A_128 : f32 to vector<16xf32>
        %mul3A_130 = arith.mulf %mul3A_129, %mul3A_127 : vector<16xf32>
        %add3A_131 = arith.addf %mul3A_120, %mul3A_130 : vector<16xf32>
        %add3A_132 = arith.constant 1 : i32
        %add3A_133 = arith.addi %mul3A_82, %add3A_132 : i32
        %get3A_134 = arith.index_cast %add3A_133 : i32 to index
        %get3A_135 = arith.constant 0 : index
        %get3A_136 = tpu.vector_load %arg14[%get3A_134, %get3A_135] {strides = array<i32>} : memref<640x16xf32, #tpu.memory_space<vmem>>, vector<1x16xf32>,
        %get3A_137 = vector.shape_cast %get3A_136 : vector<1x16xf32> to vector<16xf32>
        %add3A_138 = arith.addf %add3A_131, %get3A_137 : vector<16xf32>
        %swap3A = arith.index_cast %mul3A_82 : i32 to index
        %swap3A_139 = arith.constant 0 : index
        %swap3A_140 = tpu.vector_load %arg13[%swap3A, %swap3A_139] {strides = array<i32>} : memref<640x16xf32, #tpu.memory_space<vmem>>, vector<1x16xf32>,
        %swap3A_141 = vector.shape_cast %swap3A_140 : vector<1x16xf32> to vector<16xf32>
        %swap3A_142 = vector.shape_cast %add3A_111 : vector<16xf32> to vector<1x16xf32>
        tpu.vector_store %arg13[%swap3A, %swap3A_139], %swap3A_142 {strides = array<i32>} : memref<640x16xf32, #tpu.memory_space<vmem>>, vector<1x16xf32>,
        %add3A_143 = arith.constant 1 : i32
        %add3A_144 = arith.addi %mul3A_82, %add3A_143 : i32
        %swap3A_145 = arith.index_cast %add3A_144 : i32 to index
        %swap3A_146 = arith.constant 0 : index
        %swap3A_147 = tpu.vector_load %arg13[%swap3A_145, %swap3A_146] {strides = array<i32>} : memref<640x16xf32, #tpu.memory_space<vmem>>, vector<1x16xf32>,
        %swap3A_148 = vector.shape_cast %swap3A_147 : vector<1x16xf32> to vector<16xf32>
        %swap3A_149 = vector.shape_cast %add3A_138 : vector<16xf32> to vector<1x16xf32>
        tpu.vector_store %arg13[%swap3A_145, %swap3A_146], %swap3A_149 {strides = array<i32>} : memref<640x16xf32, #tpu.memory_space<vmem>>, vector<1x16xf32>,
        %mul3A_150 = arith.mulf %get3A_85, %add3A_111 : vector<16xf32>
        %swap3A_151 = arith.index_cast %mul3A_82 : i32 to index
        %swap3A_152 = arith.constant 0 : index
        %swap3A_153 = tpu.vector_load %arg16[%swap3A_151, %swap3A_152] {strides = array<i32>} : memref<640x16xf32, #tpu.memory_space<vmem>>, vector<1x16xf32>,
        %swap3A_154 = vector.shape_cast %swap3A_153 : vector<1x16xf32> to vector<16xf32>
        %swap3A_155 = vector.shape_cast %mul3A_150 : vector<16xf32> to vector<1x16xf32>
        tpu.vector_store %arg16[%swap3A_151, %swap3A_152], %swap3A_155 {strides = array<i32>} : memref<640x16xf32, #tpu.memory_space<vmem>>, vector<1x16xf32>,
        %mul3A_156 = arith.mulf %get3A_90, %add3A_138 : vector<16xf32>
        %add3A_157 = arith.constant 1 : i32
        %add3A_158 = arith.addi %mul3A_82, %add3A_157 : i32
        %swap3A_159 = arith.index_cast %add3A_158 : i32 to index
        %swap3A_160 = arith.constant 0 : index
        %swap3A_161 = tpu.vector_load %arg16[%swap3A_159, %swap3A_160] {strides = array<i32>} : memref<640x16xf32, #tpu.memory_space<vmem>>, vector<1x16xf32>,
        %swap3A_162 = vector.shape_cast %swap3A_161 : vector<1x16xf32> to vector<16xf32>
        %swap3A_163 = vector.shape_cast %mul3A_156 : vector<16xf32> to vector<1x16xf32>
        tpu.vector_store %arg16[%swap3A_159, %swap3A_160], %swap3A_163 {strides = array<i32>} : memref<640x16xf32, #tpu.memory_space<vmem>>, vector<1x16xf32>,
        %scan3A_164 = arith.constant 0 : i32
        scf.yield %scan3A_164 : i32
      }
      %scan3A_77 = arith.constant 320 : i32
      "tpu.region"() ({
        %run_scoped3A = tpu.sem_alloc : memref<!tpu.dma_semaphore, #tpu.memory_space<semaphore_mem>>
        %dma_start3A_79 = arith.constant 0 : i32
        %dma_start3A_80 = tpu.memref_slice %arg8[%mul3A_0, %dma_start3A_79] : memref<10240x16xf32, #tpu.memory_space<vmem_shared>> -> memref<640x16xf32, #tpu.memory_space<vmem_shared>>
        %dma_start3A_81 = arith.constant 0 : i32
        %dma_start3A_82 = tpu.memref_slice %arg8[%mul3A_0, %dma_start3A_81] : memref<10240x16xf32, #tpu.memory_space<vmem_shared>> -> memref<640x16xf32, #tpu.memory_space<vmem_shared>>
        tpu.enqueue_dma source(%arg16 : memref<640x16xf32, #tpu.memory_space<vmem>>) target(%dma_start3A_82 : memref<640x16xf32, #tpu.memory_space<vmem_shared>>) target_semaphore(%run_scoped3A : memref<!tpu.dma_semaphore, #tpu.memory_space<semaphore_mem>>)
        %dma_wait3A = arith.constant 0 : i32
        %dma_wait3A_83 = tpu.memref_slice %arg8[%mul3A_0, %dma_wait3A] : memref<10240x16xf32, #tpu.memory_space<vmem_shared>> -> memref<640x16xf32, #tpu.memory_space<vmem_shared>>
        %dma_wait3A_84 = arith.constant 0 : i32
        %dma_wait3A_85 = tpu.memref_slice %arg8[%mul3A_0, %dma_wait3A_84] : memref<10240x16xf32, #tpu.memory_space<vmem_shared>> -> memref<640x16xf32, #tpu.memory_space<vmem_shared>>
        tpu.wait_dma2 semaphore(%run_scoped3A : memref<!tpu.dma_semaphore, #tpu.memory_space<semaphore_mem>>) src(%arg16 : memref<640x16xf32, #tpu.memory_space<vmem>>) dst(%dma_wait3A_85 : memref<640x16xf32, #tpu.memory_space<vmem_shared>>)
        tpu.yield
      }) : () -> ()
      %barrier3A_78 = arith.constant 0 : index
      tpu.barrier barrier_id(%barrier3A_78)
    }
    %scan3A_19 = arith.constant 64 : i32
    "tpu.region"() ({
      %run_scoped3A = tpu.sem_alloc : memref<!tpu.dma_semaphore, #tpu.memory_space<semaphore_mem>>
      %dma_start3A = arith.constant 0 : i32
      %dma_start3A_20 = tpu.memref_slice %arg7[%arg0, %mul3A_0, %dma_start3A] : memref<2x10240x16xf32, #tpu.memory_space<hbm>> -> memref<1x640x16xf32, #tpu.memory_space<hbm>>
      %dma_start3A_21 = tpu.memref_squeeze %dma_start3A_20 : memref<1x640x16xf32, #tpu.memory_space<hbm>> -> memref<640x16xf32, #tpu.memory_space<hbm>>
      %dma_start3A_22 = arith.constant 0 : i32
      %dma_start3A_23 = tpu.memref_slice %arg7[%arg0, %mul3A_0, %dma_start3A_22] : memref<2x10240x16xf32, #tpu.memory_space<hbm>> -> memref<1x640x16xf32, #tpu.memory_space<hbm>>
      %dma_start3A_24 = tpu.memref_squeeze %dma_start3A_23 : memref<1x640x16xf32, #tpu.memory_space<hbm>> -> memref<640x16xf32, #tpu.memory_space<hbm>>
      tpu.enqueue_dma source(%arg13 : memref<640x16xf32, #tpu.memory_space<vmem>>) target(%dma_start3A_24 : memref<640x16xf32, #tpu.memory_space<hbm>>) target_semaphore(%run_scoped3A : memref<!tpu.dma_semaphore, #tpu.memory_space<semaphore_mem>>)
      %dma_wait3A = arith.constant 0 : i32
      %dma_wait3A_25 = tpu.memref_slice %arg7[%arg0, %mul3A_0, %dma_wait3A] : memref<2x10240x16xf32, #tpu.memory_space<hbm>> -> memref<1x640x16xf32, #tpu.memory_space<hbm>>
      %dma_wait3A_26 = tpu.memref_squeeze %dma_wait3A_25 : memref<1x640x16xf32, #tpu.memory_space<hbm>> -> memref<640x16xf32, #tpu.memory_space<hbm>>
      %dma_wait3A_27 = arith.constant 0 : i32
      %dma_wait3A_28 = tpu.memref_slice %arg7[%arg0, %mul3A_0, %dma_wait3A_27] : memref<2x10240x16xf32, #tpu.memory_space<hbm>> -> memref<1x640x16xf32, #tpu.memory_space<hbm>>
      %dma_wait3A_29 = tpu.memref_squeeze %dma_wait3A_28 : memref<1x640x16xf32, #tpu.memory_space<hbm>> -> memref<640x16xf32, #tpu.memory_space<hbm>>
      tpu.wait_dma2 semaphore(%run_scoped3A : memref<!tpu.dma_semaphore, #tpu.memory_space<semaphore_mem>>) src(%arg13 : memref<640x16xf32, #tpu.memory_space<vmem>>) dst(%dma_wait3A_29 : memref<640x16xf32, #tpu.memory_space<hbm>>)
      tpu.yield
    }) : () -> ()
    return
  }
}

module attributes {stable_mosaic.version = 14 : i64} {
  func.func @_prep1_body(%arg0: i32, %arg1: memref<1280x128xf32, #tpu.memory_space<vmem>>, %arg2: memref<128x128xf32, #tpu.memory_space<vmem>>, %arg3: memref<1x128xf32, #tpu.memory_space<vmem>>, %arg4: memref<32x128xf32, #tpu.memory_space<vmem>>, %arg5: memref<1280x16xf32, #tpu.memory_space<vmem>>, %arg6: memref<2x1280x16xf32, #tpu.memory_space<vmem>>, %arg7: memref<2x1280x16xf32, #tpu.memory_space<vmem>>, %arg8: memref<1280x16xf32, #tpu.memory_space<vmem>>) attributes {dimension_semantics = [#tpu.dimension_semantics<arbitrary>], iteration_bounds = array<i64: 8>, scalar_prefetch = 0 : i64, scratch_operands = 0 : i64, tpu.core_type = #tpu.core_type<tc>, window_params = [{transform_indices = @transform_0, window_bounds = array<i64: 1280, 128>}, {pipeline_mode = #tpu.pipeline_mode<synchronous>, transform_indices = @transform_1, window_bounds = array<i64: 128, 128>}, {pipeline_mode = #tpu.pipeline_mode<synchronous>, transform_indices = @transform_2, window_bounds = array<i64: 1, 128>}, {pipeline_mode = #tpu.pipeline_mode<synchronous>, transform_indices = @transform_3, window_bounds = array<i64: 32, 128>}, {transform_indices = @transform_4, window_bounds = array<i64: 1280, 16>}, {transform_indices = @transform_5, window_bounds = array<i64: 2, 1280, 16>}, {transform_indices = @transform_6, window_bounds = array<i64: 2, 1280, 16>}, {transform_indices = @transform_7, window_bounds = array<i64: 1280, 16>}]} {
    %get3A = arith.constant 0 : index
    %get3A_0 = arith.constant 0 : index
    %get3A_1 = vector.load %arg5[%get3A, %get3A_0] : memref<1280x16xf32, #tpu.memory_space<vmem>>, vector<1280x1xf32>
    %mul3A = arith.constant 1.000000e+00 : f32
    %mul3A_2 = vector.broadcast %mul3A : f32 to vector<1280x1xf32>
    %mul3A_3 = arith.mulf %mul3A_2, %get3A_1 : vector<1280x1xf32>
    %add3A = arith.constant 1.000000e+00 : f32
    %add3A_4 = vector.broadcast %add3A : f32 to vector<1280x1xf32>
    %add3A_5 = arith.addf %mul3A_3, %add3A_4 : vector<1280x1xf32>
    %rsqrt3A = math.rsqrt %add3A_5 : vector<1280x1xf32>
    %div3A = arith.constant 1.000000e+00 : f32
    %div3A_6 = vector.broadcast %div3A : f32 to vector<1280x1xf32>
    %div3A_7 = arith.divf %div3A_6, %add3A_5 : vector<1280x1xf32>
    %get3A_8 = arith.constant 0 : index
    %get3A_9 = arith.constant 0 : index
    %get3A_10 = vector.load %arg1[%get3A_8, %get3A_9] : memref<1280x128xf32, #tpu.memory_space<vmem>>, vector<1280x128xf32>
    %get3A_11 = arith.constant 0 : index
    %get3A_12 = arith.constant 0 : index
    %get3A_13 = vector.load %arg2[%get3A_11, %get3A_12] : memref<128x128xf32, #tpu.memory_space<vmem>>, vector<128x128xf32>
    %transpose3A = tpu.transpose %get3A_13, [1, 0] : vector<128x128xf32> -> vector<128x128xf32>
    %dot_general3A = arith.constant dense<0.000000e+00> : vector<1280x128xf32>
    %dot_general3A_14 = tpu.matmul %get3A_10, %transpose3A, %dot_general3A {dimension_numbers = #tpu.dot_dimension_numbers<[1], [0], [0], [1], [0, 0, 1, 1], [], []>, transpose_lhs_hint = false} : vector<1280x128xf32>, vector<128x128xf32>, vector<1280x128xf32> -> vector<1280x128xf32>
    %get3A_15 = arith.constant 0 : index
    %get3A_16 = arith.constant 0 : index
    %get3A_17 = vector.load %arg3[%get3A_15, %get3A_16] : memref<1x128xf32, #tpu.memory_space<vmem>>, vector<1x128xf32>
    %get3A_18 = vector.shape_cast %get3A_17 : vector<1x128xf32> to vector<128xf32>
    %broadcast_in_dim3A = vector.shape_cast %get3A_18 : vector<128xf32> to vector<1x128xf32>
    %add3A_19 = vector.broadcast %broadcast_in_dim3A : vector<1x128xf32> to vector<1280x128xf32>
    %add3A_20 = arith.addf %dot_general3A_14, %add3A_19 : vector<1280x128xf32>
    %get3A_21 = arith.constant 0 : index
    %get3A_22 = arith.constant 0 : index
    %get3A_23 = vector.load %arg4[%get3A_21, %get3A_22] : memref<32x128xf32, #tpu.memory_space<vmem>>, vector<32x128xf32>
    %transpose3A_24 = tpu.transpose %get3A_23, [1, 0] : vector<32x128xf32> -> vector<128x32xf32>
    %dot_general3A_25 = arith.constant dense<0.000000e+00> : vector<1280x32xf32>
    %dot_general3A_26 = tpu.matmul %add3A_20, %transpose3A_24, %dot_general3A_25 {dimension_numbers = #tpu.dot_dimension_numbers<[1], [0], [0], [1], [0, 0, 1, 1], [], []>, transpose_lhs_hint = false} : vector<1280x128xf32>, vector<128x32xf32>, vector<1280x32xf32> -> vector<1280x32xf32>
    %mul3A_27 = vector.broadcast %div3A_7 : vector<1280x1xf32> to vector<1280x32xf32>
    %mul3A_28 = arith.mulf %mul3A_27, %dot_general3A_26 : vector<1280x32xf32>
    %mul3A_29 = arith.constant 5.000000e-01 : f32
    %mul3A_30 = vector.broadcast %mul3A_29 : f32 to vector<1280x32xf32>
    %mul3A_31 = arith.mulf %mul3A_30, %mul3A_28 : vector<1280x32xf32>
    %slice3A = vector.extract_strided_slice %dot_general3A_26 {offsets = [0, 0], sizes = [1280, 16], strides = [1, 1]} : vector<1280x32xf32> to vector<1280x16xf32>
    %swap3A = arith.constant 0 : index
    %swap3A_32 = arith.constant 0 : index
    %swap3A_33 = arith.constant 0 : index
    %swap3A_34 = vector.load %arg6[%swap3A, %swap3A_32, %swap3A_33] : memref<2x1280x16xf32, #tpu.memory_space<vmem>>, vector<1x1280x16xf32>
    %swap3A_35 = vector.shape_cast %swap3A_34 : vector<1x1280x16xf32> to vector<1280x16xf32>
    %swap3A_36 = vector.shape_cast %slice3A : vector<1280x16xf32> to vector<1x1280x16xf32>
    tpu.vector_store %arg6[%swap3A, %swap3A_32, %swap3A_33], %swap3A_36 {strides = array<i32>} : memref<2x1280x16xf32, #tpu.memory_space<vmem>>, vector<1x1280x16xf32>,
    %slice3A_37 = vector.extract_strided_slice %dot_general3A_26 {offsets = [0, 16], sizes = [1280, 16], strides = [1, 1]} : vector<1280x32xf32> to vector<1280x16xf32>
    %swap3A_38 = arith.constant 1 : index
    %swap3A_39 = arith.constant 0 : index
    %swap3A_40 = arith.constant 0 : index
    %swap3A_41 = vector.load %arg6[%swap3A_38, %swap3A_39, %swap3A_40] : memref<2x1280x16xf32, #tpu.memory_space<vmem>>, vector<1x1280x16xf32>
    %swap3A_42 = vector.shape_cast %swap3A_41 : vector<1x1280x16xf32> to vector<1280x16xf32>
    %swap3A_43 = vector.shape_cast %slice3A_37 : vector<1280x16xf32> to vector<1x1280x16xf32>
    tpu.vector_store %arg6[%swap3A_38, %swap3A_39, %swap3A_40], %swap3A_43 {strides = array<i32>} : memref<2x1280x16xf32, #tpu.memory_space<vmem>>, vector<1x1280x16xf32>,
    %slice3A_44 = vector.extract_strided_slice %mul3A_31 {offsets = [0, 0], sizes = [1280, 16], strides = [1, 1]} : vector<1280x32xf32> to vector<1280x16xf32>
    %swap3A_45 = arith.constant 0 : index
    %swap3A_46 = arith.constant 0 : index
    %swap3A_47 = arith.constant 0 : index
    %swap3A_48 = vector.load %arg7[%swap3A_45, %swap3A_46, %swap3A_47] : memref<2x1280x16xf32, #tpu.memory_space<vmem>>, vector<1x1280x16xf32>
    %swap3A_49 = vector.shape_cast %swap3A_48 : vector<1x1280x16xf32> to vector<1280x16xf32>
    %swap3A_50 = vector.shape_cast %slice3A_44 : vector<1280x16xf32> to vector<1x1280x16xf32>
    tpu.vector_store %arg7[%swap3A_45, %swap3A_46, %swap3A_47], %swap3A_50 {strides = array<i32>} : memref<2x1280x16xf32, #tpu.memory_space<vmem>>, vector<1x1280x16xf32>,
    %slice3A_51 = vector.extract_strided_slice %mul3A_31 {offsets = [0, 16], sizes = [1280, 16], strides = [1, 1]} : vector<1280x32xf32> to vector<1280x16xf32>
    %swap3A_52 = arith.constant 1 : index
    %swap3A_53 = arith.constant 0 : index
    %swap3A_54 = arith.constant 0 : index
    %swap3A_55 = vector.load %arg7[%swap3A_52, %swap3A_53, %swap3A_54] : memref<2x1280x16xf32, #tpu.memory_space<vmem>>, vector<1x1280x16xf32>
    %swap3A_56 = vector.shape_cast %swap3A_55 : vector<1x1280x16xf32> to vector<1280x16xf32>
    %swap3A_57 = vector.shape_cast %slice3A_51 : vector<1280x16xf32> to vector<1x1280x16xf32>
    tpu.vector_store %arg7[%swap3A_52, %swap3A_53, %swap3A_54], %swap3A_57 {strides = array<i32>} : memref<2x1280x16xf32, #tpu.memory_space<vmem>>, vector<1x1280x16xf32>,
    %broadcast_in_dim3A_58 = vector.shape_cast %rsqrt3A : vector<1280x1xf32> to vector<1280x1xf32>
    %broadcast_in_dim3A_59 = vector.broadcast %broadcast_in_dim3A_58 : vector<1280x1xf32> to vector<1280x16xf32>
    %swap3A_60 = arith.constant 0 : index
    %swap3A_61 = arith.constant 0 : index
    %swap3A_62 = vector.load %arg8[%swap3A_60, %swap3A_61] : memref<1280x16xf32, #tpu.memory_space<vmem>>, vector<1280x16xf32>
    tpu.vector_store %arg8[%swap3A_60, %swap3A_61], %broadcast_in_dim3A_59 {strides = array<i32>} : memref<1280x16xf32, #tpu.memory_space<vmem>>, vector<1280x16xf32>,
    return
  }
  func.func @transform_0(%arg0: i32) -> (i32, i32) {
    %c0_i32 = arith.constant 0 : i32
    %c0_i32_0 = arith.constant 0 : i32
    return %arg0, %c0_i32 : i32, i32
  }
  func.func @transform_1(%arg0: i32) -> (i32, i32) {
    %c0_i32 = arith.constant 0 : i32
    %c0_i32_0 = arith.constant 0 : i32
    %c0_i32_1 = arith.constant 0 : i32
    return %c0_i32, %c0_i32_0 : i32, i32
  }
  func.func @transform_2(%arg0: i32) -> (i32, i32) {
    %c0_i32 = arith.constant 0 : i32
    %c0_i32_0 = arith.constant 0 : i32
    %c0_i32_1 = arith.constant 0 : i32
    return %c0_i32, %c0_i32_0 : i32, i32
  }
  func.func @transform_3(%arg0: i32) -> (i32, i32) {
    %c0_i32 = arith.constant 0 : i32
    %c0_i32_0 = arith.constant 0 : i32
    %c0_i32_1 = arith.constant 0 : i32
    return %c0_i32, %c0_i32_0 : i32, i32
  }
  func.func @transform_4(%arg0: i32) -> (i32, i32) {
    %c0_i32 = arith.constant 0 : i32
    %c0_i32_0 = arith.constant 0 : i32
    return %arg0, %c0_i32 : i32, i32
  }
  func.func @transform_5(%arg0: i32) -> (i32, i32, i32) {
    %c0_i32 = arith.constant 0 : i32
    %c0_i32_0 = arith.constant 0 : i32
    %c0_i32_1 = arith.constant 0 : i32
    return %c0_i32, %arg0, %c0_i32_0 : i32, i32, i32
  }
  func.func @transform_6(%arg0: i32) -> (i32, i32, i32) {
    %c0_i32 = arith.constant 0 : i32
    %c0_i32_0 = arith.constant 0 : i32
    %c0_i32_1 = arith.constant 0 : i32
    return %c0_i32, %arg0, %c0_i32_0 : i32, i32, i32
  }
  func.func @transform_7(%arg0: i32) -> (i32, i32) {
    %c0_i32 = arith.constant 0 : i32
    %c0_i32_0 = arith.constant 0 : i32
    return %arg0, %c0_i32 : i32, i32
  }
}

module attributes {stable_mosaic.version = 14 : i64} {
  func.func @_prep2_body(%arg0: i32, %arg1: memref<2x1280x16xf32, #tpu.memory_space<vmem>>, %arg2: memref<1280x16xf32, #tpu.memory_space<vmem>>, %arg3: memref<1x32xf32, #tpu.memory_space<vmem>>, %arg4: memref<128x32xf32, #tpu.memory_space<vmem>>, %arg5: memref<1x128xf32, #tpu.memory_space<vmem>>, %arg6: memref<20x128xf32, #tpu.memory_space<vmem>>, %arg7: memref<2x1280x16xf32, #tpu.memory_space<vmem>>, %arg8: memref<2x1280x16xf32, #tpu.memory_space<vmem>>) attributes {dimension_semantics = [#tpu.dimension_semantics<arbitrary>], iteration_bounds = array<i64: 8>, scalar_prefetch = 0 : i64, scratch_operands = 0 : i64, tpu.core_type = #tpu.core_type<tc>, window_params = [{transform_indices = @transform_0, window_bounds = array<i64: 2, 1280, 16>}, {transform_indices = @transform_1, window_bounds = array<i64: 1280, 16>}, {pipeline_mode = #tpu.pipeline_mode<synchronous>, transform_indices = @transform_2, window_bounds = array<i64: 1, 32>}, {pipeline_mode = #tpu.pipeline_mode<synchronous>, transform_indices = @transform_3, window_bounds = array<i64: 128, 32>}, {pipeline_mode = #tpu.pipeline_mode<synchronous>, transform_indices = @transform_4, window_bounds = array<i64: 1, 128>}, {pipeline_mode = #tpu.pipeline_mode<synchronous>, transform_indices = @transform_5, window_bounds = array<i64: 20, 128>}, {transform_indices = @transform_6, window_bounds = array<i64: 2, 1280, 16>}, {transform_indices = @transform_7, window_bounds = array<i64: 2, 1280, 16>}]} {
    %get3A = arith.constant 0 : index
    %get3A_0 = arith.constant 0 : index
    %get3A_1 = vector.load %arg2[%get3A, %get3A_0] : memref<1280x16xf32, #tpu.memory_space<vmem>>, vector<1280x1xf32>
    %mul3A = arith.constant 1.000000e+00 : f32
    %mul3A_2 = vector.broadcast %mul3A : f32 to vector<1280x1xf32>
    %mul3A_3 = arith.mulf %mul3A_2, %get3A_1 : vector<1280x1xf32>
    %add3A = arith.constant 1.000000e+00 : f32
    %add3A_4 = vector.broadcast %add3A : f32 to vector<1280x1xf32>
    %add3A_5 = arith.addf %mul3A_3, %add3A_4 : vector<1280x1xf32>
    %div3A = arith.constant 1.000000e+00 : f32
    %div3A_6 = vector.broadcast %div3A : f32 to vector<1280x1xf32>
    %div3A_7 = arith.divf %div3A_6, %add3A_5 : vector<1280x1xf32>
    %get3A_8 = arith.constant 0 : index
    %get3A_9 = arith.constant 0 : index
    %get3A_10 = arith.constant 0 : index
    %get3A_11 = vector.load %arg1[%get3A_8, %get3A_9, %get3A_10] : memref<2x1280x16xf32, #tpu.memory_space<vmem>>, vector<1x1280x16xf32>
    %get3A_12 = vector.shape_cast %get3A_11 : vector<1x1280x16xf32> to vector<1280x16xf32>
    %get3A_13 = arith.constant 1 : index
    %get3A_14 = arith.constant 0 : index
    %get3A_15 = arith.constant 0 : index
    %get3A_16 = vector.load %arg1[%get3A_13, %get3A_14, %get3A_15] : memref<2x1280x16xf32, #tpu.memory_space<vmem>>, vector<1x1280x16xf32>
    %get3A_17 = vector.shape_cast %get3A_16 : vector<1x1280x16xf32> to vector<1280x16xf32>
    %concatenate3A = tpu.concatenate %get3A_12, %get3A_17 in 1 : vector<1280x16xf32>, vector<1280x16xf32> -> vector<1280x32xf32>
    %get3A_18 = arith.constant 0 : index
    %get3A_19 = arith.constant 0 : index
    %get3A_20 = vector.load %arg3[%get3A_18, %get3A_19] : memref<1x32xf32, #tpu.memory_space<vmem>>, vector<1x32xf32>
    %get3A_21 = vector.shape_cast %get3A_20 : vector<1x32xf32> to vector<32xf32>
    %broadcast_in_dim3A = vector.shape_cast %get3A_21 : vector<32xf32> to vector<1x32xf32>
    %add3A_22 = vector.broadcast %broadcast_in_dim3A : vector<1x32xf32> to vector<1280x32xf32>
    %add3A_23 = arith.addf %concatenate3A, %add3A_22 : vector<1280x32xf32>
    %gt3A = arith.constant 0.000000e+00 : f32
    %gt3A_24 = vector.broadcast %gt3A : f32 to vector<1280x32xf32>
    %gt3A_25 = arith.cmpf ogt, %add3A_23, %gt3A_24 : vector<1280x32xf32>
    %mul3A_26 = arith.constant 0.00999999977 : f32
    %mul3A_27 = vector.broadcast %mul3A_26 : f32 to vector<1280x32xf32>
    %mul3A_28 = arith.mulf %mul3A_27, %add3A_23 : vector<1280x32xf32>
    %select_n3A = arith.select %gt3A_25, %add3A_23, %mul3A_28 : vector<1280x32xi1>, vector<1280x32xf32>
    %get3A_29 = arith.constant 0 : index
    %get3A_30 = arith.constant 0 : index
    %get3A_31 = vector.load %arg4[%get3A_29, %get3A_30] : memref<128x32xf32, #tpu.memory_space<vmem>>, vector<128x32xf32>
    %transpose3A = tpu.transpose %get3A_31, [1, 0] : vector<128x32xf32> -> vector<32x128xf32>
    %dot_general3A = arith.constant dense<0.000000e+00> : vector<1280x128xf32>
    %dot_general3A_32 = tpu.matmul %select_n3A, %transpose3A, %dot_general3A {dimension_numbers = #tpu.dot_dimension_numbers<[1], [0], [0], [1], [0, 0, 1, 1], [], []>, transpose_lhs_hint = false} : vector<1280x32xf32>, vector<32x128xf32>, vector<1280x128xf32> -> vector<1280x128xf32>
    %get3A_33 = arith.constant 0 : index
    %get3A_34 = arith.constant 0 : index
    %get3A_35 = vector.load %arg5[%get3A_33, %get3A_34] : memref<1x128xf32, #tpu.memory_space<vmem>>, vector<1x128xf32>
    %get3A_36 = vector.shape_cast %get3A_35 : vector<1x128xf32> to vector<128xf32>
    %broadcast_in_dim3A_37 = vector.shape_cast %get3A_36 : vector<128xf32> to vector<1x128xf32>
    %add3A_38 = vector.broadcast %broadcast_in_dim3A_37 : vector<1x128xf32> to vector<1280x128xf32>
    %add3A_39 = arith.addf %dot_general3A_32, %add3A_38 : vector<1280x128xf32>
    %get3A_40 = arith.constant 0 : index
    %get3A_41 = arith.constant 0 : index
    %get3A_42 = vector.load %arg6[%get3A_40, %get3A_41] : memref<20x128xf32, #tpu.memory_space<vmem>>, vector<20x128xf32>
    %transpose3A_43 = tpu.transpose %get3A_42, [1, 0] : vector<20x128xf32> -> vector<128x20xf32>
    %dot_general3A_44 = arith.constant dense<0.000000e+00> : vector<1280x20xf32>
    %dot_general3A_45 = tpu.matmul %add3A_39, %transpose3A_43, %dot_general3A_44 {dimension_numbers = #tpu.dot_dimension_numbers<[1], [0], [0], [1], [0, 0, 1, 1], [], []>, transpose_lhs_hint = false} : vector<1280x128xf32>, vector<128x20xf32>, vector<1280x20xf32> -> vector<1280x20xf32>
    %broadcast_in_dim3A_46 = arith.constant 0.000000e+00 : f32
    %broadcast_in_dim3A_47 = vector.broadcast %broadcast_in_dim3A_46 : f32 to vector<1280x12xf32>
    %concatenate3A_48 = tpu.concatenate %dot_general3A_45, %broadcast_in_dim3A_47 in 1 : vector<1280x20xf32>, vector<1280x12xf32> -> vector<1280x32xf32>
    %mul3A_49 = vector.broadcast %div3A_7 : vector<1280x1xf32> to vector<1280x32xf32>
    %mul3A_50 = arith.mulf %mul3A_49, %concatenate3A_48 : vector<1280x32xf32>
    %mul3A_51 = arith.constant 5.000000e-01 : f32
    %mul3A_52 = vector.broadcast %mul3A_51 : f32 to vector<1280x32xf32>
    %mul3A_53 = arith.mulf %mul3A_52, %mul3A_50 : vector<1280x32xf32>
    %slice3A = vector.extract_strided_slice %concatenate3A_48 {offsets = [0, 0], sizes = [1280, 16], strides = [1, 1]} : vector<1280x32xf32> to vector<1280x16xf32>
    %swap3A = arith.constant 0 : index
    %swap3A_54 = arith.constant 0 : index
    %swap3A_55 = arith.constant 0 : index
    %swap3A_56 = vector.load %arg7[%swap3A, %swap3A_54, %swap3A_55] : memref<2x1280x16xf32, #tpu.memory_space<vmem>>, vector<1x1280x16xf32>
    %swap3A_57 = vector.shape_cast %swap3A_56 : vector<1x1280x16xf32> to vector<1280x16xf32>
    %swap3A_58 = vector.shape_cast %slice3A : vector<1280x16xf32> to vector<1x1280x16xf32>
    tpu.vector_store %arg7[%swap3A, %swap3A_54, %swap3A_55], %swap3A_58 {strides = array<i32>} : memref<2x1280x16xf32, #tpu.memory_space<vmem>>, vector<1x1280x16xf32>,
    %slice3A_59 = vector.extract_strided_slice %concatenate3A_48 {offsets = [0, 16], sizes = [1280, 16], strides = [1, 1]} : vector<1280x32xf32> to vector<1280x16xf32>
    %swap3A_60 = arith.constant 1 : index
    %swap3A_61 = arith.constant 0 : index
    %swap3A_62 = arith.constant 0 : index
    %swap3A_63 = vector.load %arg7[%swap3A_60, %swap3A_61, %swap3A_62] : memref<2x1280x16xf32, #tpu.memory_space<vmem>>, vector<1x1280x16xf32>
    %swap3A_64 = vector.shape_cast %swap3A_63 : vector<1x1280x16xf32> to vector<1280x16xf32>
    %swap3A_65 = vector.shape_cast %slice3A_59 : vector<1280x16xf32> to vector<1x1280x16xf32>
    tpu.vector_store %arg7[%swap3A_60, %swap3A_61, %swap3A_62], %swap3A_65 {strides = array<i32>} : memref<2x1280x16xf32, #tpu.memory_space<vmem>>, vector<1x1280x16xf32>,
    %slice3A_66 = vector.extract_strided_slice %mul3A_53 {offsets = [0, 0], sizes = [1280, 16], strides = [1, 1]} : vector<1280x32xf32> to vector<1280x16xf32>
    %swap3A_67 = arith.constant 0 : index
    %swap3A_68 = arith.constant 0 : index
    %swap3A_69 = arith.constant 0 : index
    %swap3A_70 = vector.load %arg8[%swap3A_67, %swap3A_68, %swap3A_69] : memref<2x1280x16xf32, #tpu.memory_space<vmem>>, vector<1x1280x16xf32>
    %swap3A_71 = vector.shape_cast %swap3A_70 : vector<1x1280x16xf32> to vector<1280x16xf32>
    %swap3A_72 = vector.shape_cast %slice3A_66 : vector<1280x16xf32> to vector<1x1280x16xf32>
    tpu.vector_store %arg8[%swap3A_67, %swap3A_68, %swap3A_69], %swap3A_72 {strides = array<i32>} : memref<2x1280x16xf32, #tpu.memory_space<vmem>>, vector<1x1280x16xf32>,
    %slice3A_73 = vector.extract_strided_slice %mul3A_53 {offsets = [0, 16], sizes = [1280, 16], strides = [1, 1]} : vector<1280x32xf32> to vector<1280x16xf32>
    %swap3A_74 = arith.constant 1 : index
    %swap3A_75 = arith.constant 0 : index
    %swap3A_76 = arith.constant 0 : index
    %swap3A_77 = vector.load %arg8[%swap3A_74, %swap3A_75, %swap3A_76] : memref<2x1280x16xf32, #tpu.memory_space<vmem>>, vector<1x1280x16xf32>
    %swap3A_78 = vector.shape_cast %swap3A_77 : vector<1x1280x16xf32> to vector<1280x16xf32>
    %swap3A_79 = vector.shape_cast %slice3A_73 : vector<1280x16xf32> to vector<1x1280x16xf32>
    tpu.vector_store %arg8[%swap3A_74, %swap3A_75, %swap3A_76], %swap3A_79 {strides = array<i32>} : memref<2x1280x16xf32, #tpu.memory_space<vmem>>, vector<1x1280x16xf32>,
    return
  }
  func.func @transform_0(%arg0: i32) -> (i32, i32, i32) {
    %c0_i32 = arith.constant 0 : i32
    %c0_i32_0 = arith.constant 0 : i32
    %c0_i32_1 = arith.constant 0 : i32
    return %c0_i32, %arg0, %c0_i32_0 : i32, i32, i32
  }
  func.func @transform_1(%arg0: i32) -> (i32, i32) {
    %c0_i32 = arith.constant 0 : i32
    %c0_i32_0 = arith.constant 0 : i32
    return %arg0, %c0_i32 : i32, i32
  }
  func.func @transform_2(%arg0: i32) -> (i32, i32) {
    %c0_i32 = arith.constant 0 : i32
    %c0_i32_0 = arith.constant 0 : i32
    %c0_i32_1 = arith.constant 0 : i32
    return %c0_i32, %c0_i32_0 : i32, i32
  }
  func.func @transform_3(%arg0: i32) -> (i32, i32) {
    %c0_i32 = arith.constant 0 : i32
    %c0_i32_0 = arith.constant 0 : i32
    %c0_i32_1 = arith.constant 0 : i32
    return %c0_i32, %c0_i32_0 : i32, i32
  }
  func.func @transform_4(%arg0: i32) -> (i32, i32) {
    %c0_i32 = arith.constant 0 : i32
    %c0_i32_0 = arith.constant 0 : i32
    %c0_i32_1 = arith.constant 0 : i32
    return %c0_i32, %c0_i32_0 : i32, i32
  }
  func.func @transform_5(%arg0: i32) -> (i32, i32) {
    %c0_i32 = arith.constant 0 : i32
    %c0_i32_0 = arith.constant 0 : i32
    %c0_i32_1 = arith.constant 0 : i32
    return %c0_i32, %c0_i32_0 : i32, i32
  }
  func.func @transform_6(%arg0: i32) -> (i32, i32, i32) {
    %c0_i32 = arith.constant 0 : i32
    %c0_i32_0 = arith.constant 0 : i32
    %c0_i32_1 = arith.constant 0 : i32
    return %c0_i32, %arg0, %c0_i32_0 : i32, i32, i32
  }
  func.func @transform_7(%arg0: i32) -> (i32, i32, i32) {
    %c0_i32 = arith.constant 0 : i32
    %c0_i32_0 = arith.constant 0 : i32
    %c0_i32_1 = arith.constant 0 : i32
    return %c0_i32, %arg0, %c0_i32_0 : i32, i32, i32
  }
}

module attributes {stable_mosaic.version = 14 : i64} {
  func.func @_head_body(%arg0: memref<2x10240x16xf32, #tpu.memory_space<vmem>>, %arg1: memref<10240x16xf32, #tpu.memory_space<vmem>>, %arg2: memref<1x20xf32, #tpu.memory_space<vmem>>, %arg3: memref<1x20xf32, #tpu.memory_space<vmem>>, %arg4: memref<1x20xf32, #tpu.memory_space<vmem>>, %arg5: memref<1x20xf32, #tpu.memory_space<vmem>>, %arg6: memref<1x20xf32, #tpu.memory_space<vmem>>, %arg7: memref<10x20xf32, #tpu.memory_space<vmem>>, %arg8: memref<1x10xf32, #tpu.memory_space<vmem>>, %arg9: memref<2x10xf32, #tpu.memory_space<vmem>>, %arg10: memref<1x2xf32, #tpu.memory_space<vmem>>, %arg11: memref<1x2xf32, #tpu.memory_space<vmem>>) attributes {dimension_semantics = [], scalar_prefetch = 0 : i64, scratch_operands = 0 : i64, tpu.core_type = #tpu.core_type<tc>} {
    %get3A = arith.constant 0 : index
    %get3A_0 = arith.constant 0 : index
    %get3A_1 = arith.constant 0 : index
    %get3A_2 = vector.load %arg0[%get3A, %get3A_0, %get3A_1] : memref<2x10240x16xf32, #tpu.memory_space<vmem>>, vector<1x10240x16xf32>
    %get3A_3 = vector.shape_cast %get3A_2 : vector<1x10240x16xf32> to vector<10240x16xf32>
    %get3A_4 = arith.constant 1 : index
    %get3A_5 = arith.constant 0 : index
    %get3A_6 = arith.constant 0 : index
    %get3A_7 = vector.load %arg0[%get3A_4, %get3A_5, %get3A_6] : memref<2x10240x16xf32, #tpu.memory_space<vmem>>, vector<1x10240x16xf32>
    %get3A_8 = vector.shape_cast %get3A_7 : vector<1x10240x16xf32> to vector<10240x16xf32>
    %concatenate3A = tpu.concatenate %get3A_3, %get3A_8 in 1 : vector<10240x16xf32>, vector<10240x16xf32> -> vector<10240x32xf32>
    %slice3A = vector.extract_strided_slice %concatenate3A {offsets = [0, 0], sizes = [10000, 32], strides = [1, 1]} : vector<10240x32xf32> to vector<10000x32xf32>
    %slice3A_9 = vector.extract_strided_slice %slice3A {offsets = [0, 0], sizes = [10000, 20], strides = [1, 1]} : vector<10000x32xf32> to vector<10000x20xf32>
    %get3A_10 = arith.constant 0 : index
    %get3A_11 = arith.constant 0 : index
    %get3A_12 = vector.load %arg2[%get3A_10, %get3A_11] : memref<1x20xf32, #tpu.memory_space<vmem>>, vector<1x20xf32>
    %get3A_13 = vector.shape_cast %get3A_12 : vector<1x20xf32> to vector<20xf32>
    %broadcast_in_dim3A = vector.shape_cast %get3A_13 : vector<20xf32> to vector<1x20xf32>
    %add3A = vector.broadcast %broadcast_in_dim3A : vector<1x20xf32> to vector<10000x20xf32>
    %add3A_14 = arith.addf %slice3A_9, %add3A : vector<10000x20xf32>
    %get3A_15 = arith.constant 0 : index
    %get3A_16 = arith.constant 0 : index
    %get3A_17 = vector.load %arg5[%get3A_15, %get3A_16] : memref<1x20xf32, #tpu.memory_space<vmem>>, vector<1x20xf32>
    %get3A_18 = vector.shape_cast %get3A_17 : vector<1x20xf32> to vector<20xf32>
    %broadcast_in_dim3A_19 = vector.shape_cast %get3A_18 : vector<20xf32> to vector<1x20xf32>
    %sub3A = vector.broadcast %broadcast_in_dim3A_19 : vector<1x20xf32> to vector<10000x20xf32>
    %sub3A_20 = arith.subf %add3A_14, %sub3A : vector<10000x20xf32>
    %get3A_21 = arith.constant 0 : index
    %get3A_22 = arith.constant 0 : index
    %get3A_23 = vector.load %arg6[%get3A_21, %get3A_22] : memref<1x20xf32, #tpu.memory_space<vmem>>, vector<1x20xf32>
    %get3A_24 = vector.shape_cast %get3A_23 : vector<1x20xf32> to vector<20xf32>
    %add3A_25 = arith.constant 9.99999974E-6 : f32
    %add3A_26 = vector.broadcast %add3A_25 : f32 to vector<20xf32>
    %add3A_27 = arith.addf %get3A_24, %add3A_26 : vector<20xf32>
    %sqrt3A = math.sqrt %add3A_27 : vector<20xf32>
    %broadcast_in_dim3A_28 = vector.shape_cast %sqrt3A : vector<20xf32> to vector<1x20xf32>
    %div3A = vector.broadcast %broadcast_in_dim3A_28 : vector<1x20xf32> to vector<10000x20xf32>
    %div3A_29 = arith.divf %sub3A_20, %div3A : vector<10000x20xf32>
    %get3A_30 = arith.constant 0 : index
    %get3A_31 = arith.constant 0 : index
    %get3A_32 = vector.load %arg3[%get3A_30, %get3A_31] : memref<1x20xf32, #tpu.memory_space<vmem>>, vector<1x20xf32>
    %get3A_33 = vector.shape_cast %get3A_32 : vector<1x20xf32> to vector<20xf32>
    %broadcast_in_dim3A_34 = vector.shape_cast %get3A_33 : vector<20xf32> to vector<1x20xf32>
    %mul3A = vector.broadcast %broadcast_in_dim3A_34 : vector<1x20xf32> to vector<10000x20xf32>
    %mul3A_35 = arith.mulf %div3A_29, %mul3A : vector<10000x20xf32>
    %get3A_36 = arith.constant 0 : index
    %get3A_37 = arith.constant 0 : index
    %get3A_38 = vector.load %arg4[%get3A_36, %get3A_37] : memref<1x20xf32, #tpu.memory_space<vmem>>, vector<1x20xf32>
    %get3A_39 = vector.shape_cast %get3A_38 : vector<1x20xf32> to vector<20xf32>
    %broadcast_in_dim3A_40 = vector.shape_cast %get3A_39 : vector<20xf32> to vector<1x20xf32>
    %add3A_41 = vector.broadcast %broadcast_in_dim3A_40 : vector<1x20xf32> to vector<10000x20xf32>
    %add3A_42 = arith.addf %mul3A_35, %add3A_41 : vector<10000x20xf32>
    %gt3A = arith.constant 0.000000e+00 : f32
    %gt3A_43 = vector.broadcast %gt3A : f32 to vector<10000x20xf32>
    %gt3A_44 = arith.cmpf ogt, %add3A_42, %gt3A_43 : vector<10000x20xf32>
    %mul3A_45 = arith.constant 0.00999999977 : f32
    %mul3A_46 = vector.broadcast %mul3A_45 : f32 to vector<10000x20xf32>
    %mul3A_47 = arith.mulf %mul3A_46, %add3A_42 : vector<10000x20xf32>
    %select_n3A = arith.select %gt3A_44, %add3A_42, %mul3A_47 : vector<10000x20xi1>, vector<10000x20xf32>
    %reduce_sum3A = arith.constant dense<0.000000e+00> : vector<20xf32>
    %reduce_sum3A_48 = vector.multi_reduction <add>, %select_n3A, %reduce_sum3A [0] : vector<10000x20xf32> to vector<20xf32>
    %broadcast_in_dim3A_49 = vector.shape_cast %reduce_sum3A_48 : vector<20xf32> to vector<1x20xf32>
    %get3A_50 = arith.constant 0 : index
    %get3A_51 = arith.constant 0 : index
    %get3A_52 = vector.load %arg7[%get3A_50, %get3A_51] : memref<10x20xf32, #tpu.memory_space<vmem>>, vector<10x20xf32>
    %transpose3A = tpu.transpose %get3A_52, [1, 0] : vector<10x20xf32> -> vector<20x10xf32>
    %dot_general3A = arith.constant dense<0.000000e+00> : vector<1x10xf32>
    %dot_general3A_53 = tpu.matmul %broadcast_in_dim3A_49, %transpose3A, %dot_general3A {dimension_numbers = #tpu.dot_dimension_numbers<[1], [0], [0], [1], [0, 0, 1, 1], [], []>, transpose_lhs_hint = false} : vector<1x20xf32>, vector<20x10xf32>, vector<1x10xf32> -> vector<1x10xf32>
    %get3A_54 = arith.constant 0 : index
    %get3A_55 = arith.constant 0 : index
    %get3A_56 = vector.load %arg8[%get3A_54, %get3A_55] : memref<1x10xf32, #tpu.memory_space<vmem>>, vector<1x10xf32>
    %get3A_57 = vector.shape_cast %get3A_56 : vector<1x10xf32> to vector<10xf32>
    %broadcast_in_dim3A_58 = vector.shape_cast %get3A_57 : vector<10xf32> to vector<1x10xf32>
    %add3A_59 = arith.addf %dot_general3A_53, %broadcast_in_dim3A_58 : vector<1x10xf32>
    %gt3A_60 = arith.constant 0.000000e+00 : f32
    %gt3A_61 = vector.broadcast %gt3A_60 : f32 to vector<1x10xf32>
    %gt3A_62 = arith.cmpf ogt, %add3A_59, %gt3A_61 : vector<1x10xf32>
    %mul3A_63 = arith.constant 0.00999999977 : f32
    %mul3A_64 = vector.broadcast %mul3A_63 : f32 to vector<1x10xf32>
    %mul3A_65 = arith.mulf %mul3A_64, %add3A_59 : vector<1x10xf32>
    %select_n3A_66 = arith.select %gt3A_62, %add3A_59, %mul3A_65 : vector<1x10xi1>, vector<1x10xf32>
    %get3A_67 = arith.constant 0 : index
    %get3A_68 = arith.constant 0 : index
    %get3A_69 = vector.load %arg9[%get3A_67, %get3A_68] : memref<2x10xf32, #tpu.memory_space<vmem>>, vector<2x10xf32>
    %transpose3A_70 = tpu.transpose %get3A_69, [1, 0] : vector<2x10xf32> -> vector<10x2xf32>
    %dot_general3A_71 = arith.constant dense<0.000000e+00> : vector<1x2xf32>
    %dot_general3A_72 = tpu.matmul %select_n3A_66, %transpose3A_70, %dot_general3A_71 {dimension_numbers = #tpu.dot_dimension_numbers<[1], [0], [0], [1], [0, 0, 1, 1], [], []>, transpose_lhs_hint = false} : vector<1x10xf32>, vector<10x2xf32>, vector<1x2xf32> -> vector<1x2xf32>
    %get3A_73 = arith.constant 0 : index
    %get3A_74 = arith.constant 0 : index
    %get3A_75 = vector.load %arg10[%get3A_73, %get3A_74] : memref<1x2xf32, #tpu.memory_space<vmem>>, vector<1x2xf32>
    %get3A_76 = vector.shape_cast %get3A_75 : vector<1x2xf32> to vector<2xf32>
    %broadcast_in_dim3A_77 = vector.shape_cast %get3A_76 : vector<2xf32> to vector<1x2xf32>
    %add3A_78 = arith.addf %dot_general3A_72, %broadcast_in_dim3A_77 : vector<1x2xf32>
    %swap3A = arith.constant 0 : index
    %swap3A_79 = arith.constant 0 : index
    %swap3A_80 = vector.load %arg11[%swap3A, %swap3A_79] : memref<1x2xf32, #tpu.memory_space<vmem>>, vector<1x2xf32>
    tpu.vector_store %arg11[%swap3A, %swap3A_79], %add3A_78 {strides = array<i32>} : memref<1x2xf32, #tpu.memory_space<vmem>>, vector<1x2xf32>,
    return
  }
}

</mosaic_0001>

<sc_bundles>
// kernel: kernel.11.cloned.1.call-start
scs
__scs_entry_jumppad:
0x0: {  	(pc) =	sbr.rel $0x88, $3  }
0x1: {  	(tag) =	ssettag $0x0;
	lr =	simm.s32 $0x1  }
0x2: {  	[smem:$0x3F8F] =	sst lr;
	_ =	strace $0xD0000000  }
0x3: {  	_ = 	snop  }
0x4: {  	_ = 	snop  }
0x5: {  	_ = 	snop  }
0x6: {  	_ = 	snop  }
0x7: {  	_ = 	snop  }
__scs_overlays_trampoline_lowered:
0x8: {  	[smem:$0x3F9E] =	sst s0  }
0x9: {  	[smem:$0x3F9F] =	sst s1  }
0xa: {  	[smem:$0x3FA0] =	sst s2  }
0xb: {  	[smem:$0x3FA1] =	sst s3  }
0xc: {  	[smem:$0x3FA2] =	sst s4  }
0xd: {  	[smem:$0x3FA3] =	sst s5  }
0xe: {  	[smem:$0x3FA4] =	sst s6  }
0xf: {  	[smem:$0x3FA5] =	sst s7  }
0x10: {  	[smem:$0x3FA6] =	sst s8  }
0x11: {  	[smem:$0x3FA7] =	sst s9;
	s0 =	simm.s32 @!p0 $0x0  }
0x12: {  	s1 =	sld [smem:$0x3F8D];
	s0 =	simm.s32 @p0 $0x1  }
0x13: {  	[smem:$0x3FA8] =	sst s0;
	s0 =	simm.s32 @!p1 $0x0  }
0x14: {  	s2 =	sld [smem:$0x3F8C];
	s0 =	simm.s32 @p1 $0x1  }
0x15: {  	[smem:$0x3FA9] =	sst s0;
	s0 =	simm.s32 @!p2 $0x0  }
0x16: {  	s3 =	sld [smem:$0x3FDB];
	s0 =	simm.s32 @p2 $0x1  }
0x17: {  	s4 =	simm.s32 $0x1BF5;
	[smem:$0x3FAB] =	sst s0  }
0x18: {  	s0 =	sld [smem:$0x3F8E];
	_ =	swait.ge [sflag:s4], $0x0  }
0x19: {  	s7 =	sld [smem:$0x3F8F]  }
0x1a: {  	s8 =	sadd.s32 $0xFFFFE003, lr  }
0x1b: {  	s9 =	sadd.s32 $0xFFFFFEF7, lr;
	s5 =	simm.s32 $0xFFFFFFFF;
	p2 =	slt.u32 s8, $0xFFFFF086  }
0x1c: {  	p1 =	slt.u32 s9, $0xF7A;
	s5 =	simm.s32 @!p2 $0x0  }
0x1d: {  	s5 =	simm.s32 @p1 $0x1;
	p0 =	seq.s32 s7, s2  }
0x1e: {  	s7 =	smul.u32 @!p0 $0xF7A, s2;
	p2 =	seq.s32 @!p0 s5, $0x0  }
0x1f: {  	s9 =	smul.u32 $0xF7A, s1;
	s8 =	simm.s32 @!p0 $0x1BF5;
	p2 =	por !p2, p0  }
0x20: {  	[sflag:s8] =	ssyncset.s32 @!p0 $0xFFFFF086;
	s6 =	sadd.s32 @!p0 s3, s7;
	s7 =	simm.s32 @!p0 $0x108  }
0x21: {  	s3 =	sadd.s32 s3, s9;
	s6 =	sadd.s32 @!p0 $0x88, s6;
	s7 =	simm.s32 @p2 $0x1082  }
0x22: {  	[simem:s7], [sflag:s8] =	dma.local @!p0 [hbm:s6], $0xF7A  }
0x23: {  	s9 =	sor.u32 $0xD0000000, s2;
	s6 =	simm.s32 $0x108;
	_ =	swait.ge @!p0 [sflag:s8], $0x0  }
0x24: {  	s3 =	sadd.s32 $0x88, s3;
	s6 =	simm.s32 @!p1 $0x1082;
	[sflag:s4] =	ssyncset.s32 $0xFFFFF086  }
0x25: {  	[simem:s6], [sflag:s4] =	dma.local [hbm:s3], $0xF7A  }
0x26: {  	[smem:$0x3F8F] =	sst s1;
	(tag) =	ssettag s2;
	_ =	strace s9  }
0x27: {  	s1 =	sld [smem:$0x3F9F]  }
0x28: {  	s2 =	sld [smem:$0x3FA0]  }
0x29: {  	s4 =	sld [smem:$0x3FA2]  }
0x2a: {  	p0 =	seq.s32 s5, $0x0;
	s5 =	sld [smem:$0x3FA3]  }
0x2b: {  	s6 =	sld [smem:$0x3FA4]  }
0x2c: {  	s7 =	sld [smem:$0x3FA5]  }
0x2d: {  	s3 =	simm.s32 $0x108;
	s8 =	sld [smem:$0x3FA6]  }
0x2e: {  	s3 =	simm.s32 @!p0 $0x1082;
	s9 =	sld [smem:$0x3FA7]  }
0x2f: {  	lr =	sadd.s32 s0, s3;
	s0 =	sld [smem:$0x3F9E]  }
0x30: {  	s3 =	sld [smem:$0x3FA1]  }
0x31: {  	[smem:$0x3FAA] =	sst s10  }
0x32: {  	s10 =	sld [smem:$0x3FA8];
	_ =	sdelay $0x3  }
0x33: {  	p0 =	seq.s32 s10, $0x1;
	s10 =	sld [smem:$0x3FAA];
	_ =	sdelay $0x3  }
0x34: {  	[smem:$0x3FAA] =	sst s10  }
0x35: {  	s10 =	sld [smem:$0x3FA9];
	_ =	sdelay $0x3  }
0x36: {  	p1 =	seq.s32 s10, $0x1;
	s10 =	sld [smem:$0x3FAA];
	_ =	sdelay $0x3  }
0x37: {  	[smem:$0x3FAA] =	sst s10  }
0x38: {  	s10 =	sld [smem:$0x3FAB]  }
0x39: {  	_ = 	snop;
	(pc) =	sbr.ind lr, $3  }
0x3a: {  	_ = 	snop  }
0x3b: {  	_ = 	snop  }
0x3c: {  	p2 =	seq.s32 s10, $0x1;
	s10 =	sld [smem:$0x3FAA]  }
0x3d: {  	_ =	shalt  }
0x3e: {  	_ =	shalt  }
0x3f: {  	_ =	shalt  }
0x40: {  	_ =	shalt  }
0x41: {  	_ =	shalt  }
0x42: {  	_ =	shalt  }
0x43: {  	_ =	shalt  }
0x44: {  	_ =	shalt  }
0x45: {  	_ =	shalt  }
0x46: {  	_ =	shalt  }
0x47: {  	_ =	shalt  }
0x48: {  	_ =	shalt  }
0x49: {  	_ =	shalt  }
0x4a: {  	_ =	shalt  }
0x4b: {  	_ =	shalt  }
0x4c: {  	_ =	shalt  }
0x4d: {  	_ =	shalt  }
0x4e: {  	_ =	shalt  }
0x4f: {  	_ =	shalt  }
0x50: {  	_ =	shalt  }
0x51: {  	_ =	shalt  }
0x52: {  	_ =	shalt  }
0x53: {  	_ =	shalt  }
0x54: {  	_ =	shalt  }
0x55: {  	_ =	shalt  }
0x56: {  	_ =	shalt  }
0x57: {  	_ =	shalt  }
0x58: {  	_ =	shalt  }
0x59: {  	_ =	shalt  }
0x5a: {  	_ =	shalt  }
0x5b: {  	_ =	shalt  }
0x5c: {  	_ =	shalt  }
0x5d: {  	_ =	shalt  }
0x5e: {  	_ =	shalt  }
0x5f: {  	_ =	shalt  }
0x60: {  	_ =	shalt  }
0x61: {  	_ =	shalt  }
0x62: {  	_ =	shalt  }
0x63: {  	_ =	shalt  }
0x64: {  	_ =	shalt  }
0x65: {  	_ =	shalt  }
0x66: {  	_ =	shalt  }
0x67: {  	_ =	shalt  }
0x68: {  	_ =	shalt  }
0x69: {  	_ =	shalt  }
0x6a: {  	_ =	shalt  }
0x6b: {  	_ =	shalt  }
0x6c: {  	_ =	shalt  }
0x6d: {  	_ =	shalt  }
0x6e: {  	_ =	shalt  }
0x6f: {  	_ =	shalt  }
0x70: {  	_ =	shalt  }
0x71: {  	_ =	shalt  }
0x72: {  	_ =	shalt  }
0x73: {  	_ =	shalt  }
0x74: {  	_ =	shalt  }
0x75: {  	_ =	shalt  }
0x76: {  	_ =	shalt  }
0x77: {  	_ =	shalt  }
0x78: {  	_ =	shalt  }
0x79: {  	_ =	shalt  }
0x7a: {  	_ =	shalt  }
0x7b: {  	_ =	shalt  }
0x7c: {  	_ =	shalt  }
0x7d: {  	_ =	shalt  }
0x7e: {  	_ =	shalt  }
0x7f: {  	_ =	shalt  }
0x80: {  	_ =	shalt  }
0x81: {  	_ =	shalt  }
0x82: {  	_ =	shalt  }
0x83: {  	_ =	shalt  }
0x84: {  	_ =	shalt  }
0x85: {  	_ =	shalt  }
0x86: {  	_ =	shalt  }
0x87: {  	_ =	shalt  }
.Lfunc_end0:
.L_simem_size_0:
called_computation.1_lowered:
.L_overlay_start_0:
0x88: {  	s2 =	sld [smem:$0x3FD9]  }
0x89: {  	s3 =	sld [smem:$0x3FFE];
	_ =	sdelay $0x1  }
0x8a: {  	s1 =	srdreg.scid  }
0x8b: {  	s0 =	sand.u32 $0x1, s1  }
0x8c: {  	s16 =	sshll.u32 s0, $0xA;
	s2 =	sadd.s32 s3, s2  }
0x8d: {  	s2 =	sadd.s32 s2, s16  }
0x8e: {  	[smem:$0x3FB6] =	sst s2  }
0x8f: {  	_ = 	snop  }
0x90: {  	(tm) =	ssettm $0x1  }
0x91: {  	s17 =	sld [smem:$0x3FFB];
	_ =	sdelay $0x3  }
0x92: {  	_ =	strace s17  }
0x93: {  	s2 =	sld [smem:$0x3FFC];
	_ =	sdelay $0x3  }
0x94: {  	_ =	strace s2  }
0x95: {  	s2 =	sld [smem:$0x3FFD];
	_ =	sdelay $0x3  }
0x96: {  	_ =	strace s2  }
0x97: {  	_ =	strace $0x8FFFFFFF  }
0x98: {  	s18 =	sld [smem:$0x3FDB];
	_ =	sdelay $0x1  }
0x99: {  	s19 =	simm.s32 $_scs_section_size  }
0x9a: {  	s4 =	simm.s32 $_size__tile_overlayer_lowered;
	s5 =	simm.s32 $_tile_overlayer_lowered  }
0x9b: {  	s22 =	simm.s32 $0x1BFF;
	s21 =	sshll.u32 s5, $0x1;
	s2 =	sadd.s32 s19, s18  }
0x9c: {  	s6 =	simm.s32 $0x0;
	s20 =	sshll.u32 s4, $0x1;
	s4 =	sadd.s32 s21, s2  }
0x9d: {  	[timem:s6], [sflag:s22] =	dma.local [hbm:s4], s20  }
0x9e: {  	_ =	swait.ge [sflag:s22], s20  }
0x9f: {  	s3 =	ssub.s32 $0x0, s20;
	[sflag:s22] =	ssyncset.done $0x0  }
0xa0: {  	[sflag:s22] =	ssyncadd.s32 s3;
	_ =	sdelay $0x1  }
0xa1: {  	s23 =	simm.s32 $0x1B8B  }
0xa2: {  	_ =	swait.ge [sflag:s23], $0x1  }
0xa3: {  	[sflag:s23] =	ssyncset.done $0x0  }
0xa4: {  	s25 =	simm.s32 $0x1B8E;
	s24 =	sld [smem:$0x3FFE];
	[sflag:s23] =	ssyncadd.s32 $0xFFFFFFFF  }
0xa5: {  	s26 =	simm.s32 $execute0_lowered;
	[smem:$0x3FD2] =	sst s25  }
0xa6: {  	s4 =	sshll.u32 s26, $0x1;
	_ =	strace $0x80000049;
	[dreg:$0x1] =	wrdreg $0xFFFFFFFF  }
0xa7: {  	s28 =	simm.s32 $_size_execute0_lowered;
	s2 =	sadd.s32 s2, s4;
	[dreg:$0x0] =	wrdreg $0x0  }
0xa8: {  	s4 =	sshll.u32 s28, $0x1;
	[dreg:$0x2] =	wrdreg s2  }
0xa9: {  	[dreg:$0x3] =	wrdreg s4  }
0xaa: {  	[dreg:$0x4] =	wrdreg $0xC0  }
0xab: {  	_ =	task [dreg:s6], $0x5FFFF  }
0xac: {  	[dreg:$0x1] =	wrdreg $0xFFFFFFFF  }
0xad: {  	[dreg:$0x0] =	wrdreg $0x60  }
0xae: {  	[dreg:$0x2] =	wrdreg s24  }
0xaf: {  	[dreg:$0x3] =	wrdreg $0x0  }
0xb0: {  	[dreg:$0x4] =	wrdreg $0x28000  }
0xb1: {  	[dreg:$0x5] =	wrdreg $0x9  }
0xb2: {  	_ =	task.clear_ibuf [dreg:s6], $0x6FFFF;
	_ =	strace $0x90000049  }
0xb3: {  	s29 =	simm.s32 $0x9;
	_ =	strace $0x8000004B  }
0xb4: {  	_ =	swait.ge [sflag:s29], $0x1  }
0xb5: {  	[sflag:s29] =	ssyncadd.s32 $0xFFFFFFFF  }
0xb6: {  	_ =	strace $0x9000004B  }
0xb7: {  	_ =	sfence  }
0xb8: {  	s30 =	sld [smem:$0x0];
	_ =	sdelay $0x2  }
0xb9: {  	s31 =	sshll.u32 s1, $0xD;
	s1 =	sshrl.u32 s1, $0x2  }
0xba: {  	s3 =	sand.u32 $0x4000, s31;
	s1 =	sadd.s32 s1, s30  }
0xbb: {  	s0 =	sor.u32 s3, s0;
	s1 =	sshll.u32 s1, $0x11  }
0xbc: {  	s0 =	sor.u32 s1, s0  }
0xbd: {  	s0 =	sadd.s32 $0x8F2B, s0  }
0xbe: {  	[sflag:s0] =	ssyncadd.remote.s32 $0x1  }
0xbf: {  	_ =	sfence.sel $0xFFFF  }
0xc0: {  	[dreg:$0x0] =	wrdreg $0xFFFFFFFF;
	(pc) =	sbr.abs _section_cstart, $3  }
0xc1: {  	[dreg:$0x1] =	wrdreg $0xFFFFFFFF  }
0xc2: {  	_ =	task.clear_ibuf [dreg:s6], $0x2FFFF;
	_ =	strace $0x9FFFFFFF  }
0xc3: {  	(tm) =	ssettm $0x7FFFFFFF  }
tec
execute0_lowered:
.L_overlay_start_1:
0x0: {  	(tag) =	ssettag $0x1  }
0x1: {  	s0 =	rddreg [dreg:$0x0]  }
0x2: {  	s2 =	rddreg [dreg:$0x1]  }
0x3: {  	s3 =	rddreg [dreg:$0x2]  }
0x4: {  	s7 =	stileid.u32;
	s1 =	srdreg.scid;
	s4 =	simm.s32 $0x0  }
0x5: {  	s14 =	simm.s32 $0x5000;
	s15 =	simm.s32 $0x3;
	s17 =	simm.s32 $0xCF00  }
0x6: {  	s20 =	simm.s32 $0x14700;
	s21 =	simm.s32 $0x16F00;
	s22 =	simm.s32 $0x80  }
0x7: {  	s23 =	simm.s32 $0x9F00;
	s28 =	simm.s32 $0xAF00;
	s29 =	simm.s32 $0x1  }
0x8: {  	s30 =	simm.s32 $0x2;
	s31 =	simm.s32 $0x0;
	s11 =	smul.u32 $0x2800, s7  }
0x9: {  	s1 =	sand.u32 $0x1, s1;
	[smem:$0x7FF] =	sst s4;
	s7 =	smul.u32 $0x4F0, s7  }
0xa: {  	s5 =	smul.u32 $0x28000, s1;
	_ =	strace $0x8000004A;
	s1 =	ssub.s32 $0x2, s1  }
0xb: {  	s6 =	sshrl.u32 s11, $0x3;
	s24 =	sadd.s32 s7, s0;
	s25 =	sshrl.u32 s1, $0x1  }
0xc: {  	s10 =	sadd.s32 s11, s2;
	s5 =	sadd.s32 s11, s5;
	s9 =	sadd.s32 s6, s0  }
0xd: {  	s1 =	ssub.s32 s1, s25;
	s26 =	sadd.s32 $0xD600, s24;
	s6 =	sadd.s32 $0x3600, s24  }
0xe: {  	s11 =	sadd.s32 s11, s3;
	s24 =	simm.s32 $0x5080;
	s25 =	simm.s32 $0xA700  }
0xf: {  	s5 =	sshrl.u32 s5, $0x3;
	[dreg:$0x4] =	wrdreg s26;
	s9 =	sadd.s32 $0x8600, s9  }
0x10: {  	s13 =	smax.u32 s1, $0x1;
	s26 =	simm.s32 $0x5100;
	s0 =	sadd.s32 s5, s0  }
0x11: {  	v0 =	vimm.f32 $0.0e+00;
	s7 =	sadd.s32 $0xB2600, s0;
	s8 =	sadd.s32 $0x12600, s0;
	s12 =	sadd.s32 $0x1C600, s0  }
.LBB2_1:
0x12: {  	s0 =	rddreg [dreg:$0x4]  }
0x13: {  	[tilespmem:s14], [sflag:$0x3] =	stream.linear.gather [hbm4b:s0+s4], $0x2780, $0x38;
	[tilespmem:$0x19700] =	vst v63  }
0x14: {  	_ =	swait.ge [sflag:s15], $0x2780  }
0x15: {  	[sflag:s15] =	ssyncset.done $0x0  }
0x16: {  	s16 =	simm.s32 $0x7780;
	[sflag:s15] =	ssyncadd.s32 $0xFFFFD880  }
0x17: {  	[tilespmem:s16], [sflag:$0x3] =	stream.linear.gather [hbm4b:s6+s4], $0x2780, $0x38;
	[tilespmem:$0x19700] =	vst v63  }
0x18: {  	_ =	swait.ge [sflag:s15], $0x2780  }
0x19: {  	[sflag:s15] =	ssyncset.done $0x0  }
0x1a: {  	[sflag:s15] =	ssyncadd.s32 $0xFFFFD880  }
0x1b: {  	[tilespmem:s17], [sflag:$0x3] =	stream.linear.gather [hbm4b:s7+s4], $0x2800, $0x38;
	[tilespmem:$0x19700] =	vst v63  }
0x1c: {  	_ =	swait.ge [sflag:s15], $0x2800  }
0x1d: {  	[sflag:s15] =	ssyncset.done $0x0  }
0x1e: {  	s18 =	simm.s32 $0xF700;
	[sflag:s15] =	ssyncadd.s32 $0xFFFFD800  }
0x1f: {  	[tilespmem:s18], [sflag:$0x3] =	stream.linear.gather [hbm4b:s8+s4], $0x2800, $0x38;
	[tilespmem:$0x19700] =	vst v63  }
0x20: {  	_ =	swait.ge [sflag:s15], $0x2800  }
0x21: {  	[sflag:s15] =	ssyncset.done $0x0  }
0x22: {  	s19 =	simm.s32 $0x11F00;
	[sflag:s15] =	ssyncadd.s32 $0xFFFFD800  }
0x23: {  	[tilespmem:s19], [sflag:$0x3] =	stream.linear.gather [hbm4b:s9+s4], $0x2800, $0x38;
	[tilespmem:$0x19700] =	vst v63  }
0x24: {  	_ =	swait.ge [sflag:s15], $0x2800  }
0x25: {  	[sflag:s15] =	ssyncset.done $0x0  }
0x26: {  	s0 =	simm.s32 $0x0;
	[sflag:s15] =	ssyncadd.s32 $0xFFFFD800  }
0x27: {  	v1 =	vld [tilespmem:s0+$0x11F00]  }
0x28: {  	s1 =	simm.s32 $0x40;
	v2 =	vld [tilespmem:s0+$0xCF00]  }
.LBB2_2:
0x29: {  	_ = 	snop  }
0x2a: {  	p0 =	sne.s32 s1, $0x9FC0  }
.Ltmp0:
0x2b: {  	_ = 	snop;
	(pc) =	sbr.rel @p0 .LBB2_2-.Ltmp0, $4  }
0x2c: {  	_ = 	snop  }
0x2d: {  	s16 =	sshra.s32 s1, $0x2;
	v3 =	vmul.f32 v2, v1  }
0x2e: {  	v1 =	vld [tilespmem:s16+$0x11F00]  }
0x2f: {  	s1 =	sadd.s32 $0x40, s1;
	v2 =	vld [tilespmem:s16+$0xCF00];
	[tilespmem:s0+$0x14700] =	vst v3;
	s0 =	smov.u32 s16  }
0x30: {  	_ =	sdelay $0x3  }
0x31: {  	v1 =	vmul.f32 v2, v1;
	_ =	sdelay $0x1  }
0x32: {  	[tilespmem:s0+$0x14700] =	vst v1  }
0x33: {  	[spmem:s10] =	stream.linear.scatter [tilespmem:s20], [sflag:$0x3], $0x2800, $0x38;
	[tilespmem:$0x19700] =	vst v63  }
0x34: {  	_ =	swait.ge [sflag:s15], $0x2800  }
0x35: {  	[sflag:s15] =	ssyncset.done $0x0  }
0x36: {  	s1 =	simm.s32 $0x0;
	s0 =	simm.s32 $0x40;
	[sflag:s15] =	ssyncadd.s32 $0xFFFFD800  }
.LBB2_4:
0x37: {  	p0 =	sne.s32 s0, $0x9FC0;
	[tilespmem:s1+$0x16F00] =	vst v0;
	s1 =	smov.u32 s0;
	s0 =	sadd.s32 $0x40, s0  }
.Ltmp1:
0x38: {  	(pc) =	sbr.rel @p0 .LBB2_4-.Ltmp1, $2  }
0x39: {  	_ =	sdelay $0x2  }
0x3a: {  	s1 =	sshra.s32 s1, $0x2  }
0x3b: {  	[tilespmem:s1+$0x16F00] =	vst v0  }
0x3c: {  	[spmem:s11] =	stream.linear.scatter [tilespmem:s21], [sflag:$0x3], $0x2800, $0x38;
	[tilespmem:$0x19700] =	vst v63  }
0x3d: {  	_ =	swait.ge [sflag:s15], $0x2800  }
0x3e: {  	[sflag:s15] =	ssyncset.done $0x0  }
0x3f: {  	[sflag:s15] =	ssyncadd.s32 $0xFFFFD800  }
0x40: {  	s0 =	simm.s32 $0x0;
	[bflag:$0x0] =	sbarrier.arrive $0xFFFF  }
.LBB2_6:
0x41: {  	[tilespmem:s23], [sflag:$0x1] =	stream.indirect.gather [spmem:s2], $0x10, s14, s22, $0xb8;
	[tilespmem:$0x19700] =	vst v63  }
0x42: {  	_ = 	snop  }
0x43: {  	[tilespmem:s25], [sflag:$0x1] =	stream.indirect.gather [spmem:s2], $0x10, s24, s22, $0xb8;
	[tilespmem:$0x19700] =	vst v63  }
0x44: {  	s1 =	simm.s32 $0x7780;
	s16 =	simm.s32 $0x5180;
	s18 =	simm.s32 $0x0  }
0x45: {  	[tilespmem:s28], [sflag:$0x1] =	stream.indirect.gather [spmem:s2], $0x10, s26, s22, $0xb8;
	[tilespmem:$0x19700] =	vst v63  }
.LBB2_7:
0x46: {  	_ =	swait.ge [sflag:s29], $0x800  }
0x47: {  	p0 =	slt.u32 s18, $0x3;
	[sflag:s29] =	ssyncset.done $0x0  }
0x48: {  	s19 =	simm.s32 @!p0 $0x2;
	[sflag:s29] =	ssyncadd.s32 $0xFFFFF800  }
0x49: {  	p1 =	sgt.u32 @!p0 s18, $0x4B;
	_ =	swait.ge @!p0 [sflag:s19], $0x800  }
0x4a: {  	p1 =	por p0, !p1;
	[sflag:s19] =	ssyncset.done @!p0 $0x0  }
0x4b: {  	[sflag:s19] =	ssyncadd.s32 @!p0 $0xFFFFF800;
	s19 =	sadd.s32 @p1 $0x3, s18  }
0x4c: {  	s5 =	smul.u32 @p1 $0xAB, s19;
	_ =	sdelay $0x1  }
0x4d: {  	s5 =	sshrl.u32 @p1 s5, $0xA  }
0x4e: {  	s5 =	sand.u32 @p1 $0x3F, s5  }
0x4f: {  	s5 =	smul.u32 @p1 $0x6, s5;
	_ =	sdelay $0x1  }
0x50: {  	s5 =	ssub.s32 @p1 s19, s5  }
0x51: {  	s5 =	sand.u32 @p1 $0xFF, s5  }
0x52: {  	s5 =	sshll.u32 @p1 s5, $0xB  }
0x53: {  	s19 =	smul.u32 $0xAB, s18;
	s5 =	sadd.s32 @p1 $0x9F00, s5  }
0x54: {  	[tilespmem:s5], [sflag:$0x1] =	stream.indirect.gather @p1 [spmem:s2], $0x10, s16, s22, $0xb8;
	[tilespmem:$0x19700] =	vst v63  }
0x55: {  	s5 =	sshrl.u32 s19, $0xA  }
0x56: {  	s5 =	sand.u32 $0x3F, s5  }
0x57: {  	s5 =	smul.u32 $0x6, s5;
	_ =	sdelay $0x1  }
0x58: {  	s5 =	ssub.s32 s18, s5;
	s18 =	sadd.s32 $0x1, s18  }
0x59: {  	p0 =	sne.s32 s18, $0x4F  }
.Ltmp2:
0x5a: {  	s5 =	sand.u32 $0xFF, s5;
	(pc) =	sbr.rel @p0 .LBB2_7-.Ltmp2, $4  }
0x5b: {  	s5 =	sshll.u32 s5, $0xB  }
0x5c: {  	s5 =	sadd.s32 $0x9F00, s5  }
0x5d: {  	[spmem:s3] =	stream.indirect.scatter.add.f32 [tilespmem:s5], [sflag:$0x2], $0x10, s1, s22, $0xb8;
	[tilespmem:$0x19700] =	vst v63  }
0x5e: {  	s16 =	sadd.s32 $0x80, s16;
	s1 =	sadd.s32 $0x80, s1  }
0x5f: {  	_ =	swait.ge [sflag:s30], $0x800  }
0x60: {  	[sflag:s30] =	ssyncset.done $0x0  }
0x61: {  	[sflag:s30] =	ssyncadd.s32 $0xFFFFF800  }
0x62: {  	_ =	swait.ge [sflag:s30], $0x800  }
0x63: {  	[sflag:s30] =	ssyncset.done $0x0  }
0x64: {  	[sflag:s30] =	ssyncadd.s32 $0xFFFFF800  }
0x65: {  	_ =	swait.ge [sflag:s30], $0x800  }
0x66: {  	[sflag:s30] =	ssyncset.done $0x0  }
0x67: {  	[sflag:s30] =	ssyncadd.s32 $0xFFFFF800  }
0x68: {  	[bflag:$0x0] =	sbarrier.arrive $0xFFFF  }
0x69: {  	[tilespmem:s20], [sflag:$0x3] =	stream.linear.gather [spmem:s11], $0x2800, $0x38;
	[tilespmem:$0x19700] =	vst v63  }
0x6a: {  	_ =	swait.ge [sflag:s15], $0x2800  }
0x6b: {  	[sflag:s15] =	ssyncset.done $0x0  }
0x6c: {  	[sflag:s15] =	ssyncadd.s32 $0xFFFFD800  }
0x6d: {  	[spmem:s11] =	stream.linear.scatter [tilespmem:s21], [sflag:$0x3], $0x2800, $0x38;
	[tilespmem:$0x19700] =	vst v63  }
0x6e: {  	_ =	swait.ge [sflag:s15], $0x2800  }
0x6f: {  	[sflag:s15] =	ssyncset.done $0x0  }
0x70: {  	s1 =	simm.s32 $0x10;
	[sflag:s15] =	ssyncadd.s32 $0xFFFFD800  }
0x71: {  	v2 =	vld [tilespmem:s1+$0x11EF0]  }
0x72: {  	v1 =	vld [tilespmem:s1+$0x11F00]  }
0x73: {  	s16 =	simm.s32 $0xC0;
	v3 =	vld [tilespmem:s1+$0x146F0]  }
.LBB2_9:
0x74: {  	p0 =	sne.s32 s16, $0x9FC0;
	v4 =	vld [tilespmem:s1+$0x14700]  }
0x75: {  	v5 =	vld [tilespmem:s1+$0xCEF0]  }
0x76: {  	v6 =	vld [tilespmem:s1+$0xCF00];
	_ =	sdelay $0x1  }
0x77: {  	v3 =	vmul.f32 v3, v2  }
0x78: {  	v7 =	vld [tilespmem:s1+$0xF6F0];
	v4 =	vmul.f32 v4, v1  }
0x79: {  	v5 =	vmul.f32 $5.000000000e-01, v5;
	v3 =	vmul.f32 $5.000000000e-01, v3;
	v8 =	vld [tilespmem:s1+$0xF700]  }
0x7a: {  	v6 =	vmul.f32 $5.000000000e-01, v6;
	v4 =	vmul.f32 $5.000000000e-01, v4  }
0x7b: {  	v3 =	vadd.f32 v3, v5  }
0x7c: {  	v4 =	vadd.f32 v4, v6  }
0x7d: {  	v3 =	vadd.f32 v3, v7  }
.Ltmp3:
0x7e: {  	v4 =	vadd.f32 v4, v8;
	(pc) =	sbr.rel @p0 .LBB2_9-.Ltmp3, $4  }
0x7f: {  	s5 =	sshra.s32 s16, $0x2;
	[tilespmem:s1+$0xCEF0] =	vst v3;
	v3 =	vmul.f32 v3, v2  }
0x80: {  	v2 =	vld [tilespmem:s5+$0x11EF0];
	[tilespmem:s1+$0xCF00] =	vst v4;
	v4 =	vmul.f32 v4, v1  }
0x81: {  	v1 =	vld [tilespmem:s5+$0x11F00];
	[tilespmem:s1+$0x146F0] =	vst v3  }
0x82: {  	s16 =	sadd.s32 $0x80, s16;
	v3 =	vld [tilespmem:s5+$0x146F0];
	[tilespmem:s1+$0x14700] =	vst v4;
	s1 =	smov.u32 s5  }
0x83: {  	v4 =	vld [tilespmem:s1+$0x14700]  }
0x84: {  	v5 =	vld [tilespmem:s1+$0xCEF0]  }
0x85: {  	v6 =	vld [tilespmem:s1+$0xCF00];
	_ =	sdelay $0x1  }
0x86: {  	v3 =	vmul.f32 v3, v2  }
0x87: {  	v7 =	vld [tilespmem:s1+$0xF6F0];
	v4 =	vmul.f32 v4, v1  }
0x88: {  	v8 =	vld [tilespmem:s1+$0xF700];
	v5 =	vmul.f32 $5.000000000e-01, v5;
	v3 =	vmul.f32 $5.000000000e-01, v3  }
0x89: {  	v6 =	vmul.f32 $5.000000000e-01, v6;
	v4 =	vmul.f32 $5.000000000e-01, v4  }
0x8a: {  	v3 =	vadd.f32 v3, v5  }
0x8b: {  	v4 =	vadd.f32 v4, v6  }
0x8c: {  	v3 =	vadd.f32 v3, v7  }
0x8d: {  	v4 =	vadd.f32 v4, v8  }
0x8e: {  	[tilespmem:s1+$0xCEF0] =	vst v3;
	v2 =	vmul.f32 v3, v2  }
0x8f: {  	[tilespmem:s1+$0xCF00] =	vst v4;
	v1 =	vmul.f32 v4, v1  }
0x90: {  	s0 =	sadd.s32 $0x1, s0;
	[tilespmem:s1+$0x146F0] =	vst v2  }
0x91: {  	p0 =	sne.s32 s0, $0x40;
	[tilespmem:s1+$0x14700] =	vst v1  }
0x92: {  	[spmem:s10] =	stream.linear.scatter [tilespmem:s20], [sflag:$0x3], $0x2800, $0x38;
	[tilespmem:$0x19700] =	vst v63  }
.Ltmp4:
0x93: {  	_ =	swait.ge [sflag:s15], $0x2800;
	(pc) =	sbr.rel @p0 .LBB2_6-.Ltmp4, $3  }
0x94: {  	[sflag:s15] =	ssyncset.done $0x0  }
0x95: {  	[sflag:s15] =	ssyncadd.s32 $0xFFFFD800  }
0x96: {  	[bflag:$0x0] =	sbarrier.arrive $0xFFFF;
	_ =	sdelay $0x1  }
0x97: {  	s31 =	sadd.s32 $0x1, s31  }
0x98: {  	p0 =	sne.s32 s31, s13  }
.Ltmp5:
0x99: {  	_ = 	snop;
	(pc) =	sbr.rel @p0 .LBB2_1-.Ltmp5, $4  }
0x9a: {  	[hbm4b:s12+s4] =	stream.linear.scatter [tilespmem:s17], [sflag:$0x3], $0x2800, $0x38;
	[tilespmem:$0x19700] =	vst v63  }
0x9b: {  	_ =	swait.ge [sflag:s15], $0x2800  }
0x9c: {  	[sflag:s15] =	ssyncset.done $0x0  }
0x9d: {  	[sflag:s15] =	ssyncadd.s32 $0xFFFFD800  }
0x9e: {  	_ =	sfence.sel $0x180000  }
0x9f: {  	[bflag:$0x0] =	sbarrier.arrive $0xFFFF  }
0xa0: {  	_ =	strace $0x9000004A  }
0xa1: {  	s0 =	stileid.u32;
	[bflag:$0x2] =	sbarrier.arrive $0xFFFF  }
0xa2: {  	p0 =	sne.s32 s0, $0x0;
	s0 =	rddreg [dreg:$0x3]  }
0xa3: {  	s0 =	sadd.s32 @!p0 $0x100000, s0  }
0xa4: {  	[sflag:s0] =	ssyncadd.tile.s32 @!p0 $0x1;
	_ =	shalt  }
.Lfunc_end2:
_tile_overlayer_lowered:
.L_overlay_start_2:
0xa5: {  	(tag) =	ssettag $0x2  }
0xa6: {  	s0 =	rddreg [dreg:$0x0];
	s2 =	stileid.u32  }
0xa7: {  	s1 =	rddreg [dreg:$0x1];
	p0 =	sne.s32 s2, $0x0  }
0xa8: {  	s3 =	rddreg [dreg:$0x2];
	[bflag:$0x3] =	sbarrier.arrive $0xFFFF;
	s2 =	simm.s32 @!p0 $0x1C03  }
0xa9: {  	[timem:s3], [sflag:s2] =	dma.local @!p0 [hbm:s0], s1  }
0xaa: {  	s0 =	simm.s32 @!p0 $0x3  }
0xab: {  	_ =	swait.ge @!p0 [sflag:s0], s1  }
0xac: {  	s1 =	ssub.s32 @!p0 $0x0, s1;
	[sflag:s0] =	ssyncset.done @!p0 $0x0  }
0xad: {  	[sflag:s0] =	ssyncadd.s32 @!p0 s1  }
0xae: {  	[bflag:$0x3] =	sbarrier.arrive $0xFFFF  }
0xaf: {  	_ =	shalt  }

// kernel: kernel.14.cloned.1.call-start
scs
__scs_entry_jumppad:
0x0: {  	(pc) =	sbr.rel $0x88, $3  }
0x1: {  	(tag) =	ssettag $0x0;
	lr =	simm.s32 $0x1  }
0x2: {  	[smem:$0x3F8F] =	sst lr;
	_ =	strace $0xD0000000  }
0x3: {  	_ = 	snop  }
0x4: {  	_ = 	snop  }
0x5: {  	_ = 	snop  }
0x6: {  	_ = 	snop  }
0x7: {  	_ = 	snop  }
__scs_overlays_trampoline_lowered:
0x8: {  	[smem:$0x3F9E] =	sst s0  }
0x9: {  	[smem:$0x3F9F] =	sst s1  }
0xa: {  	[smem:$0x3FA0] =	sst s2  }
0xb: {  	[smem:$0x3FA1] =	sst s3  }
0xc: {  	[smem:$0x3FA2] =	sst s4  }
0xd: {  	[smem:$0x3FA3] =	sst s5  }
0xe: {  	[smem:$0x3FA4] =	sst s6  }
0xf: {  	[smem:$0x3FA5] =	sst s7  }
0x10: {  	[smem:$0x3FA6] =	sst s8  }
0x11: {  	[smem:$0x3FA7] =	sst s9;
	s0 =	simm.s32 @!p0 $0x0  }
0x12: {  	s1 =	sld [smem:$0x3F8D];
	s0 =	simm.s32 @p0 $0x1  }
0x13: {  	[smem:$0x3FA8] =	sst s0;
	s0 =	simm.s32 @!p1 $0x0  }
0x14: {  	s2 =	sld [smem:$0x3F8C];
	s0 =	simm.s32 @p1 $0x1  }
0x15: {  	[smem:$0x3FA9] =	sst s0;
	s0 =	simm.s32 @!p2 $0x0  }
0x16: {  	s3 =	sld [smem:$0x3FDB];
	s0 =	simm.s32 @p2 $0x1  }
0x17: {  	s4 =	simm.s32 $0x1BF5;
	[smem:$0x3FAB] =	sst s0  }
0x18: {  	s0 =	sld [smem:$0x3F8E];
	_ =	swait.ge [sflag:s4], $0x0  }
0x19: {  	s7 =	sld [smem:$0x3F8F]  }
0x1a: {  	s8 =	sadd.s32 $0xFFFFE003, lr  }
0x1b: {  	s9 =	sadd.s32 $0xFFFFFEF7, lr;
	s5 =	simm.s32 $0xFFFFFFFF;
	p2 =	slt.u32 s8, $0xFFFFF086  }
0x1c: {  	p1 =	slt.u32 s9, $0xF7A;
	s5 =	simm.s32 @!p2 $0x0  }
0x1d: {  	s5 =	simm.s32 @p1 $0x1;
	p0 =	seq.s32 s7, s2  }
0x1e: {  	s7 =	smul.u32 @!p0 $0xF7A, s2;
	p2 =	seq.s32 @!p0 s5, $0x0  }
0x1f: {  	s9 =	smul.u32 $0xF7A, s1;
	s8 =	simm.s32 @!p0 $0x1BF5;
	p2 =	por !p2, p0  }
0x20: {  	[sflag:s8] =	ssyncset.s32 @!p0 $0xFFFFF086;
	s6 =	sadd.s32 @!p0 s3, s7;
	s7 =	simm.s32 @!p0 $0x108  }
0x21: {  	s3 =	sadd.s32 s3, s9;
	s6 =	sadd.s32 @!p0 $0x88, s6;
	s7 =	simm.s32 @p2 $0x1082  }
0x22: {  	[simem:s7], [sflag:s8] =	dma.local @!p0 [hbm:s6], $0xF7A  }
0x23: {  	s9 =	sor.u32 $0xD0000000, s2;
	s6 =	simm.s32 $0x108;
	_ =	swait.ge @!p0 [sflag:s8], $0x0  }
0x24: {  	s3 =	sadd.s32 $0x88, s3;
	s6 =	simm.s32 @!p1 $0x1082;
	[sflag:s4] =	ssyncset.s32 $0xFFFFF086  }
0x25: {  	[simem:s6], [sflag:s4] =	dma.local [hbm:s3], $0xF7A  }
0x26: {  	[smem:$0x3F8F] =	sst s1;
	(tag) =	ssettag s2;
	_ =	strace s9  }
0x27: {  	s1 =	sld [smem:$0x3F9F]  }
0x28: {  	s2 =	sld [smem:$0x3FA0]  }
0x29: {  	s4 =	sld [smem:$0x3FA2]  }
0x2a: {  	p0 =	seq.s32 s5, $0x0;
	s5 =	sld [smem:$0x3FA3]  }
0x2b: {  	s6 =	sld [smem:$0x3FA4]  }
0x2c: {  	s7 =	sld [smem:$0x3FA5]  }
0x2d: {  	s3 =	simm.s32 $0x108;
	s8 =	sld [smem:$0x3FA6]  }
0x2e: {  	s3 =	simm.s32 @!p0 $0x1082;
	s9 =	sld [smem:$0x3FA7]  }
0x2f: {  	lr =	sadd.s32 s0, s3;
	s0 =	sld [smem:$0x3F9E]  }
0x30: {  	s3 =	sld [smem:$0x3FA1]  }
0x31: {  	[smem:$0x3FAA] =	sst s10  }
0x32: {  	s10 =	sld [smem:$0x3FA8];
	_ =	sdelay $0x3  }
0x33: {  	p0 =	seq.s32 s10, $0x1;
	s10 =	sld [smem:$0x3FAA];
	_ =	sdelay $0x3  }
0x34: {  	[smem:$0x3FAA] =	sst s10  }
0x35: {  	s10 =	sld [smem:$0x3FA9];
	_ =	sdelay $0x3  }
0x36: {  	p1 =	seq.s32 s10, $0x1;
	s10 =	sld [smem:$0x3FAA];
	_ =	sdelay $0x3  }
0x37: {  	[smem:$0x3FAA] =	sst s10  }
0x38: {  	s10 =	sld [smem:$0x3FAB]  }
0x39: {  	_ = 	snop;
	(pc) =	sbr.ind lr, $3  }
0x3a: {  	_ = 	snop  }
0x3b: {  	_ = 	snop  }
0x3c: {  	p2 =	seq.s32 s10, $0x1;
	s10 =	sld [smem:$0x3FAA]  }
0x3d: {  	_ =	shalt  }
0x3e: {  	_ =	shalt  }
0x3f: {  	_ =	shalt  }
0x40: {  	_ =	shalt  }
0x41: {  	_ =	shalt  }
0x42: {  	_ =	shalt  }
0x43: {  	_ =	shalt  }
0x44: {  	_ =	shalt  }
0x45: {  	_ =	shalt  }
0x46: {  	_ =	shalt  }
0x47: {  	_ =	shalt  }
0x48: {  	_ =	shalt  }
0x49: {  	_ =	shalt  }
0x4a: {  	_ =	shalt  }
0x4b: {  	_ =	shalt  }
0x4c: {  	_ =	shalt  }
0x4d: {  	_ =	shalt  }
0x4e: {  	_ =	shalt  }
0x4f: {  	_ =	shalt  }
0x50: {  	_ =	shalt  }
0x51: {  	_ =	shalt  }
0x52: {  	_ =	shalt  }
0x53: {  	_ =	shalt  }
0x54: {  	_ =	shalt  }
0x55: {  	_ =	shalt  }
0x56: {  	_ =	shalt  }
0x57: {  	_ =	shalt  }
0x58: {  	_ =	shalt  }
0x59: {  	_ =	shalt  }
0x5a: {  	_ =	shalt  }
0x5b: {  	_ =	shalt  }
0x5c: {  	_ =	shalt  }
0x5d: {  	_ =	shalt  }
0x5e: {  	_ =	shalt  }
0x5f: {  	_ =	shalt  }
0x60: {  	_ =	shalt  }
0x61: {  	_ =	shalt  }
0x62: {  	_ =	shalt  }
0x63: {  	_ =	shalt  }
0x64: {  	_ =	shalt  }
0x65: {  	_ =	shalt  }
0x66: {  	_ =	shalt  }
0x67: {  	_ =	shalt  }
0x68: {  	_ =	shalt  }
0x69: {  	_ =	shalt  }
0x6a: {  	_ =	shalt  }
0x6b: {  	_ =	shalt  }
0x6c: {  	_ =	shalt  }
0x6d: {  	_ =	shalt  }
0x6e: {  	_ =	shalt  }
0x6f: {  	_ =	shalt  }
0x70: {  	_ =	shalt  }
0x71: {  	_ =	shalt  }
0x72: {  	_ =	shalt  }
0x73: {  	_ =	shalt  }
0x74: {  	_ =	shalt  }
0x75: {  	_ =	shalt  }
0x76: {  	_ =	shalt  }
0x77: {  	_ =	shalt  }
0x78: {  	_ =	shalt  }
0x79: {  	_ =	shalt  }
0x7a: {  	_ =	shalt  }
0x7b: {  	_ =	shalt  }
0x7c: {  	_ =	shalt  }
0x7d: {  	_ =	shalt  }
0x7e: {  	_ =	shalt  }
0x7f: {  	_ =	shalt  }
0x80: {  	_ =	shalt  }
0x81: {  	_ =	shalt  }
0x82: {  	_ =	shalt  }
0x83: {  	_ =	shalt  }
0x84: {  	_ =	shalt  }
0x85: {  	_ =	shalt  }
0x86: {  	_ =	shalt  }
0x87: {  	_ =	shalt  }
.Lfunc_end0:
.L_simem_size_0:
called_computation.2_lowered:
.L_overlay_start_0:
0x88: {  	s2 =	sld [smem:$0x3FD9]  }
0x89: {  	s3 =	sld [smem:$0x3FFE];
	_ =	sdelay $0x1  }
0x8a: {  	s1 =	srdreg.scid  }
0x8b: {  	s0 =	sand.u32 $0x1, s1  }
0x8c: {  	s16 =	sshll.u32 s0, $0xA;
	s2 =	sadd.s32 s3, s2  }
0x8d: {  	s2 =	sadd.s32 s2, s16  }
0x8e: {  	[smem:$0x3FB6] =	sst s2  }
0x8f: {  	_ = 	snop  }
0x90: {  	(tm) =	ssettm $0x1  }
0x91: {  	s17 =	sld [smem:$0x3FFB];
	_ =	sdelay $0x3  }
0x92: {  	_ =	strace s17  }
0x93: {  	s2 =	sld [smem:$0x3FFC];
	_ =	sdelay $0x3  }
0x94: {  	_ =	strace s2  }
0x95: {  	s2 =	sld [smem:$0x3FFD];
	_ =	sdelay $0x3  }
0x96: {  	_ =	strace s2  }
0x97: {  	_ =	strace $0x8FFFFFFF  }
0x98: {  	s18 =	sld [smem:$0x3FDB];
	_ =	sdelay $0x1  }
0x99: {  	s19 =	simm.s32 $_scs_section_size  }
0x9a: {  	s4 =	simm.s32 $_size__tile_overlayer_lowered;
	s5 =	simm.s32 $_tile_overlayer_lowered  }
0x9b: {  	s22 =	simm.s32 $0x1BFF;
	s21 =	sshll.u32 s5, $0x1;
	s2 =	sadd.s32 s19, s18  }
0x9c: {  	s6 =	simm.s32 $0x0;
	s20 =	sshll.u32 s4, $0x1;
	s4 =	sadd.s32 s21, s2  }
0x9d: {  	[timem:s6], [sflag:s22] =	dma.local [hbm:s4], s20  }
0x9e: {  	_ =	swait.ge [sflag:s22], s20  }
0x9f: {  	s3 =	ssub.s32 $0x0, s20;
	[sflag:s22] =	ssyncset.done $0x0  }
0xa0: {  	[sflag:s22] =	ssyncadd.s32 s3;
	_ =	sdelay $0x1  }
0xa1: {  	s23 =	simm.s32 $0x1B8B  }
0xa2: {  	_ =	swait.ge [sflag:s23], $0x1  }
0xa3: {  	[sflag:s23] =	ssyncset.done $0x0  }
0xa4: {  	s25 =	simm.s32 $0x1B8E;
	s24 =	sld [smem:$0x3FFE];
	[sflag:s23] =	ssyncadd.s32 $0xFFFFFFFF  }
0xa5: {  	s26 =	simm.s32 $execute0_lowered;
	[smem:$0x3FD2] =	sst s25  }
0xa6: {  	s4 =	sshll.u32 s26, $0x1;
	_ =	strace $0x8000004C;
	[dreg:$0x1] =	wrdreg $0xFFFFFFFF  }
0xa7: {  	s28 =	simm.s32 $_size_execute0_lowered;
	s2 =	sadd.s32 s2, s4;
	[dreg:$0x0] =	wrdreg $0x0  }
0xa8: {  	s4 =	sshll.u32 s28, $0x1;
	[dreg:$0x2] =	wrdreg s2  }
0xa9: {  	[dreg:$0x3] =	wrdreg s4  }
0xaa: {  	[dreg:$0x4] =	wrdreg $0xC0  }
0xab: {  	_ =	task [dreg:s6], $0x5FFFF  }
0xac: {  	[dreg:$0x1] =	wrdreg $0xFFFFFFFF  }
0xad: {  	[dreg:$0x0] =	wrdreg $0x60  }
0xae: {  	[dreg:$0x2] =	wrdreg s24  }
0xaf: {  	[dreg:$0x3] =	wrdreg $0x0  }
0xb0: {  	[dreg:$0x4] =	wrdreg $0x28000  }
0xb1: {  	[dreg:$0x5] =	wrdreg $0x9  }
0xb2: {  	_ =	task.clear_ibuf [dreg:s6], $0x6FFFF;
	_ =	strace $0x9000004C  }
0xb3: {  	s29 =	simm.s32 $0x9;
	_ =	strace $0x8000004E  }
0xb4: {  	_ =	swait.ge [sflag:s29], $0x1  }
0xb5: {  	[sflag:s29] =	ssyncadd.s32 $0xFFFFFFFF  }
0xb6: {  	_ =	strace $0x9000004E  }
0xb7: {  	_ =	sfence  }
0xb8: {  	s30 =	sld [smem:$0x0];
	_ =	sdelay $0x2  }
0xb9: {  	s31 =	sshll.u32 s1, $0xD;
	s1 =	sshrl.u32 s1, $0x2  }
0xba: {  	s3 =	sand.u32 $0x4000, s31;
	s1 =	sadd.s32 s1, s30  }
0xbb: {  	s0 =	sor.u32 s3, s0;
	s1 =	sshll.u32 s1, $0x11  }
0xbc: {  	s0 =	sor.u32 s1, s0  }
0xbd: {  	s0 =	sadd.s32 $0x8F2B, s0  }
0xbe: {  	[sflag:s0] =	ssyncadd.remote.s32 $0x1  }
0xbf: {  	_ =	sfence.sel $0xFFFF  }
0xc0: {  	[dreg:$0x0] =	wrdreg $0xFFFFFFFF;
	(pc) =	sbr.abs _section_cstart, $3  }
0xc1: {  	[dreg:$0x1] =	wrdreg $0xFFFFFFFF  }
0xc2: {  	_ =	task.clear_ibuf [dreg:s6], $0x2FFFF;
	_ =	strace $0x9FFFFFFF  }
0xc3: {  	(tm) =	ssettm $0x7FFFFFFF  }
tec
execute0_lowered:
.L_overlay_start_1:
0x0: {  	(tag) =	ssettag $0x1  }
0x1: {  	s0 =	rddreg [dreg:$0x0]  }
0x2: {  	s2 =	rddreg [dreg:$0x1]  }
0x3: {  	s3 =	rddreg [dreg:$0x2]  }
0x4: {  	s7 =	stileid.u32;
	s1 =	srdreg.scid;
	s4 =	simm.s32 $0x0  }
0x5: {  	s14 =	simm.s32 $0x5000;
	s15 =	simm.s32 $0x3;
	s17 =	simm.s32 $0xCF00  }
0x6: {  	s20 =	simm.s32 $0x14700;
	s21 =	simm.s32 $0x16F00;
	s22 =	simm.s32 $0x80  }
0x7: {  	s23 =	simm.s32 $0x9F00;
	s28 =	simm.s32 $0xAF00;
	s29 =	simm.s32 $0x1  }
0x8: {  	s30 =	simm.s32 $0x2;
	s31 =	simm.s32 $0x0;
	s11 =	smul.u32 $0x2800, s7  }
0x9: {  	s1 =	sand.u32 $0x1, s1;
	[smem:$0x7FF] =	sst s4;
	s7 =	smul.u32 $0x4F0, s7  }
0xa: {  	s5 =	smul.u32 $0x28000, s1;
	_ =	strace $0x8000004D;
	s1 =	ssub.s32 $0x2, s1  }
0xb: {  	s6 =	sshrl.u32 s11, $0x3;
	s24 =	sadd.s32 s7, s0;
	s25 =	sshrl.u32 s1, $0x1  }
0xc: {  	s10 =	sadd.s32 s11, s2;
	s5 =	sadd.s32 s11, s5;
	s9 =	sadd.s32 s6, s0  }
0xd: {  	s1 =	ssub.s32 s1, s25;
	s26 =	sadd.s32 $0xD600, s24;
	s6 =	sadd.s32 $0x3600, s24  }
0xe: {  	s11 =	sadd.s32 s11, s3;
	s24 =	simm.s32 $0x5080;
	s25 =	simm.s32 $0xA700  }
0xf: {  	s5 =	sshrl.u32 s5, $0x3;
	[dreg:$0x4] =	wrdreg s26;
	s9 =	sadd.s32 $0x8600, s9  }
0x10: {  	s13 =	smax.u32 s1, $0x1;
	s26 =	simm.s32 $0x5100;
	s0 =	sadd.s32 s5, s0  }
0x11: {  	v0 =	vimm.f32 $0.0e+00;
	s7 =	sadd.s32 $0x12600, s0;
	s8 =	sadd.s32 $0x1C600, s0;
	s12 =	sadd.s32 $0x26600, s0  }
.LBB2_1:
0x12: {  	s0 =	rddreg [dreg:$0x4]  }
0x13: {  	[tilespmem:s14], [sflag:$0x3] =	stream.linear.gather [hbm4b:s0+s4], $0x2780, $0x38;
	[tilespmem:$0x19700] =	vst v63  }
0x14: {  	_ =	swait.ge [sflag:s15], $0x2780  }
0x15: {  	[sflag:s15] =	ssyncset.done $0x0  }
0x16: {  	s16 =	simm.s32 $0x7780;
	[sflag:s15] =	ssyncadd.s32 $0xFFFFD880  }
0x17: {  	[tilespmem:s16], [sflag:$0x3] =	stream.linear.gather [hbm4b:s6+s4], $0x2780, $0x38;
	[tilespmem:$0x19700] =	vst v63  }
0x18: {  	_ =	swait.ge [sflag:s15], $0x2780  }
0x19: {  	[sflag:s15] =	ssyncset.done $0x0  }
0x1a: {  	[sflag:s15] =	ssyncadd.s32 $0xFFFFD880  }
0x1b: {  	[tilespmem:s17], [sflag:$0x3] =	stream.linear.gather [hbm4b:s7+s4], $0x2800, $0x38;
	[tilespmem:$0x19700] =	vst v63  }
0x1c: {  	_ =	swait.ge [sflag:s15], $0x2800  }
0x1d: {  	[sflag:s15] =	ssyncset.done $0x0  }
0x1e: {  	s18 =	simm.s32 $0xF700;
	[sflag:s15] =	ssyncadd.s32 $0xFFFFD800  }
0x1f: {  	[tilespmem:s18], [sflag:$0x3] =	stream.linear.gather [hbm4b:s8+s4], $0x2800, $0x38;
	[tilespmem:$0x19700] =	vst v63  }
0x20: {  	_ =	swait.ge [sflag:s15], $0x2800  }
0x21: {  	[sflag:s15] =	ssyncset.done $0x0  }
0x22: {  	s19 =	simm.s32 $0x11F00;
	[sflag:s15] =	ssyncadd.s32 $0xFFFFD800  }
0x23: {  	[tilespmem:s19], [sflag:$0x3] =	stream.linear.gather [hbm4b:s9+s4], $0x2800, $0x38;
	[tilespmem:$0x19700] =	vst v63  }
0x24: {  	_ =	swait.ge [sflag:s15], $0x2800  }
0x25: {  	[sflag:s15] =	ssyncset.done $0x0  }
0x26: {  	s0 =	simm.s32 $0x0;
	[sflag:s15] =	ssyncadd.s32 $0xFFFFD800  }
0x27: {  	v1 =	vld [tilespmem:s0+$0x11F00]  }
0x28: {  	s1 =	simm.s32 $0x40;
	v2 =	vld [tilespmem:s0+$0xCF00]  }
.LBB2_2:
0x29: {  	_ = 	snop  }
0x2a: {  	p0 =	sne.s32 s1, $0x9FC0  }
.Ltmp0:
0x2b: {  	_ = 	snop;
	(pc) =	sbr.rel @p0 .LBB2_2-.Ltmp0, $4  }
0x2c: {  	_ = 	snop  }
0x2d: {  	s16 =	sshra.s32 s1, $0x2;
	v3 =	vmul.f32 v2, v1  }
0x2e: {  	v1 =	vld [tilespmem:s16+$0x11F00]  }
0x2f: {  	s1 =	sadd.s32 $0x40, s1;
	v2 =	vld [tilespmem:s16+$0xCF00];
	[tilespmem:s0+$0x14700] =	vst v3;
	s0 =	smov.u32 s16  }
0x30: {  	_ =	sdelay $0x3  }
0x31: {  	v1 =	vmul.f32 v2, v1;
	_ =	sdelay $0x1  }
0x32: {  	[tilespmem:s0+$0x14700] =	vst v1  }
0x33: {  	[spmem:s10] =	stream.linear.scatter [tilespmem:s20], [sflag:$0x3], $0x2800, $0x38;
	[tilespmem:$0x19700] =	vst v63  }
0x34: {  	_ =	swait.ge [sflag:s15], $0x2800  }
0x35: {  	[sflag:s15] =	ssyncset.done $0x0  }
0x36: {  	s1 =	simm.s32 $0x0;
	s0 =	simm.s32 $0x40;
	[sflag:s15] =	ssyncadd.s32 $0xFFFFD800  }
.LBB2_4:
0x37: {  	p0 =	sne.s32 s0, $0x9FC0;
	[tilespmem:s1+$0x16F00] =	vst v0;
	s1 =	smov.u32 s0;
	s0 =	sadd.s32 $0x40, s0  }
.Ltmp1:
0x38: {  	(pc) =	sbr.rel @p0 .LBB2_4-.Ltmp1, $2  }
0x39: {  	_ =	sdelay $0x2  }
0x3a: {  	s1 =	sshra.s32 s1, $0x2  }
0x3b: {  	[tilespmem:s1+$0x16F00] =	vst v0  }
0x3c: {  	[spmem:s11] =	stream.linear.scatter [tilespmem:s21], [sflag:$0x3], $0x2800, $0x38;
	[tilespmem:$0x19700] =	vst v63  }
0x3d: {  	_ =	swait.ge [sflag:s15], $0x2800  }
0x3e: {  	[sflag:s15] =	ssyncset.done $0x0  }
0x3f: {  	[sflag:s15] =	ssyncadd.s32 $0xFFFFD800  }
0x40: {  	s0 =	simm.s32 $0x0;
	[bflag:$0x0] =	sbarrier.arrive $0xFFFF  }
.LBB2_6:
0x41: {  	[tilespmem:s23], [sflag:$0x1] =	stream.indirect.gather [spmem:s2], $0x10, s14, s22, $0xb8;
	[tilespmem:$0x19700] =	vst v63  }
0x42: {  	_ = 	snop  }
0x43: {  	[tilespmem:s25], [sflag:$0x1] =	stream.indirect.gather [spmem:s2], $0x10, s24, s22, $0xb8;
	[tilespmem:$0x19700] =	vst v63  }
0x44: {  	s1 =	simm.s32 $0x7780;
	s16 =	simm.s32 $0x5180;
	s18 =	simm.s32 $0x0  }
0x45: {  	[tilespmem:s28], [sflag:$0x1] =	stream.indirect.gather [spmem:s2], $0x10, s26, s22, $0xb8;
	[tilespmem:$0x19700] =	vst v63  }
.LBB2_7:
0x46: {  	_ =	swait.ge [sflag:s29], $0x800  }
0x47: {  	p0 =	slt.u32 s18, $0x3;
	[sflag:s29] =	ssyncset.done $0x0  }
0x48: {  	s19 =	simm.s32 @!p0 $0x2;
	[sflag:s29] =	ssyncadd.s32 $0xFFFFF800  }
0x49: {  	p1 =	sgt.u32 @!p0 s18, $0x4B;
	_ =	swait.ge @!p0 [sflag:s19], $0x800  }
0x4a: {  	p1 =	por p0, !p1;
	[sflag:s19] =	ssyncset.done @!p0 $0x0  }
0x4b: {  	[sflag:s19] =	ssyncadd.s32 @!p0 $0xFFFFF800;
	s19 =	sadd.s32 @p1 $0x3, s18  }
0x4c: {  	s5 =	smul.u32 @p1 $0xAB, s19;
	_ =	sdelay $0x1  }
0x4d: {  	s5 =	sshrl.u32 @p1 s5, $0xA  }
0x4e: {  	s5 =	sand.u32 @p1 $0x3F, s5  }
0x4f: {  	s5 =	smul.u32 @p1 $0x6, s5;
	_ =	sdelay $0x1  }
0x50: {  	s5 =	ssub.s32 @p1 s19, s5  }
0x51: {  	s5 =	sand.u32 @p1 $0xFF, s5  }
0x52: {  	s5 =	sshll.u32 @p1 s5, $0xB  }
0x53: {  	s19 =	smul.u32 $0xAB, s18;
	s5 =	sadd.s32 @p1 $0x9F00, s5  }
0x54: {  	[tilespmem:s5], [sflag:$0x1] =	stream.indirect.gather @p1 [spmem:s2], $0x10, s16, s22, $0xb8;
	[tilespmem:$0x19700] =	vst v63  }
0x55: {  	s5 =	sshrl.u32 s19, $0xA  }
0x56: {  	s5 =	sand.u32 $0x3F, s5  }
0x57: {  	s5 =	smul.u32 $0x6, s5;
	_ =	sdelay $0x1  }
0x58: {  	s5 =	ssub.s32 s18, s5;
	s18 =	sadd.s32 $0x1, s18  }
0x59: {  	p0 =	sne.s32 s18, $0x4F  }
.Ltmp2:
0x5a: {  	s5 =	sand.u32 $0xFF, s5;
	(pc) =	sbr.rel @p0 .LBB2_7-.Ltmp2, $4  }
0x5b: {  	s5 =	sshll.u32 s5, $0xB  }
0x5c: {  	s5 =	sadd.s32 $0x9F00, s5  }
0x5d: {  	[spmem:s3] =	stream.indirect.scatter.add.f32 [tilespmem:s5], [sflag:$0x2], $0x10, s1, s22, $0xb8;
	[tilespmem:$0x19700] =	vst v63  }
0x5e: {  	s16 =	sadd.s32 $0x80, s16;
	s1 =	sadd.s32 $0x80, s1  }
0x5f: {  	_ =	swait.ge [sflag:s30], $0x800  }
0x60: {  	[sflag:s30] =	ssyncset.done $0x0  }
0x61: {  	[sflag:s30] =	ssyncadd.s32 $0xFFFFF800  }
0x62: {  	_ =	swait.ge [sflag:s30], $0x800  }
0x63: {  	[sflag:s30] =	ssyncset.done $0x0  }
0x64: {  	[sflag:s30] =	ssyncadd.s32 $0xFFFFF800  }
0x65: {  	_ =	swait.ge [sflag:s30], $0x800  }
0x66: {  	[sflag:s30] =	ssyncset.done $0x0  }
0x67: {  	[sflag:s30] =	ssyncadd.s32 $0xFFFFF800  }
0x68: {  	[bflag:$0x0] =	sbarrier.arrive $0xFFFF  }
0x69: {  	[tilespmem:s20], [sflag:$0x3] =	stream.linear.gather [spmem:s11], $0x2800, $0x38;
	[tilespmem:$0x19700] =	vst v63  }
0x6a: {  	_ =	swait.ge [sflag:s15], $0x2800  }
0x6b: {  	[sflag:s15] =	ssyncset.done $0x0  }
0x6c: {  	[sflag:s15] =	ssyncadd.s32 $0xFFFFD800  }
0x6d: {  	[spmem:s11] =	stream.linear.scatter [tilespmem:s21], [sflag:$0x3], $0x2800, $0x38;
	[tilespmem:$0x19700] =	vst v63  }
0x6e: {  	_ =	swait.ge [sflag:s15], $0x2800  }
0x6f: {  	[sflag:s15] =	ssyncset.done $0x0  }
0x70: {  	s1 =	simm.s32 $0x10;
	[sflag:s15] =	ssyncadd.s32 $0xFFFFD800  }
0x71: {  	v2 =	vld [tilespmem:s1+$0x11EF0]  }
0x72: {  	v1 =	vld [tilespmem:s1+$0x11F00]  }
0x73: {  	s16 =	simm.s32 $0xC0;
	v3 =	vld [tilespmem:s1+$0x146F0]  }
.LBB2_9:
0x74: {  	p0 =	sne.s32 s16, $0x9FC0;
	v4 =	vld [tilespmem:s1+$0x14700]  }
0x75: {  	v5 =	vld [tilespmem:s1+$0xCEF0]  }
0x76: {  	v6 =	vld [tilespmem:s1+$0xCF00];
	_ =	sdelay $0x1  }
0x77: {  	v3 =	vmul.f32 v3, v2  }
0x78: {  	v7 =	vld [tilespmem:s1+$0xF6F0];
	v4 =	vmul.f32 v4, v1  }
0x79: {  	v5 =	vmul.f32 $5.000000000e-01, v5;
	v3 =	vmul.f32 $5.000000000e-01, v3;
	v8 =	vld [tilespmem:s1+$0xF700]  }
0x7a: {  	v6 =	vmul.f32 $5.000000000e-01, v6;
	v4 =	vmul.f32 $5.000000000e-01, v4  }
0x7b: {  	v3 =	vadd.f32 v3, v5  }
0x7c: {  	v4 =	vadd.f32 v4, v6  }
0x7d: {  	v3 =	vadd.f32 v3, v7  }
.Ltmp3:
0x7e: {  	v4 =	vadd.f32 v4, v8;
	(pc) =	sbr.rel @p0 .LBB2_9-.Ltmp3, $4  }
0x7f: {  	s5 =	sshra.s32 s16, $0x2;
	[tilespmem:s1+$0xCEF0] =	vst v3;
	v3 =	vmul.f32 v3, v2  }
0x80: {  	v2 =	vld [tilespmem:s5+$0x11EF0];
	[tilespmem:s1+$0xCF00] =	vst v4;
	v4 =	vmul.f32 v4, v1  }
0x81: {  	v1 =	vld [tilespmem:s5+$0x11F00];
	[tilespmem:s1+$0x146F0] =	vst v3  }
0x82: {  	s16 =	sadd.s32 $0x80, s16;
	v3 =	vld [tilespmem:s5+$0x146F0];
	[tilespmem:s1+$0x14700] =	vst v4;
	s1 =	smov.u32 s5  }
0x83: {  	v4 =	vld [tilespmem:s1+$0x14700]  }
0x84: {  	v5 =	vld [tilespmem:s1+$0xCEF0]  }
0x85: {  	v6 =	vld [tilespmem:s1+$0xCF00];
	_ =	sdelay $0x1  }
0x86: {  	v3 =	vmul.f32 v3, v2  }
0x87: {  	v7 =	vld [tilespmem:s1+$0xF6F0];
	v4 =	vmul.f32 v4, v1  }
0x88: {  	v8 =	vld [tilespmem:s1+$0xF700];
	v5 =	vmul.f32 $5.000000000e-01, v5;
	v3 =	vmul.f32 $5.000000000e-01, v3  }
0x89: {  	v6 =	vmul.f32 $5.000000000e-01, v6;
	v4 =	vmul.f32 $5.000000000e-01, v4  }
0x8a: {  	v3 =	vadd.f32 v3, v5  }
0x8b: {  	v4 =	vadd.f32 v4, v6  }
0x8c: {  	v3 =	vadd.f32 v3, v7  }
0x8d: {  	v4 =	vadd.f32 v4, v8  }
0x8e: {  	[tilespmem:s1+$0xCEF0] =	vst v3;
	v2 =	vmul.f32 v3, v2  }
0x8f: {  	[tilespmem:s1+$0xCF00] =	vst v4;
	v1 =	vmul.f32 v4, v1  }
0x90: {  	s0 =	sadd.s32 $0x1, s0;
	[tilespmem:s1+$0x146F0] =	vst v2  }
0x91: {  	p0 =	sne.s32 s0, $0x40;
	[tilespmem:s1+$0x14700] =	vst v1  }
0x92: {  	[spmem:s10] =	stream.linear.scatter [tilespmem:s20], [sflag:$0x3], $0x2800, $0x38;
	[tilespmem:$0x19700] =	vst v63  }
.Ltmp4:
0x93: {  	_ =	swait.ge [sflag:s15], $0x2800;
	(pc) =	sbr.rel @p0 .LBB2_6-.Ltmp4, $3  }
0x94: {  	[sflag:s15] =	ssyncset.done $0x0  }
0x95: {  	[sflag:s15] =	ssyncadd.s32 $0xFFFFD800  }
0x96: {  	[bflag:$0x0] =	sbarrier.arrive $0xFFFF;
	_ =	sdelay $0x1  }
0x97: {  	s31 =	sadd.s32 $0x1, s31  }
0x98: {  	p0 =	sne.s32 s31, s13  }
.Ltmp5:
0x99: {  	_ = 	snop;
	(pc) =	sbr.rel @p0 .LBB2_1-.Ltmp5, $4  }
0x9a: {  	[hbm4b:s12+s4] =	stream.linear.scatter [tilespmem:s17], [sflag:$0x3], $0x2800, $0x38;
	[tilespmem:$0x19700] =	vst v63  }
0x9b: {  	_ =	swait.ge [sflag:s15], $0x2800  }
0x9c: {  	[sflag:s15] =	ssyncset.done $0x0  }
0x9d: {  	[sflag:s15] =	ssyncadd.s32 $0xFFFFD800  }
0x9e: {  	_ =	sfence.sel $0x180000  }
0x9f: {  	[bflag:$0x0] =	sbarrier.arrive $0xFFFF  }
0xa0: {  	_ =	strace $0x9000004D  }
0xa1: {  	s0 =	stileid.u32;
	[bflag:$0x2] =	sbarrier.arrive $0xFFFF  }
0xa2: {  	p0 =	sne.s32 s0, $0x0;
	s0 =	rddreg [dreg:$0x3]  }
0xa3: {  	s0 =	sadd.s32 @!p0 $0x100000, s0  }
0xa4: {  	[sflag:s0] =	ssyncadd.tile.s32 @!p0 $0x1;
	_ =	shalt  }
.Lfunc_end2:
_tile_overlayer_lowered:
.L_overlay_start_2:
0xa5: {  	(tag) =	ssettag $0x2  }
0xa6: {  	s0 =	rddreg [dreg:$0x0];
	s2 =	stileid.u32  }
0xa7: {  	s1 =	rddreg [dreg:$0x1];
	p0 =	sne.s32 s2, $0x0  }
0xa8: {  	s3 =	rddreg [dreg:$0x2];
	[bflag:$0x3] =	sbarrier.arrive $0xFFFF;
	s2 =	simm.s32 @!p0 $0x1C03  }
0xa9: {  	[timem:s3], [sflag:s2] =	dma.local @!p0 [hbm:s0], s1  }
0xaa: {  	s0 =	simm.s32 @!p0 $0x3  }
0xab: {  	_ =	swait.ge @!p0 [sflag:s0], s1  }
0xac: {  	s1 =	ssub.s32 @!p0 $0x0, s1;
	[sflag:s0] =	ssyncset.done @!p0 $0x0  }
0xad: {  	[sflag:s0] =	ssyncadd.s32 @!p0 s1  }
0xae: {  	[bflag:$0x3] =	sbarrier.arrive $0xFFFF  }
0xaf: {  	_ =	shalt  }

// kernel: kernel.8.cloned.1.call-start
scs
__scs_entry_jumppad:
0x0: {  	(pc) =	sbr.rel $0x88, $3  }
0x1: {  	(tag) =	ssettag $0x0;
	lr =	simm.s32 $0x1  }
0x2: {  	[smem:$0x3F8F] =	sst lr;
	_ =	strace $0xD0000000  }
0x3: {  	_ = 	snop  }
0x4: {  	_ = 	snop  }
0x5: {  	_ = 	snop  }
0x6: {  	_ = 	snop  }
0x7: {  	_ = 	snop  }
__scs_overlays_trampoline_lowered:
0x8: {  	[smem:$0x3F9E] =	sst s0  }
0x9: {  	[smem:$0x3F9F] =	sst s1  }
0xa: {  	[smem:$0x3FA0] =	sst s2  }
0xb: {  	[smem:$0x3FA1] =	sst s3  }
0xc: {  	[smem:$0x3FA2] =	sst s4  }
0xd: {  	[smem:$0x3FA3] =	sst s5  }
0xe: {  	[smem:$0x3FA4] =	sst s6  }
0xf: {  	[smem:$0x3FA5] =	sst s7  }
0x10: {  	[smem:$0x3FA6] =	sst s8  }
0x11: {  	[smem:$0x3FA7] =	sst s9;
	s0 =	simm.s32 @!p0 $0x0  }
0x12: {  	s1 =	sld [smem:$0x3F8D];
	s0 =	simm.s32 @p0 $0x1  }
0x13: {  	[smem:$0x3FA8] =	sst s0;
	s0 =	simm.s32 @!p1 $0x0  }
0x14: {  	s2 =	sld [smem:$0x3F8C];
	s0 =	simm.s32 @p1 $0x1  }
0x15: {  	[smem:$0x3FA9] =	sst s0;
	s0 =	simm.s32 @!p2 $0x0  }
0x16: {  	s3 =	sld [smem:$0x3FDB];
	s0 =	simm.s32 @p2 $0x1  }
0x17: {  	s4 =	simm.s32 $0x1BF5;
	[smem:$0x3FAB] =	sst s0  }
0x18: {  	s0 =	sld [smem:$0x3F8E];
	_ =	swait.ge [sflag:s4], $0x0  }
0x19: {  	s7 =	sld [smem:$0x3F8F]  }
0x1a: {  	s8 =	sadd.s32 $0xFFFFE003, lr  }
0x1b: {  	s9 =	sadd.s32 $0xFFFFFEF7, lr;
	s5 =	simm.s32 $0xFFFFFFFF;
	p2 =	slt.u32 s8, $0xFFFFF086  }
0x1c: {  	p1 =	slt.u32 s9, $0xF7A;
	s5 =	simm.s32 @!p2 $0x0  }
0x1d: {  	s5 =	simm.s32 @p1 $0x1;
	p0 =	seq.s32 s7, s2  }
0x1e: {  	s7 =	smul.u32 @!p0 $0xF7A, s2;
	p2 =	seq.s32 @!p0 s5, $0x0  }
0x1f: {  	s9 =	smul.u32 $0xF7A, s1;
	s8 =	simm.s32 @!p0 $0x1BF5;
	p2 =	por !p2, p0  }
0x20: {  	[sflag:s8] =	ssyncset.s32 @!p0 $0xFFFFF086;
	s6 =	sadd.s32 @!p0 s3, s7;
	s7 =	simm.s32 @!p0 $0x108  }
0x21: {  	s3 =	sadd.s32 s3, s9;
	s6 =	sadd.s32 @!p0 $0x88, s6;
	s7 =	simm.s32 @p2 $0x1082  }
0x22: {  	[simem:s7], [sflag:s8] =	dma.local @!p0 [hbm:s6], $0xF7A  }
0x23: {  	s9 =	sor.u32 $0xD0000000, s2;
	s6 =	simm.s32 $0x108;
	_ =	swait.ge @!p0 [sflag:s8], $0x0  }
0x24: {  	s3 =	sadd.s32 $0x88, s3;
	s6 =	simm.s32 @!p1 $0x1082;
	[sflag:s4] =	ssyncset.s32 $0xFFFFF086  }
0x25: {  	[simem:s6], [sflag:s4] =	dma.local [hbm:s3], $0xF7A  }
0x26: {  	[smem:$0x3F8F] =	sst s1;
	(tag) =	ssettag s2;
	_ =	strace s9  }
0x27: {  	s1 =	sld [smem:$0x3F9F]  }
0x28: {  	s2 =	sld [smem:$0x3FA0]  }
0x29: {  	s4 =	sld [smem:$0x3FA2]  }
0x2a: {  	p0 =	seq.s32 s5, $0x0;
	s5 =	sld [smem:$0x3FA3]  }
0x2b: {  	s6 =	sld [smem:$0x3FA4]  }
0x2c: {  	s7 =	sld [smem:$0x3FA5]  }
0x2d: {  	s3 =	simm.s32 $0x108;
	s8 =	sld [smem:$0x3FA6]  }
0x2e: {  	s3 =	simm.s32 @!p0 $0x1082;
	s9 =	sld [smem:$0x3FA7]  }
0x2f: {  	lr =	sadd.s32 s0, s3;
	s0 =	sld [smem:$0x3F9E]  }
0x30: {  	s3 =	sld [smem:$0x3FA1]  }
0x31: {  	[smem:$0x3FAA] =	sst s10  }
0x32: {  	s10 =	sld [smem:$0x3FA8];
	_ =	sdelay $0x3  }
0x33: {  	p0 =	seq.s32 s10, $0x1;
	s10 =	sld [smem:$0x3FAA];
	_ =	sdelay $0x3  }
0x34: {  	[smem:$0x3FAA] =	sst s10  }
0x35: {  	s10 =	sld [smem:$0x3FA9];
	_ =	sdelay $0x3  }
0x36: {  	p1 =	seq.s32 s10, $0x1;
	s10 =	sld [smem:$0x3FAA];
	_ =	sdelay $0x3  }
0x37: {  	[smem:$0x3FAA] =	sst s10  }
0x38: {  	s10 =	sld [smem:$0x3FAB]  }
0x39: {  	_ = 	snop;
	(pc) =	sbr.ind lr, $3  }
0x3a: {  	_ = 	snop  }
0x3b: {  	_ = 	snop  }
0x3c: {  	p2 =	seq.s32 s10, $0x1;
	s10 =	sld [smem:$0x3FAA]  }
0x3d: {  	_ =	shalt  }
0x3e: {  	_ =	shalt  }
0x3f: {  	_ =	shalt  }
0x40: {  	_ =	shalt  }
0x41: {  	_ =	shalt  }
0x42: {  	_ =	shalt  }
0x43: {  	_ =	shalt  }
0x44: {  	_ =	shalt  }
0x45: {  	_ =	shalt  }
0x46: {  	_ =	shalt  }
0x47: {  	_ =	shalt  }
0x48: {  	_ =	shalt  }
0x49: {  	_ =	shalt  }
0x4a: {  	_ =	shalt  }
0x4b: {  	_ =	shalt  }
0x4c: {  	_ =	shalt  }
0x4d: {  	_ =	shalt  }
0x4e: {  	_ =	shalt  }
0x4f: {  	_ =	shalt  }
0x50: {  	_ =	shalt  }
0x51: {  	_ =	shalt  }
0x52: {  	_ =	shalt  }
0x53: {  	_ =	shalt  }
0x54: {  	_ =	shalt  }
0x55: {  	_ =	shalt  }
0x56: {  	_ =	shalt  }
0x57: {  	_ =	shalt  }
0x58: {  	_ =	shalt  }
0x59: {  	_ =	shalt  }
0x5a: {  	_ =	shalt  }
0x5b: {  	_ =	shalt  }
0x5c: {  	_ =	shalt  }
0x5d: {  	_ =	shalt  }
0x5e: {  	_ =	shalt  }
0x5f: {  	_ =	shalt  }
0x60: {  	_ =	shalt  }
0x61: {  	_ =	shalt  }
0x62: {  	_ =	shalt  }
0x63: {  	_ =	shalt  }
0x64: {  	_ =	shalt  }
0x65: {  	_ =	shalt  }
0x66: {  	_ =	shalt  }
0x67: {  	_ =	shalt  }
0x68: {  	_ =	shalt  }
0x69: {  	_ =	shalt  }
0x6a: {  	_ =	shalt  }
0x6b: {  	_ =	shalt  }
0x6c: {  	_ =	shalt  }
0x6d: {  	_ =	shalt  }
0x6e: {  	_ =	shalt  }
0x6f: {  	_ =	shalt  }
0x70: {  	_ =	shalt  }
0x71: {  	_ =	shalt  }
0x72: {  	_ =	shalt  }
0x73: {  	_ =	shalt  }
0x74: {  	_ =	shalt  }
0x75: {  	_ =	shalt  }
0x76: {  	_ =	shalt  }
0x77: {  	_ =	shalt  }
0x78: {  	_ =	shalt  }
0x79: {  	_ =	shalt  }
0x7a: {  	_ =	shalt  }
0x7b: {  	_ =	shalt  }
0x7c: {  	_ =	shalt  }
0x7d: {  	_ =	shalt  }
0x7e: {  	_ =	shalt  }
0x7f: {  	_ =	shalt  }
0x80: {  	_ =	shalt  }
0x81: {  	_ =	shalt  }
0x82: {  	_ =	shalt  }
0x83: {  	_ =	shalt  }
0x84: {  	_ =	shalt  }
0x85: {  	_ =	shalt  }
0x86: {  	_ =	shalt  }
0x87: {  	_ =	shalt  }
.Lfunc_end0:
.L_simem_size_0:
called_computation_lowered:
.L_overlay_start_0:
0x88: {  	s2 =	sld [smem:$0x3FD9]  }
0x89: {  	s3 =	sld [smem:$0x3FFE];
	_ =	sdelay $0x1  }
0x8a: {  	s1 =	srdreg.scid  }
0x8b: {  	s0 =	sand.u32 $0x1, s1  }
0x8c: {  	s16 =	sshll.u32 s0, $0xA;
	s2 =	sadd.s32 s3, s2  }
0x8d: {  	s2 =	sadd.s32 s2, s16  }
0x8e: {  	[smem:$0x3FB6] =	sst s2  }
0x8f: {  	_ = 	snop  }
0x90: {  	(tm) =	ssettm $0x1  }
0x91: {  	s17 =	sld [smem:$0x3FFB];
	_ =	sdelay $0x3  }
0x92: {  	_ =	strace s17  }
0x93: {  	s2 =	sld [smem:$0x3FFC];
	_ =	sdelay $0x3  }
0x94: {  	_ =	strace s2  }
0x95: {  	s2 =	sld [smem:$0x3FFD];
	_ =	sdelay $0x3  }
0x96: {  	_ =	strace s2  }
0x97: {  	_ =	strace $0x8FFFFFFF  }
0x98: {  	s18 =	sld [smem:$0x3FDB];
	_ =	sdelay $0x1  }
0x99: {  	s19 =	simm.s32 $_scs_section_size  }
0x9a: {  	s4 =	simm.s32 $_size__tile_overlayer_lowered;
	s5 =	simm.s32 $_tile_overlayer_lowered  }
0x9b: {  	s22 =	simm.s32 $0x1BFF;
	s21 =	sshll.u32 s5, $0x1;
	s2 =	sadd.s32 s19, s18  }
0x9c: {  	s6 =	simm.s32 $0x0;
	s20 =	sshll.u32 s4, $0x1;
	s4 =	sadd.s32 s21, s2  }
0x9d: {  	[timem:s6], [sflag:s22] =	dma.local [hbm:s4], s20  }
0x9e: {  	_ =	swait.ge [sflag:s22], s20  }
0x9f: {  	s3 =	ssub.s32 $0x0, s20;
	[sflag:s22] =	ssyncset.done $0x0  }
0xa0: {  	[sflag:s22] =	ssyncadd.s32 s3;
	_ =	sdelay $0x1  }
0xa1: {  	s23 =	simm.s32 $0x1B8B  }
0xa2: {  	_ =	swait.ge [sflag:s23], $0x1  }
0xa3: {  	[sflag:s23] =	ssyncset.done $0x0  }
0xa4: {  	s25 =	simm.s32 $0x1B8E;
	s24 =	sld [smem:$0x3FFE];
	[sflag:s23] =	ssyncadd.s32 $0xFFFFFFFF  }
0xa5: {  	s26 =	simm.s32 $execute0_lowered;
	[smem:$0x3FD2] =	sst s25  }
0xa6: {  	s4 =	sshll.u32 s26, $0x1;
	_ =	strace $0x80000046;
	[dreg:$0x1] =	wrdreg $0xFFFFFFFF  }
0xa7: {  	s28 =	simm.s32 $_size_execute0_lowered;
	s2 =	sadd.s32 s2, s4;
	[dreg:$0x0] =	wrdreg $0x0  }
0xa8: {  	s4 =	sshll.u32 s28, $0x1;
	[dreg:$0x2] =	wrdreg s2  }
0xa9: {  	[dreg:$0x3] =	wrdreg s4  }
0xaa: {  	[dreg:$0x4] =	wrdreg $0xC0  }
0xab: {  	_ =	task [dreg:s6], $0x5FFFF  }
0xac: {  	[dreg:$0x1] =	wrdreg $0xFFFFFFFF  }
0xad: {  	[dreg:$0x0] =	wrdreg $0x60  }
0xae: {  	[dreg:$0x2] =	wrdreg s24  }
0xaf: {  	[dreg:$0x3] =	wrdreg $0x0  }
0xb0: {  	[dreg:$0x4] =	wrdreg $0x9  }
0xb1: {  	_ =	task.clear_ibuf [dreg:s6], $0x5FFFF;
	_ =	strace $0x90000046  }
0xb2: {  	s29 =	simm.s32 $0x9;
	_ =	strace $0x80000048  }
0xb3: {  	_ =	swait.ge [sflag:s29], $0x1  }
0xb4: {  	[sflag:s29] =	ssyncadd.s32 $0xFFFFFFFF  }
0xb5: {  	_ =	strace $0x90000048  }
0xb6: {  	_ =	sfence  }
0xb7: {  	s30 =	sld [smem:$0x0];
	_ =	sdelay $0x2  }
0xb8: {  	s31 =	sshll.u32 s1, $0xD;
	s1 =	sshrl.u32 s1, $0x2  }
0xb9: {  	s3 =	sand.u32 $0x4000, s31;
	s1 =	sadd.s32 s1, s30  }
0xba: {  	s0 =	sor.u32 s3, s0;
	s1 =	sshll.u32 s1, $0x11  }
0xbb: {  	s0 =	sor.u32 s1, s0  }
0xbc: {  	s0 =	sadd.s32 $0x8F2B, s0  }
0xbd: {  	[sflag:s0] =	ssyncadd.remote.s32 $0x1  }
0xbe: {  	_ =	sfence.sel $0xFFFF  }
0xbf: {  	[dreg:$0x0] =	wrdreg $0xFFFFFFFF;
	(pc) =	sbr.abs _section_cstart, $3  }
0xc0: {  	[dreg:$0x1] =	wrdreg $0xFFFFFFFF  }
0xc1: {  	_ =	task.clear_ibuf [dreg:s6], $0x2FFFF;
	_ =	strace $0x9FFFFFFF  }
0xc2: {  	(tm) =	ssettm $0x7FFFFFFF  }
0xc3: {  	_ =	shalt  }
tec
execute0_lowered:
.L_overlay_start_1:
0x0: {  	(tag) =	ssettag $0x1  }
0x1: {  	s1 =	srdreg.scid  }
0x2: {  	s1 =	sand.u32 $0x1, s1  }
0x3: {  	p0 =	seq.s32 s1, $0x1  }
.Ltmp0:
0x4: {  	_ = 	snop;
	(pc) =	sbr.rel @p0 .LBB2_8-.Ltmp0, $4  }
0x5: {  	s3 =	rddreg [dreg:$0x0]  }
0x6: {  	s2 =	rddreg [dreg:$0x1];
	s6 =	simm.s32 $0x0  }
0x7: {  	[smem:$0x7FF] =	sst s6  }
0x8: {  	s0 =	rddreg [dreg:$0x2];
	_ =	strace $0x80000047;
	s1 =	stileid.u32  }
0x9: {  	s4 =	smul.u32 $0x2800, s1;
	_ =	sdelay $0x1  }
0xa: {  	s7 =	smul.u32 $0x4F0, s1;
	s5 =	sshrl.u32 s4, $0x3  }
0xb: {  	s8 =	sadd.s32 $0x3600, s3;
	s31 =	sadd.s32 s5, s3  }
0xc: {  	v0 =	vimm.f32 $0.0e+00;
	s4 =	sadd.s32 s4, s2;
	s5 =	sadd.s32 s8, s7;
	s3 =	sadd.s32 $0x8600, s31  }
.LBB2_2:
0xd: {  	p0 =	sne.s32 s6, $0x9FC0  }
.Ltmp1:
0xe: {  	_ = 	snop;
	(pc) =	sbr.rel @p0 .LBB2_2-.Ltmp1, $3  }
0xf: {  	_ =	sdelay $0x1  }
0x10: {  	s7 =	sshra.s32 s6, $0x2  }
0x11: {  	s6 =	sadd.s32 $0x40, s6;
	[tilespmem:s7+$0x5780] =	vst v0  }
0x12: {  	v0 =	vimm.f32 $1.000000000e+00;
	s6 =	simm.s32 $0x40;
	s7 =	simm.s32 $0x0  }
.LBB2_4:
0x13: {  	p0 =	sne.s32 s6, $0x1FC0;
	[tilespmem:s7+$0x4F80] =	vst v0;
	s7 =	smov.u32 s6;
	s6 =	sadd.s32 $0x40, s6  }
.Ltmp2:
0x14: {  	(pc) =	sbr.rel @p0 .LBB2_4-.Ltmp2, $2  }
0x15: {  	_ =	sdelay $0x2  }
0x16: {  	s7 =	sshra.s32 s7, $0x2  }
0x17: {  	[tilespmem:s7+$0x4F80] =	vst v0;
	s6 =	simm.s32 $0x0;
	s30 =	simm.s32 $0x2800  }
0x18: {  	[tilespmem:s30], [sflag:$0x1] =	stream.linear.gather [hbm4b:s5+s6], $0x2780, $0x38;
	[tilespmem:$0x7F80] =	vst v63  }
0x19: {  	s5 =	simm.s32 $0x1  }
0x1a: {  	_ =	swait.ge [sflag:s5], $0x2780  }
0x1b: {  	[sflag:s5] =	ssyncset.done $0x0  }
0x1c: {  	s31 =	simm.s32 $0x5780;
	[sflag:s5] =	ssyncadd.s32 $0xFFFFD880  }
0x1d: {  	[spmem:s4] =	stream.linear.scatter [tilespmem:s31], [sflag:$0x1], $0x2800, $0x38;
	[tilespmem:$0x7F80] =	vst v63  }
0x1e: {  	_ =	swait.ge [sflag:s5], $0x2800  }
0x1f: {  	[sflag:s5] =	ssyncset.done $0x0  }
0x20: {  	s7 =	simm.s32 $0x4F80;
	[sflag:s5] =	ssyncadd.s32 $0xFFFFD800  }
0x21: {  	s8 =	simm.s32 $0x2800;
	s6 =	simm.s32 $0x80;
	[bflag:$0x0] =	sbarrier.arrive $0xFFFF  }
0x22: {  	[spmem:s2] =	stream.indirect.scatter.add.f32 [tilespmem:s7], [sflag:$0x1], $0x10, s8, s6, $0xb8;
	[tilespmem:$0x7F80] =	vst v63  }
0x23: {  	s8 =	simm.s32 $0x200;
	_ =	swait.ge [sflag:s5], $0x800  }
.LBB2_6:
0x24: {  	s9 =	sshra.s32 s8, $0x2;
	[sflag:s5] =	ssyncset.done $0x0;
	p0 =	sne.s32 s8, $0x9C00  }
.Ltmp3:
0x25: {  	s9 =	sadd.s32 $0x2800, s9;
	[sflag:s5] =	ssyncadd.s32 $0xFFFFF800;
	(pc) =	sbr.rel @p0 .LBB2_6-.Ltmp3, $3  }
0x26: {  	[spmem:s2] =	stream.indirect.scatter.add.f32 [tilespmem:s7], [sflag:$0x1], $0x10, s9, s6, $0xb8;
	[tilespmem:$0x7F80] =	vst v63  }
0x27: {  	s8 =	sadd.s32 $0x200, s8;
	_ =	sdelay $0x1  }
0x28: {  	_ =	swait.ge [sflag:s5], $0x800  }
0x29: {  	[sflag:s5] =	ssyncset.done $0x0  }
0x2a: {  	[sflag:s5] =	ssyncadd.s32 $0xFFFFF800  }
0x2b: {  	s2 =	simm.s32 $0x5780;
	s30 =	simm.s32 $0x1;
	[bflag:$0x0] =	sbarrier.arrive $0xFFFF  }
0x2c: {  	[tilespmem:s2], [sflag:$0x1] =	stream.linear.gather [spmem:s4], $0x2800, $0x38;
	[tilespmem:$0x7F80] =	vst v63  }
0x2d: {  	_ =	swait.ge [sflag:s30], $0x2800  }
0x2e: {  	[sflag:s30] =	ssyncset.done $0x0  }
0x2f: {  	s31 =	simm.s32 $0x0;
	[sflag:s30] =	ssyncadd.s32 $0xFFFFD800  }
0x30: {  	[hbm4b:s3+s31] =	stream.linear.scatter [tilespmem:s2], [sflag:$0x1], $0x2800, $0x38;
	[tilespmem:$0x7F80] =	vst v63  }
0x31: {  	_ =	swait.ge [sflag:s30], $0x2800  }
0x32: {  	[sflag:s30] =	ssyncset.done $0x0  }
0x33: {  	[sflag:s30] =	ssyncadd.s32 $0xFFFFD800  }
.LBB2_8:
0x34: {  	_ =	sfence.sel $0x180000  }
0x35: {  	[bflag:$0x0] =	sbarrier.arrive $0xFFFF  }
0x36: {  	p0 =	sne.s32 s1, $0x0;
	_ =	strace $0x90000047  }
0x37: {  	s0 =	sadd.s32 @!p0 $0x100000, s0;
	[bflag:$0x2] =	sbarrier.arrive $0xFFFF  }
0x38: {  	[sflag:s0] =	ssyncadd.tile.s32 @!p0 $0x1;
	_ =	shalt  }
.Lfunc_end2:
_tile_overlayer_lowered:
.L_overlay_start_2:
0x39: {  	(tag) =	ssettag $0x2  }
0x3a: {  	s0 =	rddreg [dreg:$0x0];
	s2 =	stileid.u32  }
0x3b: {  	s1 =	rddreg [dreg:$0x1];
	p0 =	sne.s32 s2, $0x0  }
0x3c: {  	s3 =	rddreg [dreg:$0x2];
	[bflag:$0x3] =	sbarrier.arrive $0xFFFF;
	s2 =	simm.s32 @!p0 $0x1C01  }
0x3d: {  	[timem:s3], [sflag:s2] =	dma.local @!p0 [hbm:s0], s1  }
0x3e: {  	s0 =	simm.s32 @!p0 $0x1  }
0x3f: {  	_ =	swait.ge @!p0 [sflag:s0], s1  }
0x40: {  	s1 =	ssub.s32 @!p0 $0x0, s1;
	[sflag:s0] =	ssyncset.done @!p0 $0x0  }
0x41: {  	[sflag:s0] =	ssyncadd.s32 @!p0 s1  }
0x42: {  	[bflag:$0x3] =	sbarrier.arrive $0xFFFF  }
0x43: {  	_ =	shalt  }

</sc_bundles>
